<compile_context>
chip_gen: v7x
topology: tpu7x:2x2x1
jax: 0.10.2.dev20260603
libtpu: 0.0.44.dev20260713+nightly
codegen_flags: <defaults>
</compile_context>

<pallas_src>
import functools

import jax
import jax.numpy as jnp
from jax import lax
from jax.experimental import pallas as pl
from jax.experimental.pallas import tpu as pltpu
from jax.experimental.pallas import tpu_sc as plsc

_NC = 2
_NS = 16
_NW = _NC * _NS
_CHUNK = 80

_PREC = None


def _npad_for(n):
    blk = _NS * _CHUNK
    return ((n + blk - 1) // blk) * blk


def _proj_body(x_ref, w_ref, xs_ref, xt_ref):
    xb = x_ref[...]
    w = w_ref[...]
    d = xb.shape[1]
    xs_ref[...] = jnp.dot(xb, w[:d, :], precision=_PREC,
                          preferred_element_type=jnp.float32)
    xt_ref[...] = jnp.dot(xb, w[d:, :], precision=_PREC,
                          preferred_element_type=jnp.float32)


def _node_proj(x, w_ab):
    n, d = x.shape
    h = w_ab.shape[1]
    bn = 2000
    grid = (n // bn,)
    return pl.pallas_call(
        _proj_body,
        grid=grid,
        in_specs=[
            pl.BlockSpec((bn, d), lambda i: (i, 0)),
            pl.BlockSpec((2 * d, h), lambda i: (0, 0)),
        ],
        out_specs=[
            pl.BlockSpec((bn, h), lambda i: (i, 0)),
            pl.BlockSpec((bn, h), lambda i: (i, 0)),
        ],
        out_shape=[
            jax.ShapeDtypeStruct((n, h), jnp.float32),
            jax.ShapeDtypeStruct((n, h), jnp.float32),
        ],
    )(x, w_ab)


def _gather_body(e_tot, h, xs_hbm, xt_hbm, src3_hbm, dst3_hbm, out_hbm,
                 idx_s, idx_t, ra0, rb0, ob0, ra1, rb1, ob1,
                 sem0, sem1, semo0, semo1):
    c = lax.axis_index("c")
    s = lax.axis_index("s")
    wid = s * _NC + c
    ew = e_tot // _NW
    nchunk = ew // _CHUNK
    nvec = h // 16
    pltpu.sync_copy(src3_hbm.at[wid], idx_s)
    pltpu.sync_copy(dst3_hbm.at[wid], idx_t)
    slots = ((ra0, rb0, ob0, sem0, semo0), (ra1, rb1, ob1, sem1, semo1))

    def issue(k, slot):
        ra, rb, ob, sem, semo = slot
        pltpu.async_copy(xs_hbm.at[idx_s.at[k]], ra, sem)
        pltpu.async_copy(xt_hbm.at[idx_t.at[k]], rb, sem)

    def consume(k, slot):
        ra, rb, ob, sem, semo = slot
        pltpu.make_async_copy(xs_hbm.at[idx_s.at[k]], ra, sem).wait()
        pltpu.make_async_copy(xt_hbm.at[idx_t.at[k]], rb, sem).wait()
        base = wid * ew + k * _CHUNK

        @pl.when(k >= 2)
        def _():
            pltpu.make_async_copy(ob, out_hbm.at[pl.ds(base, _CHUNK)],
                                  semo).wait()

        def row(r, rc):
            for j in range(nvec):
                sl = pl.ds(j * 16, 16)
                ob[r, sl] = ra[r, sl] + rb[r, sl]
            return rc

        lax.fori_loop(0, _CHUNK, row, 0)
        pltpu.async_copy(ob, out_hbm.at[pl.ds(base, _CHUNK)], semo)

    issue(0, slots[0])
    issue(1, slots[1])

    def pair(g, carry):
        for b in range(2):
            k = g * 2 + b
            consume(k, slots[b])
            nk = k + 2

            @pl.when(nk < nchunk)
            def _():
                issue(nk, slots[b])
        return carry

    lax.fori_loop(0, nchunk // 2, pair, 0)
    if nchunk % 2 == 1:
        consume(nchunk - 1, slots[0])
    tail = wid * ew
    for b in range(2):
        pltpu.make_async_copy(slots[b][2], out_hbm.at[pl.ds(tail, _CHUNK)],
                              slots[b][4]).wait()


def _gather_add(xs, xt, src3, dst3):
    n, h = xs.shape
    e_tot = src3.shape[0] * src3.shape[1] * src3.shape[2]
    nchunk = src3.shape[1]
    mesh = plsc.VectorSubcoreMesh(core_axis_name="c", subcore_axis_name="s")
    kern = pl.kernel(
        functools.partial(_gather_body, e_tot, h),
        out_type=jax.ShapeDtypeStruct((e_tot, h), jnp.float32),
        mesh=mesh,
        scratch_types=[
            pltpu.VMEM((nchunk, _CHUNK), jnp.int32),
            pltpu.VMEM((nchunk, _CHUNK), jnp.int32),
            pltpu.VMEM((_CHUNK, h), jnp.float32),
            pltpu.VMEM((_CHUNK, h), jnp.float32),
            pltpu.VMEM((_CHUNK, h), jnp.float32),
            pltpu.VMEM((_CHUNK, h), jnp.float32),
            pltpu.VMEM((_CHUNK, h), jnp.float32),
            pltpu.VMEM((_CHUNK, h), jnp.float32),
            pltpu.SemaphoreType.DMA,
            pltpu.SemaphoreType.DMA,
            pltpu.SemaphoreType.DMA,
            pltpu.SemaphoreType.DMA,
        ],
    )
    return kern(xs, xt, src3, dst3)


def _mlp_body(pre_ref, ef_ref, w1c_ref, b1_ref, w2_ref, b2_ref, w3_ref, b3_ref,
              msg_ref):
    pre = pre_ref[...]
    ef = ef_ref[...]
    h1 = pre + jnp.dot(ef, w1c_ref[...], precision=_PREC,
                       preferred_element_type=jnp.float32) + b1_ref[...]
    h1 = jnp.maximum(h1, 0.0)
    h2 = jnp.dot(h1, w2_ref[...], precision=_PREC,
                 preferred_element_type=jnp.float32) + b2_ref[...]
    h2 = jnp.maximum(h2, 0.0)
    msg_ref[...] = jnp.dot(h2, w3_ref[...], precision=_PREC,
                           preferred_element_type=jnp.float32) + b3_ref[...]


def _edge_mlp(pre, ef, w1c, b1, w2, b2, w3, b3):
    e_tot, h = pre.shape
    de = ef.shape[1]
    d_out = w3.shape[1]
    be = 8000
    grid = (e_tot // be,)
    b1r = b1.reshape(1, h)
    b2r = b2.reshape(1, h)
    b3r = b3.reshape(1, d_out)
    return pl.pallas_call(
        _mlp_body,
        grid=grid,
        in_specs=[
            pl.BlockSpec((be, h), lambda i: (i, 0)),
            pl.BlockSpec((be, de), lambda i: (i, 0)),
            pl.BlockSpec((de, h), lambda i: (0, 0)),
            pl.BlockSpec((1, h), lambda i: (0, 0)),
            pl.BlockSpec((h, h), lambda i: (0, 0)),
            pl.BlockSpec((1, h), lambda i: (0, 0)),
            pl.BlockSpec((h, d_out), lambda i: (0, 0)),
            pl.BlockSpec((1, d_out), lambda i: (0, 0)),
        ],
        out_specs=pl.BlockSpec((be, d_out), lambda i: (i, 0)),
        out_shape=jax.ShapeDtypeStruct((e_tot, d_out), jnp.float32),
    )(pre, ef, w1c, b1r, w2, b2r, w3, b3r)


def _sums_body(e_tot, npad, d, msg_hbm, tgt3_hbm, sums_hbm,
               msg_v, msg_v1, idx_all, sum_tbl, semm0, semm1):
    c = lax.axis_index("c")
    s = lax.axis_index("s")
    wid = s * _NC + c
    ew = e_tot // _NW
    rpt = npad // _NS
    kper = rpt // _CHUNK

    def zrow(r, carry):
        for j in range(d // 16):
            msg_v[r, pl.ds(j * 16, 16)] = jnp.zeros((16,), jnp.float32)
        return carry

    lax.fori_loop(0, _CHUNK, zrow, 0)
    for k in range(kper):
        sl = pl.ds(s * rpt + k * _CHUNK, _CHUNK)
        pltpu.sync_copy(msg_v, sum_tbl.at[sl])
    plsc.subcore_barrier()

    pltpu.sync_copy(tgt3_hbm.at[wid], idx_all)
    nchunk = ew // _CHUNK
    slots = ((msg_v, semm0), (msg_v1, semm1))

    def issue(k, slot):
        mv, sem = slot
        base = wid * ew + k * _CHUNK
        pltpu.async_copy(msg_hbm.at[pl.ds(base, _CHUNK)], mv, sem)

    def consume(k, slot):
        mv, sem = slot
        base = wid * ew + k * _CHUNK
        pltpu.make_async_copy(msg_hbm.at[pl.ds(base, _CHUNK)], mv, sem).wait()
        pltpu.sync_copy(mv, sum_tbl.at[idx_all.at[k]], add=True)

    issue(0, slots[0])
    issue(1, slots[1])

    def pair(g, carry):
        for b in range(2):
            k = g * 2 + b
            consume(k, slots[b])
            nk = k + 2

            @pl.when(nk < nchunk)
            def _():
                issue(nk, slots[b])
        return carry

    lax.fori_loop(0, nchunk // 2, pair, 0)
    if nchunk % 2 == 1:
        consume(nchunk - 1, slots[0])
    plsc.subcore_barrier()

    for k in range(kper):
        sl = pl.ds(s * rpt + k * _CHUNK, _CHUNK)
        osl = pl.ds(c * npad + s * rpt + k * _CHUNK, _CHUNK)
        pltpu.sync_copy(sum_tbl.at[sl], msg_v)
        pltpu.sync_copy(msg_v, sums_hbm.at[osl])


def _scatter_sums(msg, tgt3, npad):
    e_tot, d = msg.shape
    nchunk = tgt3.shape[1]
    mesh = plsc.VectorSubcoreMesh(core_axis_name="c", subcore_axis_name="s")
    kern = pl.kernel(
        functools.partial(_sums_body, e_tot, npad, d),
        out_type=jax.ShapeDtypeStruct((_NC * npad, d), jnp.float32),
        mesh=mesh,
        scratch_types=[
            pltpu.VMEM((_CHUNK, d), jnp.float32),
            pltpu.VMEM((_CHUNK, d), jnp.float32),
            pltpu.VMEM((nchunk, _CHUNK), jnp.int32),
            pltpu.VMEM_SHARED((npad, d), jnp.float32),
            pltpu.SemaphoreType.DMA,
            pltpu.SemaphoreType.DMA,
        ],
    )
    return kern(msg, tgt3)


def _cnts_body(e_tot, npad, d, tgt3_hbm, cnts_hbm, ones_v, idx_all, cnt_tbl,
               sem):
    c = lax.axis_index("c")
    s = lax.axis_index("s")
    wid = s * _NC + c
    ew = e_tot // _NW
    rpt = npad // _NS
    kper = rpt // _CHUNK
    one16 = jnp.full((16,), 1.0, jnp.float32)
    zero16 = jnp.zeros((16,), jnp.float32)

    def zrow(r, carry):
        for j in range(d // 16):
            ones_v[r, pl.ds(j * 16, 16)] = zero16
        return carry

    lax.fori_loop(0, _CHUNK, zrow, 0)
    for k in range(kper):
        sl = pl.ds(s * rpt + k * _CHUNK, _CHUNK)
        pltpu.sync_copy(ones_v, cnt_tbl.at[sl])

    def onerow(r, carry):
        for j in range(d // 16):
            ones_v[r, pl.ds(j * 16, 16)] = one16
        return carry

    lax.fori_loop(0, _CHUNK, onerow, 0)
    plsc.subcore_barrier()

    pltpu.sync_copy(tgt3_hbm.at[wid], idx_all)
    nchunk = ew // _CHUNK
    grp = 5

    def group_fn(g, carry):
        for b in range(grp):
            k = g * grp + b
            pltpu.async_copy(ones_v, cnt_tbl.at[idx_all.at[k]], sem,
                             add=True)
        for b in range(grp):
            k = g * grp + b
            pltpu.make_async_copy(ones_v, cnt_tbl.at[idx_all.at[k]],
                                  sem).wait()
        return carry

    lax.fori_loop(0, nchunk // grp, group_fn, 0)
    plsc.subcore_barrier()

    for k in range(kper):
        sl = pl.ds(s * rpt + k * _CHUNK, _CHUNK)
        osl = pl.ds(c * npad + s * rpt + k * _CHUNK, _CHUNK)
        pltpu.sync_copy(cnt_tbl.at[sl], ones_v)
        pltpu.sync_copy(ones_v, cnts_hbm.at[osl])


def _scatter_counts(tgt3, npad, d):
    e_tot = tgt3.shape[0] * tgt3.shape[1] * tgt3.shape[2]
    nchunk = tgt3.shape[1]
    mesh = plsc.VectorSubcoreMesh(core_axis_name="c", subcore_axis_name="s")
    kern = pl.kernel(
        functools.partial(_cnts_body, e_tot, npad, d),
        out_type=jax.ShapeDtypeStruct((_NC * npad, d), jnp.float32),
        mesh=mesh,
        scratch_types=[
            pltpu.VMEM((_CHUNK, d), jnp.float32),
            pltpu.VMEM((nchunk, _CHUNK), jnp.int32),
            pltpu.VMEM_SHARED((npad, d), jnp.float32),
            pltpu.SemaphoreType.DMA,
        ],
    )
    return kern(tgt3)


def _final_body(x_ref, s0_ref, s1_ref, c0_ref, c1_ref, o_ref):
    ssum = s0_ref[...] + s1_ref[...]
    cnt = c0_ref[...] + c1_ref[...]
    o_ref[...] = x_ref[...] + ssum / jnp.maximum(cnt, 1.0)


def _finalize(x, sums, cnts, npad):
    n, d = x.shape
    bn = 2000
    grid = ((n + bn - 1) // bn,)
    s0, s1 = sums[:npad], sums[npad:]
    c0, c1 = cnts[:npad], cnts[npad:]
    return pl.pallas_call(
        _final_body,
        grid=grid,
        in_specs=[
            pl.BlockSpec((bn, d), lambda i: (i, 0)),
            pl.BlockSpec((bn, d), lambda i: (i, 0)),
            pl.BlockSpec((bn, d), lambda i: (i, 0)),
            pl.BlockSpec((bn, d), lambda i: (i, 0)),
            pl.BlockSpec((bn, d), lambda i: (i, 0)),
        ],
        out_specs=pl.BlockSpec((bn, d), lambda i: (i, 0)),
        out_shape=jax.ShapeDtypeStruct((n, d), jnp.float32),
    )(x, s0, s1, c0, c1)


def kernel(x, edge_index, edge_feat, W1, b1, W2, b2, W3, b3):
    n, d = x.shape
    src = edge_index[0]
    dst = edge_index[1]
    w_ab = W1[: 2 * d, :]
    w1c = W1[2 * d:, :]
    npad = _npad_for(n)

    e_tot = src.shape[0]
    ew = e_tot // _NW
    src3 = src.reshape(_NW, ew // _CHUNK, _CHUNK)
    dst3 = dst.reshape(_NW, ew // _CHUNK, _CHUNK)

    xs, xt = _node_proj(x, w_ab)
    pre = _gather_add(xs, xt, src3, dst3)
    cnts = _scatter_counts(dst3, npad, d)
    msg = _edge_mlp(pre, edge_feat, w1c, b1, W2, b2, W3, b3)
    sums = _scatter_sums(msg, dst3, npad)
    return _finalize(x, sums, cnts, npad)

# --- scband reference (transcript-rebuilt; emitter-appended) ---
"""Pipeline reference for scband-message-79345225826318 (READ-ONLY COPY).

The authoritative reference and input builder live on the scoring server;
editing this copy changes nothing except your own understanding.
"""

import jax, jax.numpy as jnp
import numpy as np

N = 10000
D = 128
DE = 16
E = 320000
H = 128
TOT = D * 2 + DE


def setup_inputs(seed: int = 0) -> dict:
    key = jax.random.key(seed)
    ks = jax.random.split(key, 10)
    x = jax.random.normal(ks[0], (N, D), dtype=jnp.float32)
    edge_index = jax.random.randint(ks[1], (2, E), 0, N, dtype=jnp.int32)
    edge_feat = jax.random.normal(ks[2], (E, DE), dtype=jnp.float32)
    s1 = 1.0 / np.sqrt(TOT)
    s2 = 1.0 / np.sqrt(H)
    W1 = jax.random.uniform(ks[3], (TOT, H), jnp.float32, -s1, s1)
    b1 = jax.random.uniform(ks[4], (H,), jnp.float32, -s1, s1)
    W2 = jax.random.uniform(ks[5], (H, H), jnp.float32, -s2, s2)
    b2 = jax.random.uniform(ks[6], (H,), jnp.float32, -s2, s2)
    W3 = jax.random.uniform(ks[7], (H, D), jnp.float32, -s2, s2)
    b3 = jax.random.uniform(ks[8], (D,), jnp.float32, -s2, s2)
    return {"x": x, "edge_index": edge_index, "edge_feat": edge_feat,
            "W1": W1, "b1": b1, "W2": W2, "b2": b2, "W3": W3, "b3": b3}


def reference(x, edge_index, edge_feat, W1, b1, W2, b2, W3, b3):
    res = x
    source = edge_index[0]
    target = edge_index[1]
    # gather endpoint features and concat with edge features
    edge = jnp.concatenate([x[source], x[target], edge_feat], axis=-1)
    # 3-layer MLP message function
    h = jax.nn.relu(edge @ W1 + b1)
    h = jax.nn.relu(h @ W2 + b2)
    message = h @ W3 + b3
    # scatter-mean over destination nodes (with E=32*N random targets, target.max()+1 == N w.h.p.)
    n_seg = x.shape[0]
    msum = jax.ops.segment_sum(message, target, num_segments=n_seg)
    cnt = jax.ops.segment_sum(jnp.ones((target.shape[0],), jnp.float32), target, num_segments=n_seg)
    update = msum / jnp.clip(cnt, 1.0, None)[:, None]
    return res + update

if __name__ == "__main__":
    import jax
    _d = setup_inputs()
    print(jax.jit(kernel)(*tuple(_d.values())))

</pallas_src>

<mosaic_0001>
#map = affine_map<(d0, d1) -> (0, 0)>
#map1 = affine_map<(d0, d1) -> (0, 0, 0)>
module attributes {stable_mosaic.version = 14 : i64} {
  func.func @_gather_body(%arg0: i32, %arg1: i32, %arg2: memref<10000x128xf32, #tpu.memory_space<hbm>>, %arg3: memref<10000x128xf32, #tpu.memory_space<hbm>>, %arg4: memref<32x125x80xi32, #tpu.memory_space<hbm>>, %arg5: memref<32x125x80xi32, #tpu.memory_space<hbm>>, %arg6: memref<320000x128xf32, #tpu.memory_space<hbm>>, %arg7: memref<125x80xi32, #tpu.memory_space<vmem>>, %arg8: memref<125x80xi32, #tpu.memory_space<vmem>>, %arg9: memref<80x128xf32, #tpu.memory_space<vmem>>, %arg10: memref<80x128xf32, #tpu.memory_space<vmem>>, %arg11: memref<80x128xf32, #tpu.memory_space<vmem>>, %arg12: memref<80x128xf32, #tpu.memory_space<vmem>>, %arg13: memref<80x128xf32, #tpu.memory_space<vmem>>, %arg14: memref<80x128xf32, #tpu.memory_space<vmem>>, %arg15: memref<!tpu.dma_semaphore, #tpu.memory_space<semaphore_mem>>, %arg16: memref<!tpu.dma_semaphore, #tpu.memory_space<semaphore_mem>>, %arg17: memref<!tpu.dma_semaphore, #tpu.memory_space<semaphore_mem>>, %arg18: memref<!tpu.dma_semaphore, #tpu.memory_space<semaphore_mem>>) attributes {dimension_semantics = [#tpu.dimension_semantics<core_parallel>, #tpu.dimension_semantics<subcore_parallel>], iteration_bounds = array<i64: 2, 16>, scalar_prefetch = 0 : i64, scratch_operands = 12 : i64, tpu.core_type = #tpu.core_type<sc_vector_subcore>, window_params = [{transform_indices = #map}, {transform_indices = #map}, {transform_indices = #map1}, {transform_indices = #map1}, {transform_indices = #map}]} {
    %mul3A = arith.constant 2 : i32
    %mul3A_0 = arith.muli %arg1, %mul3A : i32
    %add3A = arith.addi %mul3A_0, %arg0 : i32
    "tpu.region"() ({
      %run_scoped3A = tpu.sem_alloc : memref<!tpu.dma_semaphore, #tpu.memory_space<semaphore_mem>>
      %dma_start3A_74 = arith.constant 0 : i32
      %dma_start3A_75 = arith.constant 0 : i32
      %dma_start3A_76 = tpu.memref_slice %arg4[%add3A, %dma_start3A_74, %dma_start3A_75] : memref<32x125x80xi32, #tpu.memory_space<hbm>> -> memref<1x125x80xi32, #tpu.memory_space<hbm>>
      %dma_start3A_77 = tpu.memref_squeeze %dma_start3A_76 : memref<1x125x80xi32, #tpu.memory_space<hbm>> -> memref<125x80xi32, #tpu.memory_space<hbm>>
      %dma_start3A_78 = arith.constant 0 : i32
      %dma_start3A_79 = arith.constant 0 : i32
      %dma_start3A_80 = tpu.memref_slice %arg4[%add3A, %dma_start3A_78, %dma_start3A_79] : memref<32x125x80xi32, #tpu.memory_space<hbm>> -> memref<1x125x80xi32, #tpu.memory_space<hbm>>
      %dma_start3A_81 = tpu.memref_squeeze %dma_start3A_80 : memref<1x125x80xi32, #tpu.memory_space<hbm>> -> memref<125x80xi32, #tpu.memory_space<hbm>>
      tpu.enqueue_dma source(%dma_start3A_81 : memref<125x80xi32, #tpu.memory_space<hbm>>) target(%arg7 : memref<125x80xi32, #tpu.memory_space<vmem>>) target_semaphore(%run_scoped3A : memref<!tpu.dma_semaphore, #tpu.memory_space<semaphore_mem>>)
      %dma_wait3A_82 = arith.constant 0 : i32
      %dma_wait3A_83 = arith.constant 0 : i32
      %dma_wait3A_84 = tpu.memref_slice %arg4[%add3A, %dma_wait3A_82, %dma_wait3A_83] : memref<32x125x80xi32, #tpu.memory_space<hbm>> -> memref<1x125x80xi32, #tpu.memory_space<hbm>>
      %dma_wait3A_85 = tpu.memref_squeeze %dma_wait3A_84 : memref<1x125x80xi32, #tpu.memory_space<hbm>> -> memref<125x80xi32, #tpu.memory_space<hbm>>
      %dma_wait3A_86 = arith.constant 0 : i32
      %dma_wait3A_87 = arith.constant 0 : i32
      %dma_wait3A_88 = tpu.memref_slice %arg4[%add3A, %dma_wait3A_86, %dma_wait3A_87] : memref<32x125x80xi32, #tpu.memory_space<hbm>> -> memref<1x125x80xi32, #tpu.memory_space<hbm>>
      %dma_wait3A_89 = tpu.memref_squeeze %dma_wait3A_88 : memref<1x125x80xi32, #tpu.memory_space<hbm>> -> memref<125x80xi32, #tpu.memory_space<hbm>>
      tpu.wait_dma2 semaphore(%run_scoped3A : memref<!tpu.dma_semaphore, #tpu.memory_space<semaphore_mem>>) src(%dma_wait3A_89 : memref<125x80xi32, #tpu.memory_space<hbm>>) dst(%arg7 : memref<125x80xi32, #tpu.memory_space<vmem>>)
      tpu.yield
    }) : () -> ()
    "tpu.region"() ({
      %run_scoped3A = tpu.sem_alloc : memref<!tpu.dma_semaphore, #tpu.memory_space<semaphore_mem>>
      %dma_start3A_74 = arith.constant 0 : i32
      %dma_start3A_75 = arith.constant 0 : i32
      %dma_start3A_76 = tpu.memref_slice %arg5[%add3A, %dma_start3A_74, %dma_start3A_75] : memref<32x125x80xi32, #tpu.memory_space<hbm>> -> memref<1x125x80xi32, #tpu.memory_space<hbm>>
      %dma_start3A_77 = tpu.memref_squeeze %dma_start3A_76 : memref<1x125x80xi32, #tpu.memory_space<hbm>> -> memref<125x80xi32, #tpu.memory_space<hbm>>
      %dma_start3A_78 = arith.constant 0 : i32
      %dma_start3A_79 = arith.constant 0 : i32
      %dma_start3A_80 = tpu.memref_slice %arg5[%add3A, %dma_start3A_78, %dma_start3A_79] : memref<32x125x80xi32, #tpu.memory_space<hbm>> -> memref<1x125x80xi32, #tpu.memory_space<hbm>>
      %dma_start3A_81 = tpu.memref_squeeze %dma_start3A_80 : memref<1x125x80xi32, #tpu.memory_space<hbm>> -> memref<125x80xi32, #tpu.memory_space<hbm>>
      tpu.enqueue_dma source(%dma_start3A_81 : memref<125x80xi32, #tpu.memory_space<hbm>>) target(%arg8 : memref<125x80xi32, #tpu.memory_space<vmem>>) target_semaphore(%run_scoped3A : memref<!tpu.dma_semaphore, #tpu.memory_space<semaphore_mem>>)
      %dma_wait3A_82 = arith.constant 0 : i32
      %dma_wait3A_83 = arith.constant 0 : i32
      %dma_wait3A_84 = tpu.memref_slice %arg5[%add3A, %dma_wait3A_82, %dma_wait3A_83] : memref<32x125x80xi32, #tpu.memory_space<hbm>> -> memref<1x125x80xi32, #tpu.memory_space<hbm>>
      %dma_wait3A_85 = tpu.memref_squeeze %dma_wait3A_84 : memref<1x125x80xi32, #tpu.memory_space<hbm>> -> memref<125x80xi32, #tpu.memory_space<hbm>>
      %dma_wait3A_86 = arith.constant 0 : i32
      %dma_wait3A_87 = arith.constant 0 : i32
      %dma_wait3A_88 = tpu.memref_slice %arg5[%add3A, %dma_wait3A_86, %dma_wait3A_87] : memref<32x125x80xi32, #tpu.memory_space<hbm>> -> memref<1x125x80xi32, #tpu.memory_space<hbm>>
      %dma_wait3A_89 = tpu.memref_squeeze %dma_wait3A_88 : memref<1x125x80xi32, #tpu.memory_space<hbm>> -> memref<125x80xi32, #tpu.memory_space<hbm>>
      tpu.wait_dma2 semaphore(%run_scoped3A : memref<!tpu.dma_semaphore, #tpu.memory_space<semaphore_mem>>) src(%dma_wait3A_89 : memref<125x80xi32, #tpu.memory_space<hbm>>) dst(%arg8 : memref<125x80xi32, #tpu.memory_space<vmem>>)
      tpu.yield
    }) : () -> ()
    %dma_start3A = arith.constant 0 : i32
    %dma_start3A_1 = arith.constant 0 : i32
    %dma_start3A_2 = tpu.memref_slice %arg7[%dma_start3A, %dma_start3A_1] : memref<125x80xi32, #tpu.memory_space<vmem>> -> memref<1x80xi32, #tpu.memory_space<vmem>>
    %dma_start3A_3 = tpu.memref_squeeze %dma_start3A_2 : memref<1x80xi32, #tpu.memory_space<vmem>> -> memref<80xi32, #tpu.memory_space<vmem>>
    %dma_start3A_4 = arith.constant 0 : i32
    %dma_start3A_5 = arith.constant 0 : i32
    %dma_start3A_6 = tpu.memref_slice %arg2[%dma_start3A_4, %dma_start3A_5] : memref<10000x128xf32, #tpu.memory_space<hbm>> -> memref<10000x128xf32, #tpu.memory_space<hbm>>
    tpu.enqueue_indirect_dma source(%dma_start3A_6 : memref<10000x128xf32, #tpu.memory_space<hbm>>) target(%arg9 : memref<80x128xf32, #tpu.memory_space<vmem>>) offsets(%dma_start3A_3 : memref<80xi32, #tpu.memory_space<vmem>>) semaphore(%arg15 : memref<!tpu.dma_semaphore, #tpu.memory_space<semaphore_mem>>)
    %dma_start3A_7 = arith.constant 0 : i32
    %dma_start3A_8 = arith.constant 0 : i32
    %dma_start3A_9 = tpu.memref_slice %arg8[%dma_start3A_7, %dma_start3A_8] : memref<125x80xi32, #tpu.memory_space<vmem>> -> memref<1x80xi32, #tpu.memory_space<vmem>>
    %dma_start3A_10 = tpu.memref_squeeze %dma_start3A_9 : memref<1x80xi32, #tpu.memory_space<vmem>> -> memref<80xi32, #tpu.memory_space<vmem>>
    %dma_start3A_11 = arith.constant 0 : i32
    %dma_start3A_12 = arith.constant 0 : i32
    %dma_start3A_13 = tpu.memref_slice %arg3[%dma_start3A_11, %dma_start3A_12] : memref<10000x128xf32, #tpu.memory_space<hbm>> -> memref<10000x128xf32, #tpu.memory_space<hbm>>
    tpu.enqueue_indirect_dma source(%dma_start3A_13 : memref<10000x128xf32, #tpu.memory_space<hbm>>) target(%arg10 : memref<80x128xf32, #tpu.memory_space<vmem>>) offsets(%dma_start3A_10 : memref<80xi32, #tpu.memory_space<vmem>>) semaphore(%arg15 : memref<!tpu.dma_semaphore, #tpu.memory_space<semaphore_mem>>)
    %dma_start3A_14 = arith.constant 1 : i32
    %dma_start3A_15 = arith.constant 0 : i32
    %dma_start3A_16 = tpu.memref_slice %arg7[%dma_start3A_14, %dma_start3A_15] : memref<125x80xi32, #tpu.memory_space<vmem>> -> memref<1x80xi32, #tpu.memory_space<vmem>>
    %dma_start3A_17 = tpu.memref_squeeze %dma_start3A_16 : memref<1x80xi32, #tpu.memory_space<vmem>> -> memref<80xi32, #tpu.memory_space<vmem>>
    %dma_start3A_18 = arith.constant 0 : i32
    %dma_start3A_19 = arith.constant 0 : i32
    %dma_start3A_20 = tpu.memref_slice %arg2[%dma_start3A_18, %dma_start3A_19] : memref<10000x128xf32, #tpu.memory_space<hbm>> -> memref<10000x128xf32, #tpu.memory_space<hbm>>
    tpu.enqueue_indirect_dma source(%dma_start3A_20 : memref<10000x128xf32, #tpu.memory_space<hbm>>) target(%arg12 : memref<80x128xf32, #tpu.memory_space<vmem>>) offsets(%dma_start3A_17 : memref<80xi32, #tpu.memory_space<vmem>>) semaphore(%arg16 : memref<!tpu.dma_semaphore, #tpu.memory_space<semaphore_mem>>)
    %dma_start3A_21 = arith.constant 1 : i32
    %dma_start3A_22 = arith.constant 0 : i32
    %dma_start3A_23 = tpu.memref_slice %arg8[%dma_start3A_21, %dma_start3A_22] : memref<125x80xi32, #tpu.memory_space<vmem>> -> memref<1x80xi32, #tpu.memory_space<vmem>>
    %dma_start3A_24 = tpu.memref_squeeze %dma_start3A_23 : memref<1x80xi32, #tpu.memory_space<vmem>> -> memref<80xi32, #tpu.memory_space<vmem>>
    %dma_start3A_25 = arith.constant 0 : i32
    %dma_start3A_26 = arith.constant 0 : i32
    %dma_start3A_27 = tpu.memref_slice %arg3[%dma_start3A_25, %dma_start3A_26] : memref<10000x128xf32, #tpu.memory_space<hbm>> -> memref<10000x128xf32, #tpu.memory_space<hbm>>
    tpu.enqueue_indirect_dma source(%dma_start3A_27 : memref<10000x128xf32, #tpu.memory_space<hbm>>) target(%arg13 : memref<80x128xf32, #tpu.memory_space<vmem>>) offsets(%dma_start3A_24 : memref<80xi32, #tpu.memory_space<vmem>>) semaphore(%arg16 : memref<!tpu.dma_semaphore, #tpu.memory_space<semaphore_mem>>)
    %scan3A = arith.constant 0 : i32
    %scan3A_28 = arith.constant 0 : i32
    %scan3A_29 = arith.constant 62 : i32
    %scan3A_30 = arith.addi %scan3A_28, %scan3A_29 : i32
    %scan3A_31 = arith.constant 1 : i32
    scf.for %scan3A_74 = %scan3A_28 to %scan3A_30 step %scan3A_31  : i32 {
      %mul3A_75 = arith.constant 2 : i32
      %mul3A_76 = arith.muli %scan3A_74, %mul3A_75 : i32
      %add3A_77 = arith.constant 0 : i32
      %add3A_78 = arith.addi %mul3A_76, %add3A_77 : i32
      %dma_wait3A_79 = arith.constant 0 : i32
      %dma_wait3A_80 = tpu.memref_slice %arg7[%add3A_78, %dma_wait3A_79] : memref<125x80xi32, #tpu.memory_space<vmem>> -> memref<1x80xi32, #tpu.memory_space<vmem>>
      %dma_wait3A_81 = tpu.memref_squeeze %dma_wait3A_80 : memref<1x80xi32, #tpu.memory_space<vmem>> -> memref<80xi32, #tpu.memory_space<vmem>>
      %dma_wait3A_82 = arith.constant 0 : i32
      %dma_wait3A_83 = arith.constant 0 : i32
      %dma_wait3A_84 = tpu.memref_slice %arg2[%dma_wait3A_82, %dma_wait3A_83] : memref<10000x128xf32, #tpu.memory_space<hbm>> -> memref<10000x128xf32, #tpu.memory_space<hbm>>
      tpu.wait_indirect_dma semaphore(%arg15 : memref<!tpu.dma_semaphore, #tpu.memory_space<semaphore_mem>>) src(%dma_wait3A_84 : memref<10000x128xf32, #tpu.memory_space<hbm>>) dst(%arg9 : memref<80x128xf32, #tpu.memory_space<vmem>>)
      %dma_wait3A_85 = arith.constant 0 : i32
      %dma_wait3A_86 = tpu.memref_slice %arg8[%add3A_78, %dma_wait3A_85] : memref<125x80xi32, #tpu.memory_space<vmem>> -> memref<1x80xi32, #tpu.memory_space<vmem>>
      %dma_wait3A_87 = tpu.memref_squeeze %dma_wait3A_86 : memref<1x80xi32, #tpu.memory_space<vmem>> -> memref<80xi32, #tpu.memory_space<vmem>>
      %dma_wait3A_88 = arith.constant 0 : i32
      %dma_wait3A_89 = arith.constant 0 : i32
      %dma_wait3A_90 = tpu.memref_slice %arg3[%dma_wait3A_88, %dma_wait3A_89] : memref<10000x128xf32, #tpu.memory_space<hbm>> -> memref<10000x128xf32, #tpu.memory_space<hbm>>
      tpu.wait_indirect_dma semaphore(%arg15 : memref<!tpu.dma_semaphore, #tpu.memory_space<semaphore_mem>>) src(%dma_wait3A_90 : memref<10000x128xf32, #tpu.memory_space<hbm>>) dst(%arg10 : memref<80x128xf32, #tpu.memory_space<vmem>>)
      %mul3A_91 = arith.constant 10000 : i32
      %mul3A_92 = arith.muli %add3A, %mul3A_91 : i32
      %mul3A_93 = arith.constant 80 : i32
      %mul3A_94 = arith.muli %add3A_78, %mul3A_93 : i32
      %add3A_95 = arith.addi %mul3A_92, %mul3A_94 : i32
      %ge3A = arith.constant 2 : i32
      %ge3A_96 = arith.cmpi sge, %add3A_78, %ge3A : i32
      %convert_element_type3A = arith.extui %ge3A_96 : i1 to i32
      %cond3A = arith.constant 0 : i32
      %cond3A_97 = arith.cmpi ne, %convert_element_type3A, %cond3A : i32
      scf.if %cond3A_97 {
        %dma_wait3A_157 = arith.constant 0 : i32
        %dma_wait3A_158 = tpu.memref_slice %arg6[%add3A_95, %dma_wait3A_157] : memref<320000x128xf32, #tpu.memory_space<hbm>> -> memref<80x128xf32, #tpu.memory_space<hbm>>
        %dma_wait3A_159 = arith.constant 0 : i32
        %dma_wait3A_160 = tpu.memref_slice %arg6[%add3A_95, %dma_wait3A_159] : memref<320000x128xf32, #tpu.memory_space<hbm>> -> memref<80x128xf32, #tpu.memory_space<hbm>>
        tpu.wait_dma2 semaphore(%arg17 : memref<!tpu.dma_semaphore, #tpu.memory_space<semaphore_mem>>) src(%arg11 : memref<80x128xf32, #tpu.memory_space<vmem>>) dst(%dma_wait3A_160 : memref<80x128xf32, #tpu.memory_space<hbm>>)
      } else {
      }
      %scan3A_98 = arith.constant 0 : i32
      %scan3A_99 = arith.constant 0 : i32
      %scan3A_100 = arith.constant 80 : i32
      %scan3A_101 = arith.addi %scan3A_99, %scan3A_100 : i32
      %scan3A_102 = arith.constant 1 : i32
      scf.for %scan3A_157 = %scan3A_99 to %scan3A_101 step %scan3A_102  : i32 {
        %get3A = arith.index_cast %scan3A_157 : i32 to index
        %get3A_158 = arith.constant 0 : index
        %get3A_159 = tpu.vector_load %arg9[%get3A, %get3A_158] {strides = array<i32>} : memref<80x128xf32, #tpu.memory_space<vmem>>, vector<1x16xf32>,
        %get3A_160 = vector.shape_cast %get3A_159 : vector<1x16xf32> to vector<16xf32>
        %get3A_161 = arith.index_cast %scan3A_157 : i32 to index
        %get3A_162 = arith.constant 0 : index
        %get3A_163 = tpu.vector_load %arg10[%get3A_161, %get3A_162] {strides = array<i32>} : memref<80x128xf32, #tpu.memory_space<vmem>>, vector<1x16xf32>,
        %get3A_164 = vector.shape_cast %get3A_163 : vector<1x16xf32> to vector<16xf32>
        %add3A_165 = arith.addf %get3A_160, %get3A_164 : vector<16xf32>
        %swap3A = arith.index_cast %scan3A_157 : i32 to index
        %swap3A_166 = arith.constant 0 : index
        %swap3A_167 = tpu.vector_load %arg11[%swap3A, %swap3A_166] {strides = array<i32>} : memref<80x128xf32, #tpu.memory_space<vmem>>, vector<1x16xf32>,
        %swap3A_168 = vector.shape_cast %swap3A_167 : vector<1x16xf32> to vector<16xf32>
        %swap3A_169 = vector.shape_cast %add3A_165 : vector<16xf32> to vector<1x16xf32>
        tpu.vector_store %arg11[%swap3A, %swap3A_166], %swap3A_169 {strides = array<i32>} : memref<80x128xf32, #tpu.memory_space<vmem>>, vector<1x16xf32>,
        %get3A_170 = arith.index_cast %scan3A_157 : i32 to index
        %get3A_171 = arith.constant 16 : index
        %get3A_172 = tpu.vector_load %arg9[%get3A_170, %get3A_171] {strides = array<i32>} : memref<80x128xf32, #tpu.memory_space<vmem>>, vector<1x16xf32>,
        %get3A_173 = vector.shape_cast %get3A_172 : vector<1x16xf32> to vector<16xf32>
        %get3A_174 = arith.index_cast %scan3A_157 : i32 to index
        %get3A_175 = arith.constant 16 : index
        %get3A_176 = tpu.vector_load %arg10[%get3A_174, %get3A_175] {strides = array<i32>} : memref<80x128xf32, #tpu.memory_space<vmem>>, vector<1x16xf32>,
        %get3A_177 = vector.shape_cast %get3A_176 : vector<1x16xf32> to vector<16xf32>
        %add3A_178 = arith.addf %get3A_173, %get3A_177 : vector<16xf32>
        %swap3A_179 = arith.index_cast %scan3A_157 : i32 to index
        %swap3A_180 = arith.constant 16 : index
        %swap3A_181 = tpu.vector_load %arg11[%swap3A_179, %swap3A_180] {strides = array<i32>} : memref<80x128xf32, #tpu.memory_space<vmem>>, vector<1x16xf32>,
        %swap3A_182 = vector.shape_cast %swap3A_181 : vector<1x16xf32> to vector<16xf32>
        %swap3A_183 = vector.shape_cast %add3A_178 : vector<16xf32> to vector<1x16xf32>
        tpu.vector_store %arg11[%swap3A_179, %swap3A_180], %swap3A_183 {strides = array<i32>} : memref<80x128xf32, #tpu.memory_space<vmem>>, vector<1x16xf32>,
        %get3A_184 = arith.index_cast %scan3A_157 : i32 to index
        %get3A_185 = arith.constant 32 : index
        %get3A_186 = tpu.vector_load %arg9[%get3A_184, %get3A_185] {strides = array<i32>} : memref<80x128xf32, #tpu.memory_space<vmem>>, vector<1x16xf32>,
        %get3A_187 = vector.shape_cast %get3A_186 : vector<1x16xf32> to vector<16xf32>
        %get3A_188 = arith.index_cast %scan3A_157 : i32 to index
        %get3A_189 = arith.constant 32 : index
        %get3A_190 = tpu.vector_load %arg10[%get3A_188, %get3A_189] {strides = array<i32>} : memref<80x128xf32, #tpu.memory_space<vmem>>, vector<1x16xf32>,
        %get3A_191 = vector.shape_cast %get3A_190 : vector<1x16xf32> to vector<16xf32>
        %add3A_192 = arith.addf %get3A_187, %get3A_191 : vector<16xf32>
        %swap3A_193 = arith.index_cast %scan3A_157 : i32 to index
        %swap3A_194 = arith.constant 32 : index
        %swap3A_195 = tpu.vector_load %arg11[%swap3A_193, %swap3A_194] {strides = array<i32>} : memref<80x128xf32, #tpu.memory_space<vmem>>, vector<1x16xf32>,
        %swap3A_196 = vector.shape_cast %swap3A_195 : vector<1x16xf32> to vector<16xf32>
        %swap3A_197 = vector.shape_cast %add3A_192 : vector<16xf32> to vector<1x16xf32>
        tpu.vector_store %arg11[%swap3A_193, %swap3A_194], %swap3A_197 {strides = array<i32>} : memref<80x128xf32, #tpu.memory_space<vmem>>, vector<1x16xf32>,
        %get3A_198 = arith.index_cast %scan3A_157 : i32 to index
        %get3A_199 = arith.constant 48 : index
        %get3A_200 = tpu.vector_load %arg9[%get3A_198, %get3A_199] {strides = array<i32>} : memref<80x128xf32, #tpu.memory_space<vmem>>, vector<1x16xf32>,
        %get3A_201 = vector.shape_cast %get3A_200 : vector<1x16xf32> to vector<16xf32>
        %get3A_202 = arith.index_cast %scan3A_157 : i32 to index
        %get3A_203 = arith.constant 48 : index
        %get3A_204 = tpu.vector_load %arg10[%get3A_202, %get3A_203] {strides = array<i32>} : memref<80x128xf32, #tpu.memory_space<vmem>>, vector<1x16xf32>,
        %get3A_205 = vector.shape_cast %get3A_204 : vector<1x16xf32> to vector<16xf32>
        %add3A_206 = arith.addf %get3A_201, %get3A_205 : vector<16xf32>
        %swap3A_207 = arith.index_cast %scan3A_157 : i32 to index
        %swap3A_208 = arith.constant 48 : index
        %swap3A_209 = tpu.vector_load %arg11[%swap3A_207, %swap3A_208] {strides = array<i32>} : memref<80x128xf32, #tpu.memory_space<vmem>>, vector<1x16xf32>,
        %swap3A_210 = vector.shape_cast %swap3A_209 : vector<1x16xf32> to vector<16xf32>
        %swap3A_211 = vector.shape_cast %add3A_206 : vector<16xf32> to vector<1x16xf32>
        tpu.vector_store %arg11[%swap3A_207, %swap3A_208], %swap3A_211 {strides = array<i32>} : memref<80x128xf32, #tpu.memory_space<vmem>>, vector<1x16xf32>,
        %get3A_212 = arith.index_cast %scan3A_157 : i32 to index
        %get3A_213 = arith.constant 64 : index
        %get3A_214 = tpu.vector_load %arg9[%get3A_212, %get3A_213] {strides = array<i32>} : memref<80x128xf32, #tpu.memory_space<vmem>>, vector<1x16xf32>,
        %get3A_215 = vector.shape_cast %get3A_214 : vector<1x16xf32> to vector<16xf32>
        %get3A_216 = arith.index_cast %scan3A_157 : i32 to index
        %get3A_217 = arith.constant 64 : index
        %get3A_218 = tpu.vector_load %arg10[%get3A_216, %get3A_217] {strides = array<i32>} : memref<80x128xf32, #tpu.memory_space<vmem>>, vector<1x16xf32>,
        %get3A_219 = vector.shape_cast %get3A_218 : vector<1x16xf32> to vector<16xf32>
        %add3A_220 = arith.addf %get3A_215, %get3A_219 : vector<16xf32>
        %swap3A_221 = arith.index_cast %scan3A_157 : i32 to index
        %swap3A_222 = arith.constant 64 : index
        %swap3A_223 = tpu.vector_load %arg11[%swap3A_221, %swap3A_222] {strides = array<i32>} : memref<80x128xf32, #tpu.memory_space<vmem>>, vector<1x16xf32>,
        %swap3A_224 = vector.shape_cast %swap3A_223 : vector<1x16xf32> to vector<16xf32>
        %swap3A_225 = vector.shape_cast %add3A_220 : vector<16xf32> to vector<1x16xf32>
        tpu.vector_store %arg11[%swap3A_221, %swap3A_222], %swap3A_225 {strides = array<i32>} : memref<80x128xf32, #tpu.memory_space<vmem>>, vector<1x16xf32>,
        %get3A_226 = arith.index_cast %scan3A_157 : i32 to index
        %get3A_227 = arith.constant 80 : index
        %get3A_228 = tpu.vector_load %arg9[%get3A_226, %get3A_227] {strides = array<i32>} : memref<80x128xf32, #tpu.memory_space<vmem>>, vector<1x16xf32>,
        %get3A_229 = vector.shape_cast %get3A_228 : vector<1x16xf32> to vector<16xf32>
        %get3A_230 = arith.index_cast %scan3A_157 : i32 to index
        %get3A_231 = arith.constant 80 : index
        %get3A_232 = tpu.vector_load %arg10[%get3A_230, %get3A_231] {strides = array<i32>} : memref<80x128xf32, #tpu.memory_space<vmem>>, vector<1x16xf32>,
        %get3A_233 = vector.shape_cast %get3A_232 : vector<1x16xf32> to vector<16xf32>
        %add3A_234 = arith.addf %get3A_229, %get3A_233 : vector<16xf32>
        %swap3A_235 = arith.index_cast %scan3A_157 : i32 to index
        %swap3A_236 = arith.constant 80 : index
        %swap3A_237 = tpu.vector_load %arg11[%swap3A_235, %swap3A_236] {strides = array<i32>} : memref<80x128xf32, #tpu.memory_space<vmem>>, vector<1x16xf32>,
        %swap3A_238 = vector.shape_cast %swap3A_237 : vector<1x16xf32> to vector<16xf32>
        %swap3A_239 = vector.shape_cast %add3A_234 : vector<16xf32> to vector<1x16xf32>
        tpu.vector_store %arg11[%swap3A_235, %swap3A_236], %swap3A_239 {strides = array<i32>} : memref<80x128xf32, #tpu.memory_space<vmem>>, vector<1x16xf32>,
        %get3A_240 = arith.index_cast %scan3A_157 : i32 to index
        %get3A_241 = arith.constant 96 : index
        %get3A_242 = tpu.vector_load %arg9[%get3A_240, %get3A_241] {strides = array<i32>} : memref<80x128xf32, #tpu.memory_space<vmem>>, vector<1x16xf32>,
        %get3A_243 = vector.shape_cast %get3A_242 : vector<1x16xf32> to vector<16xf32>
        %get3A_244 = arith.index_cast %scan3A_157 : i32 to index
        %get3A_245 = arith.constant 96 : index
        %get3A_246 = tpu.vector_load %arg10[%get3A_244, %get3A_245] {strides = array<i32>} : memref<80x128xf32, #tpu.memory_space<vmem>>, vector<1x16xf32>,
        %get3A_247 = vector.shape_cast %get3A_246 : vector<1x16xf32> to vector<16xf32>
        %add3A_248 = arith.addf %get3A_243, %get3A_247 : vector<16xf32>
        %swap3A_249 = arith.index_cast %scan3A_157 : i32 to index
        %swap3A_250 = arith.constant 96 : index
        %swap3A_251 = tpu.vector_load %arg11[%swap3A_249, %swap3A_250] {strides = array<i32>} : memref<80x128xf32, #tpu.memory_space<vmem>>, vector<1x16xf32>,
        %swap3A_252 = vector.shape_cast %swap3A_251 : vector<1x16xf32> to vector<16xf32>
        %swap3A_253 = vector.shape_cast %add3A_248 : vector<16xf32> to vector<1x16xf32>
        tpu.vector_store %arg11[%swap3A_249, %swap3A_250], %swap3A_253 {strides = array<i32>} : memref<80x128xf32, #tpu.memory_space<vmem>>, vector<1x16xf32>,
        %get3A_254 = arith.index_cast %scan3A_157 : i32 to index
        %get3A_255 = arith.constant 112 : index
        %get3A_256 = tpu.vector_load %arg9[%get3A_254, %get3A_255] {strides = array<i32>} : memref<80x128xf32, #tpu.memory_space<vmem>>, vector<1x16xf32>,
        %get3A_257 = vector.shape_cast %get3A_256 : vector<1x16xf32> to vector<16xf32>
        %get3A_258 = arith.index_cast %scan3A_157 : i32 to index
        %get3A_259 = arith.constant 112 : index
        %get3A_260 = tpu.vector_load %arg10[%get3A_258, %get3A_259] {strides = array<i32>} : memref<80x128xf32, #tpu.memory_space<vmem>>, vector<1x16xf32>,
        %get3A_261 = vector.shape_cast %get3A_260 : vector<1x16xf32> to vector<16xf32>
        %add3A_262 = arith.addf %get3A_257, %get3A_261 : vector<16xf32>
        %swap3A_263 = arith.index_cast %scan3A_157 : i32 to index
        %swap3A_264 = arith.constant 112 : index
        %swap3A_265 = tpu.vector_load %arg11[%swap3A_263, %swap3A_264] {strides = array<i32>} : memref<80x128xf32, #tpu.memory_space<vmem>>, vector<1x16xf32>,
        %swap3A_266 = vector.shape_cast %swap3A_265 : vector<1x16xf32> to vector<16xf32>
        %swap3A_267 = vector.shape_cast %add3A_262 : vector<16xf32> to vector<1x16xf32>
        tpu.vector_store %arg11[%swap3A_263, %swap3A_264], %swap3A_267 {strides = array<i32>} : memref<80x128xf32, #tpu.memory_space<vmem>>, vector<1x16xf32>,
      }
      %scan3A_103 = arith.constant 80 : i32
      %dma_start3A_104 = arith.constant 0 : i32
      %dma_start3A_105 = tpu.memref_slice %arg6[%add3A_95, %dma_start3A_104] : memref<320000x128xf32, #tpu.memory_space<hbm>> -> memref<80x128xf32, #tpu.memory_space<hbm>>
      %dma_start3A_106 = arith.constant 0 : i32
      %dma_start3A_107 = tpu.memref_slice %arg6[%add3A_95, %dma_start3A_106] : memref<320000x128xf32, #tpu.memory_space<hbm>> -> memref<80x128xf32, #tpu.memory_space<hbm>>
      tpu.enqueue_dma source(%arg11 : memref<80x128xf32, #tpu.memory_space<vmem>>) target(%dma_start3A_107 : memref<80x128xf32, #tpu.memory_space<hbm>>) target_semaphore(%arg17 : memref<!tpu.dma_semaphore, #tpu.memory_space<semaphore_mem>>)
      %add3A_108 = arith.constant 2 : i32
      %add3A_109 = arith.addi %add3A_78, %add3A_108 : i32
      %lt3A = arith.constant 125 : i32
      %lt3A_110 = arith.cmpi slt, %add3A_109, %lt3A : i32
      %convert_element_type3A_111 = arith.extui %lt3A_110 : i1 to i32
      %cond3A_112 = arith.constant 0 : i32
      %cond3A_113 = arith.cmpi ne, %convert_element_type3A_111, %cond3A_112 : i32
      scf.if %cond3A_113 {
        %dma_start3A_157 = arith.constant 0 : i32
        %dma_start3A_158 = tpu.memref_slice %arg7[%add3A_109, %dma_start3A_157] : memref<125x80xi32, #tpu.memory_space<vmem>> -> memref<1x80xi32, #tpu.memory_space<vmem>>
        %dma_start3A_159 = tpu.memref_squeeze %dma_start3A_158 : memref<1x80xi32, #tpu.memory_space<vmem>> -> memref<80xi32, #tpu.memory_space<vmem>>
        %dma_start3A_160 = arith.constant 0 : i32
        %dma_start3A_161 = arith.constant 0 : i32
        %dma_start3A_162 = tpu.memref_slice %arg2[%dma_start3A_160, %dma_start3A_161] : memref<10000x128xf32, #tpu.memory_space<hbm>> -> memref<10000x128xf32, #tpu.memory_space<hbm>>
        tpu.enqueue_indirect_dma source(%dma_start3A_162 : memref<10000x128xf32, #tpu.memory_space<hbm>>) target(%arg9 : memref<80x128xf32, #tpu.memory_space<vmem>>) offsets(%dma_start3A_159 : memref<80xi32, #tpu.memory_space<vmem>>) semaphore(%arg15 : memref<!tpu.dma_semaphore, #tpu.memory_space<semaphore_mem>>)
        %dma_start3A_163 = arith.constant 0 : i32
        %dma_start3A_164 = tpu.memref_slice %arg8[%add3A_109, %dma_start3A_163] : memref<125x80xi32, #tpu.memory_space<vmem>> -> memref<1x80xi32, #tpu.memory_space<vmem>>
        %dma_start3A_165 = tpu.memref_squeeze %dma_start3A_164 : memref<1x80xi32, #tpu.memory_space<vmem>> -> memref<80xi32, #tpu.memory_space<vmem>>
        %dma_start3A_166 = arith.constant 0 : i32
        %dma_start3A_167 = arith.constant 0 : i32
        %dma_start3A_168 = tpu.memref_slice %arg3[%dma_start3A_166, %dma_start3A_167] : memref<10000x128xf32, #tpu.memory_space<hbm>> -> memref<10000x128xf32, #tpu.memory_space<hbm>>
        tpu.enqueue_indirect_dma source(%dma_start3A_168 : memref<10000x128xf32, #tpu.memory_space<hbm>>) target(%arg10 : memref<80x128xf32, #tpu.memory_space<vmem>>) offsets(%dma_start3A_165 : memref<80xi32, #tpu.memory_space<vmem>>) semaphore(%arg15 : memref<!tpu.dma_semaphore, #tpu.memory_space<semaphore_mem>>)
      } else {
      }
      %mul3A_114 = arith.constant 2 : i32
      %mul3A_115 = arith.muli %scan3A_74, %mul3A_114 : i32
      %add3A_116 = arith.constant 1 : i32
      %add3A_117 = arith.addi %mul3A_115, %add3A_116 : i32
      %dma_wait3A_118 = arith.constant 0 : i32
      %dma_wait3A_119 = tpu.memref_slice %arg7[%add3A_117, %dma_wait3A_118] : memref<125x80xi32, #tpu.memory_space<vmem>> -> memref<1x80xi32, #tpu.memory_space<vmem>>
      %dma_wait3A_120 = tpu.memref_squeeze %dma_wait3A_119 : memref<1x80xi32, #tpu.memory_space<vmem>> -> memref<80xi32, #tpu.memory_space<vmem>>
      %dma_wait3A_121 = arith.constant 0 : i32
      %dma_wait3A_122 = arith.constant 0 : i32
      %dma_wait3A_123 = tpu.memref_slice %arg2[%dma_wait3A_121, %dma_wait3A_122] : memref<10000x128xf32, #tpu.memory_space<hbm>> -> memref<10000x128xf32, #tpu.memory_space<hbm>>
      tpu.wait_indirect_dma semaphore(%arg16 : memref<!tpu.dma_semaphore, #tpu.memory_space<semaphore_mem>>) src(%dma_wait3A_123 : memref<10000x128xf32, #tpu.memory_space<hbm>>) dst(%arg12 : memref<80x128xf32, #tpu.memory_space<vmem>>)
      %dma_wait3A_124 = arith.constant 0 : i32
      %dma_wait3A_125 = tpu.memref_slice %arg8[%add3A_117, %dma_wait3A_124] : memref<125x80xi32, #tpu.memory_space<vmem>> -> memref<1x80xi32, #tpu.memory_space<vmem>>
      %dma_wait3A_126 = tpu.memref_squeeze %dma_wait3A_125 : memref<1x80xi32, #tpu.memory_space<vmem>> -> memref<80xi32, #tpu.memory_space<vmem>>
      %dma_wait3A_127 = arith.constant 0 : i32
      %dma_wait3A_128 = arith.constant 0 : i32
      %dma_wait3A_129 = tpu.memref_slice %arg3[%dma_wait3A_127, %dma_wait3A_128] : memref<10000x128xf32, #tpu.memory_space<hbm>> -> memref<10000x128xf32, #tpu.memory_space<hbm>>
      tpu.wait_indirect_dma semaphore(%arg16 : memref<!tpu.dma_semaphore, #tpu.memory_space<semaphore_mem>>) src(%dma_wait3A_129 : memref<10000x128xf32, #tpu.memory_space<hbm>>) dst(%arg13 : memref<80x128xf32, #tpu.memory_space<vmem>>)
      %mul3A_130 = arith.constant 10000 : i32
      %mul3A_131 = arith.muli %add3A, %mul3A_130 : i32
      %mul3A_132 = arith.constant 80 : i32
      %mul3A_133 = arith.muli %add3A_117, %mul3A_132 : i32
      %add3A_134 = arith.addi %mul3A_131, %mul3A_133 : i32
      %ge3A_135 = arith.constant 2 : i32
      %ge3A_136 = arith.cmpi sge, %add3A_117, %ge3A_135 : i32
      %convert_element_type3A_137 = arith.extui %ge3A_136 : i1 to i32
      %cond3A_138 = arith.constant 0 : i32
      %cond3A_139 = arith.cmpi ne, %convert_element_type3A_137, %cond3A_138 : i32
      scf.if %cond3A_139 {
        %dma_wait3A_157 = arith.constant 0 : i32
        %dma_wait3A_158 = tpu.memref_slice %arg6[%add3A_134, %dma_wait3A_157] : memref<320000x128xf32, #tpu.memory_space<hbm>> -> memref<80x128xf32, #tpu.memory_space<hbm>>
        %dma_wait3A_159 = arith.constant 0 : i32
        %dma_wait3A_160 = tpu.memref_slice %arg6[%add3A_134, %dma_wait3A_159] : memref<320000x128xf32, #tpu.memory_space<hbm>> -> memref<80x128xf32, #tpu.memory_space<hbm>>
        tpu.wait_dma2 semaphore(%arg18 : memref<!tpu.dma_semaphore, #tpu.memory_space<semaphore_mem>>) src(%arg14 : memref<80x128xf32, #tpu.memory_space<vmem>>) dst(%dma_wait3A_160 : memref<80x128xf32, #tpu.memory_space<hbm>>)
      } else {
      }
      %scan3A_140 = arith.constant 0 : i32
      %scan3A_141 = arith.constant 0 : i32
      %scan3A_142 = arith.constant 80 : i32
      %scan3A_143 = arith.addi %scan3A_141, %scan3A_142 : i32
      %scan3A_144 = arith.constant 1 : i32
      scf.for %scan3A_157 = %scan3A_141 to %scan3A_143 step %scan3A_144  : i32 {
        %get3A = arith.index_cast %scan3A_157 : i32 to index
        %get3A_158 = arith.constant 0 : index
        %get3A_159 = tpu.vector_load %arg12[%get3A, %get3A_158] {strides = array<i32>} : memref<80x128xf32, #tpu.memory_space<vmem>>, vector<1x16xf32>,
        %get3A_160 = vector.shape_cast %get3A_159 : vector<1x16xf32> to vector<16xf32>
        %get3A_161 = arith.index_cast %scan3A_157 : i32 to index
        %get3A_162 = arith.constant 0 : index
        %get3A_163 = tpu.vector_load %arg13[%get3A_161, %get3A_162] {strides = array<i32>} : memref<80x128xf32, #tpu.memory_space<vmem>>, vector<1x16xf32>,
        %get3A_164 = vector.shape_cast %get3A_163 : vector<1x16xf32> to vector<16xf32>
        %add3A_165 = arith.addf %get3A_160, %get3A_164 : vector<16xf32>
        %swap3A = arith.index_cast %scan3A_157 : i32 to index
        %swap3A_166 = arith.constant 0 : index
        %swap3A_167 = tpu.vector_load %arg14[%swap3A, %swap3A_166] {strides = array<i32>} : memref<80x128xf32, #tpu.memory_space<vmem>>, vector<1x16xf32>,
        %swap3A_168 = vector.shape_cast %swap3A_167 : vector<1x16xf32> to vector<16xf32>
        %swap3A_169 = vector.shape_cast %add3A_165 : vector<16xf32> to vector<1x16xf32>
        tpu.vector_store %arg14[%swap3A, %swap3A_166], %swap3A_169 {strides = array<i32>} : memref<80x128xf32, #tpu.memory_space<vmem>>, vector<1x16xf32>,
        %get3A_170 = arith.index_cast %scan3A_157 : i32 to index
        %get3A_171 = arith.constant 16 : index
        %get3A_172 = tpu.vector_load %arg12[%get3A_170, %get3A_171] {strides = array<i32>} : memref<80x128xf32, #tpu.memory_space<vmem>>, vector<1x16xf32>,
        %get3A_173 = vector.shape_cast %get3A_172 : vector<1x16xf32> to vector<16xf32>
        %get3A_174 = arith.index_cast %scan3A_157 : i32 to index
        %get3A_175 = arith.constant 16 : index
        %get3A_176 = tpu.vector_load %arg13[%get3A_174, %get3A_175] {strides = array<i32>} : memref<80x128xf32, #tpu.memory_space<vmem>>, vector<1x16xf32>,
        %get3A_177 = vector.shape_cast %get3A_176 : vector<1x16xf32> to vector<16xf32>
        %add3A_178 = arith.addf %get3A_173, %get3A_177 : vector<16xf32>
        %swap3A_179 = arith.index_cast %scan3A_157 : i32 to index
        %swap3A_180 = arith.constant 16 : index
        %swap3A_181 = tpu.vector_load %arg14[%swap3A_179, %swap3A_180] {strides = array<i32>} : memref<80x128xf32, #tpu.memory_space<vmem>>, vector<1x16xf32>,
        %swap3A_182 = vector.shape_cast %swap3A_181 : vector<1x16xf32> to vector<16xf32>
        %swap3A_183 = vector.shape_cast %add3A_178 : vector<16xf32> to vector<1x16xf32>
        tpu.vector_store %arg14[%swap3A_179, %swap3A_180], %swap3A_183 {strides = array<i32>} : memref<80x128xf32, #tpu.memory_space<vmem>>, vector<1x16xf32>,
        %get3A_184 = arith.index_cast %scan3A_157 : i32 to index
        %get3A_185 = arith.constant 32 : index
        %get3A_186 = tpu.vector_load %arg12[%get3A_184, %get3A_185] {strides = array<i32>} : memref<80x128xf32, #tpu.memory_space<vmem>>, vector<1x16xf32>,
        %get3A_187 = vector.shape_cast %get3A_186 : vector<1x16xf32> to vector<16xf32>
        %get3A_188 = arith.index_cast %scan3A_157 : i32 to index
        %get3A_189 = arith.constant 32 : index
        %get3A_190 = tpu.vector_load %arg13[%get3A_188, %get3A_189] {strides = array<i32>} : memref<80x128xf32, #tpu.memory_space<vmem>>, vector<1x16xf32>,
        %get3A_191 = vector.shape_cast %get3A_190 : vector<1x16xf32> to vector<16xf32>
        %add3A_192 = arith.addf %get3A_187, %get3A_191 : vector<16xf32>
        %swap3A_193 = arith.index_cast %scan3A_157 : i32 to index
        %swap3A_194 = arith.constant 32 : index
        %swap3A_195 = tpu.vector_load %arg14[%swap3A_193, %swap3A_194] {strides = array<i32>} : memref<80x128xf32, #tpu.memory_space<vmem>>, vector<1x16xf32>,
        %swap3A_196 = vector.shape_cast %swap3A_195 : vector<1x16xf32> to vector<16xf32>
        %swap3A_197 = vector.shape_cast %add3A_192 : vector<16xf32> to vector<1x16xf32>
        tpu.vector_store %arg14[%swap3A_193, %swap3A_194], %swap3A_197 {strides = array<i32>} : memref<80x128xf32, #tpu.memory_space<vmem>>, vector<1x16xf32>,
        %get3A_198 = arith.index_cast %scan3A_157 : i32 to index
        %get3A_199 = arith.constant 48 : index
        %get3A_200 = tpu.vector_load %arg12[%get3A_198, %get3A_199] {strides = array<i32>} : memref<80x128xf32, #tpu.memory_space<vmem>>, vector<1x16xf32>,
        %get3A_201 = vector.shape_cast %get3A_200 : vector<1x16xf32> to vector<16xf32>
        %get3A_202 = arith.index_cast %scan3A_157 : i32 to index
        %get3A_203 = arith.constant 48 : index
        %get3A_204 = tpu.vector_load %arg13[%get3A_202, %get3A_203] {strides = array<i32>} : memref<80x128xf32, #tpu.memory_space<vmem>>, vector<1x16xf32>,
        %get3A_205 = vector.shape_cast %get3A_204 : vector<1x16xf32> to vector<16xf32>
        %add3A_206 = arith.addf %get3A_201, %get3A_205 : vector<16xf32>
        %swap3A_207 = arith.index_cast %scan3A_157 : i32 to index
        %swap3A_208 = arith.constant 48 : index
        %swap3A_209 = tpu.vector_load %arg14[%swap3A_207, %swap3A_208] {strides = array<i32>} : memref<80x128xf32, #tpu.memory_space<vmem>>, vector<1x16xf32>,
        %swap3A_210 = vector.shape_cast %swap3A_209 : vector<1x16xf32> to vector<16xf32>
        %swap3A_211 = vector.shape_cast %add3A_206 : vector<16xf32> to vector<1x16xf32>
        tpu.vector_store %arg14[%swap3A_207, %swap3A_208], %swap3A_211 {strides = array<i32>} : memref<80x128xf32, #tpu.memory_space<vmem>>, vector<1x16xf32>,
        %get3A_212 = arith.index_cast %scan3A_157 : i32 to index
        %get3A_213 = arith.constant 64 : index
        %get3A_214 = tpu.vector_load %arg12[%get3A_212, %get3A_213] {strides = array<i32>} : memref<80x128xf32, #tpu.memory_space<vmem>>, vector<1x16xf32>,
        %get3A_215 = vector.shape_cast %get3A_214 : vector<1x16xf32> to vector<16xf32>
        %get3A_216 = arith.index_cast %scan3A_157 : i32 to index
        %get3A_217 = arith.constant 64 : index
        %get3A_218 = tpu.vector_load %arg13[%get3A_216, %get3A_217] {strides = array<i32>} : memref<80x128xf32, #tpu.memory_space<vmem>>, vector<1x16xf32>,
        %get3A_219 = vector.shape_cast %get3A_218 : vector<1x16xf32> to vector<16xf32>
        %add3A_220 = arith.addf %get3A_215, %get3A_219 : vector<16xf32>
        %swap3A_221 = arith.index_cast %scan3A_157 : i32 to index
        %swap3A_222 = arith.constant 64 : index
        %swap3A_223 = tpu.vector_load %arg14[%swap3A_221, %swap3A_222] {strides = array<i32>} : memref<80x128xf32, #tpu.memory_space<vmem>>, vector<1x16xf32>,
        %swap3A_224 = vector.shape_cast %swap3A_223 : vector<1x16xf32> to vector<16xf32>
        %swap3A_225 = vector.shape_cast %add3A_220 : vector<16xf32> to vector<1x16xf32>
        tpu.vector_store %arg14[%swap3A_221, %swap3A_222], %swap3A_225 {strides = array<i32>} : memref<80x128xf32, #tpu.memory_space<vmem>>, vector<1x16xf32>,
        %get3A_226 = arith.index_cast %scan3A_157 : i32 to index
        %get3A_227 = arith.constant 80 : index
        %get3A_228 = tpu.vector_load %arg12[%get3A_226, %get3A_227] {strides = array<i32>} : memref<80x128xf32, #tpu.memory_space<vmem>>, vector<1x16xf32>,
        %get3A_229 = vector.shape_cast %get3A_228 : vector<1x16xf32> to vector<16xf32>
        %get3A_230 = arith.index_cast %scan3A_157 : i32 to index
        %get3A_231 = arith.constant 80 : index
        %get3A_232 = tpu.vector_load %arg13[%get3A_230, %get3A_231] {strides = array<i32>} : memref<80x128xf32, #tpu.memory_space<vmem>>, vector<1x16xf32>,
        %get3A_233 = vector.shape_cast %get3A_232 : vector<1x16xf32> to vector<16xf32>
        %add3A_234 = arith.addf %get3A_229, %get3A_233 : vector<16xf32>
        %swap3A_235 = arith.index_cast %scan3A_157 : i32 to index
        %swap3A_236 = arith.constant 80 : index
        %swap3A_237 = tpu.vector_load %arg14[%swap3A_235, %swap3A_236] {strides = array<i32>} : memref<80x128xf32, #tpu.memory_space<vmem>>, vector<1x16xf32>,
        %swap3A_238 = vector.shape_cast %swap3A_237 : vector<1x16xf32> to vector<16xf32>
        %swap3A_239 = vector.shape_cast %add3A_234 : vector<16xf32> to vector<1x16xf32>
        tpu.vector_store %arg14[%swap3A_235, %swap3A_236], %swap3A_239 {strides = array<i32>} : memref<80x128xf32, #tpu.memory_space<vmem>>, vector<1x16xf32>,
        %get3A_240 = arith.index_cast %scan3A_157 : i32 to index
        %get3A_241 = arith.constant 96 : index
        %get3A_242 = tpu.vector_load %arg12[%get3A_240, %get3A_241] {strides = array<i32>} : memref<80x128xf32, #tpu.memory_space<vmem>>, vector<1x16xf32>,
        %get3A_243 = vector.shape_cast %get3A_242 : vector<1x16xf32> to vector<16xf32>
        %get3A_244 = arith.index_cast %scan3A_157 : i32 to index
        %get3A_245 = arith.constant 96 : index
        %get3A_246 = tpu.vector_load %arg13[%get3A_244, %get3A_245] {strides = array<i32>} : memref<80x128xf32, #tpu.memory_space<vmem>>, vector<1x16xf32>,
        %get3A_247 = vector.shape_cast %get3A_246 : vector<1x16xf32> to vector<16xf32>
        %add3A_248 = arith.addf %get3A_243, %get3A_247 : vector<16xf32>
        %swap3A_249 = arith.index_cast %scan3A_157 : i32 to index
        %swap3A_250 = arith.constant 96 : index
        %swap3A_251 = tpu.vector_load %arg14[%swap3A_249, %swap3A_250] {strides = array<i32>} : memref<80x128xf32, #tpu.memory_space<vmem>>, vector<1x16xf32>,
        %swap3A_252 = vector.shape_cast %swap3A_251 : vector<1x16xf32> to vector<16xf32>
        %swap3A_253 = vector.shape_cast %add3A_248 : vector<16xf32> to vector<1x16xf32>
        tpu.vector_store %arg14[%swap3A_249, %swap3A_250], %swap3A_253 {strides = array<i32>} : memref<80x128xf32, #tpu.memory_space<vmem>>, vector<1x16xf32>,
        %get3A_254 = arith.index_cast %scan3A_157 : i32 to index
        %get3A_255 = arith.constant 112 : index
        %get3A_256 = tpu.vector_load %arg12[%get3A_254, %get3A_255] {strides = array<i32>} : memref<80x128xf32, #tpu.memory_space<vmem>>, vector<1x16xf32>,
        %get3A_257 = vector.shape_cast %get3A_256 : vector<1x16xf32> to vector<16xf32>
        %get3A_258 = arith.index_cast %scan3A_157 : i32 to index
        %get3A_259 = arith.constant 112 : index
        %get3A_260 = tpu.vector_load %arg13[%get3A_258, %get3A_259] {strides = array<i32>} : memref<80x128xf32, #tpu.memory_space<vmem>>, vector<1x16xf32>,
        %get3A_261 = vector.shape_cast %get3A_260 : vector<1x16xf32> to vector<16xf32>
        %add3A_262 = arith.addf %get3A_257, %get3A_261 : vector<16xf32>
        %swap3A_263 = arith.index_cast %scan3A_157 : i32 to index
        %swap3A_264 = arith.constant 112 : index
        %swap3A_265 = tpu.vector_load %arg14[%swap3A_263, %swap3A_264] {strides = array<i32>} : memref<80x128xf32, #tpu.memory_space<vmem>>, vector<1x16xf32>,
        %swap3A_266 = vector.shape_cast %swap3A_265 : vector<1x16xf32> to vector<16xf32>
        %swap3A_267 = vector.shape_cast %add3A_262 : vector<16xf32> to vector<1x16xf32>
        tpu.vector_store %arg14[%swap3A_263, %swap3A_264], %swap3A_267 {strides = array<i32>} : memref<80x128xf32, #tpu.memory_space<vmem>>, vector<1x16xf32>,
      }
      %scan3A_145 = arith.constant 80 : i32
      %dma_start3A_146 = arith.constant 0 : i32
      %dma_start3A_147 = tpu.memref_slice %arg6[%add3A_134, %dma_start3A_146] : memref<320000x128xf32, #tpu.memory_space<hbm>> -> memref<80x128xf32, #tpu.memory_space<hbm>>
      %dma_start3A_148 = arith.constant 0 : i32
      %dma_start3A_149 = tpu.memref_slice %arg6[%add3A_134, %dma_start3A_148] : memref<320000x128xf32, #tpu.memory_space<hbm>> -> memref<80x128xf32, #tpu.memory_space<hbm>>
      tpu.enqueue_dma source(%arg14 : memref<80x128xf32, #tpu.memory_space<vmem>>) target(%dma_start3A_149 : memref<80x128xf32, #tpu.memory_space<hbm>>) target_semaphore(%arg18 : memref<!tpu.dma_semaphore, #tpu.memory_space<semaphore_mem>>)
      %add3A_150 = arith.constant 2 : i32
      %add3A_151 = arith.addi %add3A_117, %add3A_150 : i32
      %lt3A_152 = arith.constant 125 : i32
      %lt3A_153 = arith.cmpi slt, %add3A_151, %lt3A_152 : i32
      %convert_element_type3A_154 = arith.extui %lt3A_153 : i1 to i32
      %cond3A_155 = arith.constant 0 : i32
      %cond3A_156 = arith.cmpi ne, %convert_element_type3A_154, %cond3A_155 : i32
      scf.if %cond3A_156 {
        %dma_start3A_157 = arith.constant 0 : i32
        %dma_start3A_158 = tpu.memref_slice %arg7[%add3A_151, %dma_start3A_157] : memref<125x80xi32, #tpu.memory_space<vmem>> -> memref<1x80xi32, #tpu.memory_space<vmem>>
        %dma_start3A_159 = tpu.memref_squeeze %dma_start3A_158 : memref<1x80xi32, #tpu.memory_space<vmem>> -> memref<80xi32, #tpu.memory_space<vmem>>
        %dma_start3A_160 = arith.constant 0 : i32
        %dma_start3A_161 = arith.constant 0 : i32
        %dma_start3A_162 = tpu.memref_slice %arg2[%dma_start3A_160, %dma_start3A_161] : memref<10000x128xf32, #tpu.memory_space<hbm>> -> memref<10000x128xf32, #tpu.memory_space<hbm>>
        tpu.enqueue_indirect_dma source(%dma_start3A_162 : memref<10000x128xf32, #tpu.memory_space<hbm>>) target(%arg12 : memref<80x128xf32, #tpu.memory_space<vmem>>) offsets(%dma_start3A_159 : memref<80xi32, #tpu.memory_space<vmem>>) semaphore(%arg16 : memref<!tpu.dma_semaphore, #tpu.memory_space<semaphore_mem>>)
        %dma_start3A_163 = arith.constant 0 : i32
        %dma_start3A_164 = tpu.memref_slice %arg8[%add3A_151, %dma_start3A_163] : memref<125x80xi32, #tpu.memory_space<vmem>> -> memref<1x80xi32, #tpu.memory_space<vmem>>
        %dma_start3A_165 = tpu.memref_squeeze %dma_start3A_164 : memref<1x80xi32, #tpu.memory_space<vmem>> -> memref<80xi32, #tpu.memory_space<vmem>>
        %dma_start3A_166 = arith.constant 0 : i32
        %dma_start3A_167 = arith.constant 0 : i32
        %dma_start3A_168 = tpu.memref_slice %arg3[%dma_start3A_166, %dma_start3A_167] : memref<10000x128xf32, #tpu.memory_space<hbm>> -> memref<10000x128xf32, #tpu.memory_space<hbm>>
        tpu.enqueue_indirect_dma source(%dma_start3A_168 : memref<10000x128xf32, #tpu.memory_space<hbm>>) target(%arg13 : memref<80x128xf32, #tpu.memory_space<vmem>>) offsets(%dma_start3A_165 : memref<80xi32, #tpu.memory_space<vmem>>) semaphore(%arg16 : memref<!tpu.dma_semaphore, #tpu.memory_space<semaphore_mem>>)
      } else {
      }
    }
    %scan3A_32 = arith.constant 62 : i32
    %dma_wait3A = arith.constant 124 : i32
    %dma_wait3A_33 = arith.constant 0 : i32
    %dma_wait3A_34 = tpu.memref_slice %arg7[%dma_wait3A, %dma_wait3A_33] : memref<125x80xi32, #tpu.memory_space<vmem>> -> memref<1x80xi32, #tpu.memory_space<vmem>>
    %dma_wait3A_35 = tpu.memref_squeeze %dma_wait3A_34 : memref<1x80xi32, #tpu.memory_space<vmem>> -> memref<80xi32, #tpu.memory_space<vmem>>
    %dma_wait3A_36 = arith.constant 0 : i32
    %dma_wait3A_37 = arith.constant 0 : i32
    %dma_wait3A_38 = tpu.memref_slice %arg2[%dma_wait3A_36, %dma_wait3A_37] : memref<10000x128xf32, #tpu.memory_space<hbm>> -> memref<10000x128xf32, #tpu.memory_space<hbm>>
    tpu.wait_indirect_dma semaphore(%arg15 : memref<!tpu.dma_semaphore, #tpu.memory_space<semaphore_mem>>) src(%dma_wait3A_38 : memref<10000x128xf32, #tpu.memory_space<hbm>>) dst(%arg9 : memref<80x128xf32, #tpu.memory_space<vmem>>)
    %dma_wait3A_39 = arith.constant 124 : i32
    %dma_wait3A_40 = arith.constant 0 : i32
    %dma_wait3A_41 = tpu.memref_slice %arg8[%dma_wait3A_39, %dma_wait3A_40] : memref<125x80xi32, #tpu.memory_space<vmem>> -> memref<1x80xi32, #tpu.memory_space<vmem>>
    %dma_wait3A_42 = tpu.memref_squeeze %dma_wait3A_41 : memref<1x80xi32, #tpu.memory_space<vmem>> -> memref<80xi32, #tpu.memory_space<vmem>>
    %dma_wait3A_43 = arith.constant 0 : i32
    %dma_wait3A_44 = arith.constant 0 : i32
    %dma_wait3A_45 = tpu.memref_slice %arg3[%dma_wait3A_43, %dma_wait3A_44] : memref<10000x128xf32, #tpu.memory_space<hbm>> -> memref<10000x128xf32, #tpu.memory_space<hbm>>
    tpu.wait_indirect_dma semaphore(%arg15 : memref<!tpu.dma_semaphore, #tpu.memory_space<semaphore_mem>>) src(%dma_wait3A_45 : memref<10000x128xf32, #tpu.memory_space<hbm>>) dst(%arg10 : memref<80x128xf32, #tpu.memory_space<vmem>>)
    %mul3A_46 = arith.constant 10000 : i32
    %mul3A_47 = arith.muli %add3A, %mul3A_46 : i32
    %add3A_48 = arith.constant 9920 : i32
    %add3A_49 = arith.addi %mul3A_47, %add3A_48 : i32
    %dma_wait3A_50 = arith.constant 0 : i32
    %dma_wait3A_51 = tpu.memref_slice %arg6[%add3A_49, %dma_wait3A_50] : memref<320000x128xf32, #tpu.memory_space<hbm>> -> memref<80x128xf32, #tpu.memory_space<hbm>>
    %dma_wait3A_52 = arith.constant 0 : i32
    %dma_wait3A_53 = tpu.memref_slice %arg6[%add3A_49, %dma_wait3A_52] : memref<320000x128xf32, #tpu.memory_space<hbm>> -> memref<80x128xf32, #tpu.memory_space<hbm>>
    tpu.wait_dma2 semaphore(%arg17 : memref<!tpu.dma_semaphore, #tpu.memory_space<semaphore_mem>>) src(%arg11 : memref<80x128xf32, #tpu.memory_space<vmem>>) dst(%dma_wait3A_53 : memref<80x128xf32, #tpu.memory_space<hbm>>)
    %scan3A_54 = arith.constant 0 : i32
    %scan3A_55 = arith.constant 0 : i32
    %scan3A_56 = arith.constant 80 : i32
    %scan3A_57 = arith.addi %scan3A_55, %scan3A_56 : i32
    %scan3A_58 = arith.constant 1 : i32
    scf.for %scan3A_74 = %scan3A_55 to %scan3A_57 step %scan3A_58  : i32 {
      %get3A = arith.index_cast %scan3A_74 : i32 to index
      %get3A_75 = arith.constant 0 : index
      %get3A_76 = tpu.vector_load %arg9[%get3A, %get3A_75] {strides = array<i32>} : memref<80x128xf32, #tpu.memory_space<vmem>>, vector<1x16xf32>,
      %get3A_77 = vector.shape_cast %get3A_76 : vector<1x16xf32> to vector<16xf32>
      %get3A_78 = arith.index_cast %scan3A_74 : i32 to index
      %get3A_79 = arith.constant 0 : index
      %get3A_80 = tpu.vector_load %arg10[%get3A_78, %get3A_79] {strides = array<i32>} : memref<80x128xf32, #tpu.memory_space<vmem>>, vector<1x16xf32>,
      %get3A_81 = vector.shape_cast %get3A_80 : vector<1x16xf32> to vector<16xf32>
      %add3A_82 = arith.addf %get3A_77, %get3A_81 : vector<16xf32>
      %swap3A = arith.index_cast %scan3A_74 : i32 to index
      %swap3A_83 = arith.constant 0 : index
      %swap3A_84 = tpu.vector_load %arg11[%swap3A, %swap3A_83] {strides = array<i32>} : memref<80x128xf32, #tpu.memory_space<vmem>>, vector<1x16xf32>,
      %swap3A_85 = vector.shape_cast %swap3A_84 : vector<1x16xf32> to vector<16xf32>
      %swap3A_86 = vector.shape_cast %add3A_82 : vector<16xf32> to vector<1x16xf32>
      tpu.vector_store %arg11[%swap3A, %swap3A_83], %swap3A_86 {strides = array<i32>} : memref<80x128xf32, #tpu.memory_space<vmem>>, vector<1x16xf32>,
      %get3A_87 = arith.index_cast %scan3A_74 : i32 to index
      %get3A_88 = arith.constant 16 : index
      %get3A_89 = tpu.vector_load %arg9[%get3A_87, %get3A_88] {strides = array<i32>} : memref<80x128xf32, #tpu.memory_space<vmem>>, vector<1x16xf32>,
      %get3A_90 = vector.shape_cast %get3A_89 : vector<1x16xf32> to vector<16xf32>
      %get3A_91 = arith.index_cast %scan3A_74 : i32 to index
      %get3A_92 = arith.constant 16 : index
      %get3A_93 = tpu.vector_load %arg10[%get3A_91, %get3A_92] {strides = array<i32>} : memref<80x128xf32, #tpu.memory_space<vmem>>, vector<1x16xf32>,
      %get3A_94 = vector.shape_cast %get3A_93 : vector<1x16xf32> to vector<16xf32>
      %add3A_95 = arith.addf %get3A_90, %get3A_94 : vector<16xf32>
      %swap3A_96 = arith.index_cast %scan3A_74 : i32 to index
      %swap3A_97 = arith.constant 16 : index
      %swap3A_98 = tpu.vector_load %arg11[%swap3A_96, %swap3A_97] {strides = array<i32>} : memref<80x128xf32, #tpu.memory_space<vmem>>, vector<1x16xf32>,
      %swap3A_99 = vector.shape_cast %swap3A_98 : vector<1x16xf32> to vector<16xf32>
      %swap3A_100 = vector.shape_cast %add3A_95 : vector<16xf32> to vector<1x16xf32>
      tpu.vector_store %arg11[%swap3A_96, %swap3A_97], %swap3A_100 {strides = array<i32>} : memref<80x128xf32, #tpu.memory_space<vmem>>, vector<1x16xf32>,
      %get3A_101 = arith.index_cast %scan3A_74 : i32 to index
      %get3A_102 = arith.constant 32 : index
      %get3A_103 = tpu.vector_load %arg9[%get3A_101, %get3A_102] {strides = array<i32>} : memref<80x128xf32, #tpu.memory_space<vmem>>, vector<1x16xf32>,
      %get3A_104 = vector.shape_cast %get3A_103 : vector<1x16xf32> to vector<16xf32>
      %get3A_105 = arith.index_cast %scan3A_74 : i32 to index
      %get3A_106 = arith.constant 32 : index
      %get3A_107 = tpu.vector_load %arg10[%get3A_105, %get3A_106] {strides = array<i32>} : memref<80x128xf32, #tpu.memory_space<vmem>>, vector<1x16xf32>,
      %get3A_108 = vector.shape_cast %get3A_107 : vector<1x16xf32> to vector<16xf32>
      %add3A_109 = arith.addf %get3A_104, %get3A_108 : vector<16xf32>
      %swap3A_110 = arith.index_cast %scan3A_74 : i32 to index
      %swap3A_111 = arith.constant 32 : index
      %swap3A_112 = tpu.vector_load %arg11[%swap3A_110, %swap3A_111] {strides = array<i32>} : memref<80x128xf32, #tpu.memory_space<vmem>>, vector<1x16xf32>,
      %swap3A_113 = vector.shape_cast %swap3A_112 : vector<1x16xf32> to vector<16xf32>
      %swap3A_114 = vector.shape_cast %add3A_109 : vector<16xf32> to vector<1x16xf32>
      tpu.vector_store %arg11[%swap3A_110, %swap3A_111], %swap3A_114 {strides = array<i32>} : memref<80x128xf32, #tpu.memory_space<vmem>>, vector<1x16xf32>,
      %get3A_115 = arith.index_cast %scan3A_74 : i32 to index
      %get3A_116 = arith.constant 48 : index
      %get3A_117 = tpu.vector_load %arg9[%get3A_115, %get3A_116] {strides = array<i32>} : memref<80x128xf32, #tpu.memory_space<vmem>>, vector<1x16xf32>,
      %get3A_118 = vector.shape_cast %get3A_117 : vector<1x16xf32> to vector<16xf32>
      %get3A_119 = arith.index_cast %scan3A_74 : i32 to index
      %get3A_120 = arith.constant 48 : index
      %get3A_121 = tpu.vector_load %arg10[%get3A_119, %get3A_120] {strides = array<i32>} : memref<80x128xf32, #tpu.memory_space<vmem>>, vector<1x16xf32>,
      %get3A_122 = vector.shape_cast %get3A_121 : vector<1x16xf32> to vector<16xf32>
      %add3A_123 = arith.addf %get3A_118, %get3A_122 : vector<16xf32>
      %swap3A_124 = arith.index_cast %scan3A_74 : i32 to index
      %swap3A_125 = arith.constant 48 : index
      %swap3A_126 = tpu.vector_load %arg11[%swap3A_124, %swap3A_125] {strides = array<i32>} : memref<80x128xf32, #tpu.memory_space<vmem>>, vector<1x16xf32>,
      %swap3A_127 = vector.shape_cast %swap3A_126 : vector<1x16xf32> to vector<16xf32>
      %swap3A_128 = vector.shape_cast %add3A_123 : vector<16xf32> to vector<1x16xf32>
      tpu.vector_store %arg11[%swap3A_124, %swap3A_125], %swap3A_128 {strides = array<i32>} : memref<80x128xf32, #tpu.memory_space<vmem>>, vector<1x16xf32>,
      %get3A_129 = arith.index_cast %scan3A_74 : i32 to index
      %get3A_130 = arith.constant 64 : index
      %get3A_131 = tpu.vector_load %arg9[%get3A_129, %get3A_130] {strides = array<i32>} : memref<80x128xf32, #tpu.memory_space<vmem>>, vector<1x16xf32>,
      %get3A_132 = vector.shape_cast %get3A_131 : vector<1x16xf32> to vector<16xf32>
      %get3A_133 = arith.index_cast %scan3A_74 : i32 to index
      %get3A_134 = arith.constant 64 : index
      %get3A_135 = tpu.vector_load %arg10[%get3A_133, %get3A_134] {strides = array<i32>} : memref<80x128xf32, #tpu.memory_space<vmem>>, vector<1x16xf32>,
      %get3A_136 = vector.shape_cast %get3A_135 : vector<1x16xf32> to vector<16xf32>
      %add3A_137 = arith.addf %get3A_132, %get3A_136 : vector<16xf32>
      %swap3A_138 = arith.index_cast %scan3A_74 : i32 to index
      %swap3A_139 = arith.constant 64 : index
      %swap3A_140 = tpu.vector_load %arg11[%swap3A_138, %swap3A_139] {strides = array<i32>} : memref<80x128xf32, #tpu.memory_space<vmem>>, vector<1x16xf32>,
      %swap3A_141 = vector.shape_cast %swap3A_140 : vector<1x16xf32> to vector<16xf32>
      %swap3A_142 = vector.shape_cast %add3A_137 : vector<16xf32> to vector<1x16xf32>
      tpu.vector_store %arg11[%swap3A_138, %swap3A_139], %swap3A_142 {strides = array<i32>} : memref<80x128xf32, #tpu.memory_space<vmem>>, vector<1x16xf32>,
      %get3A_143 = arith.index_cast %scan3A_74 : i32 to index
      %get3A_144 = arith.constant 80 : index
      %get3A_145 = tpu.vector_load %arg9[%get3A_143, %get3A_144] {strides = array<i32>} : memref<80x128xf32, #tpu.memory_space<vmem>>, vector<1x16xf32>,
      %get3A_146 = vector.shape_cast %get3A_145 : vector<1x16xf32> to vector<16xf32>
      %get3A_147 = arith.index_cast %scan3A_74 : i32 to index
      %get3A_148 = arith.constant 80 : index
      %get3A_149 = tpu.vector_load %arg10[%get3A_147, %get3A_148] {strides = array<i32>} : memref<80x128xf32, #tpu.memory_space<vmem>>, vector<1x16xf32>,
      %get3A_150 = vector.shape_cast %get3A_149 : vector<1x16xf32> to vector<16xf32>
      %add3A_151 = arith.addf %get3A_146, %get3A_150 : vector<16xf32>
      %swap3A_152 = arith.index_cast %scan3A_74 : i32 to index
      %swap3A_153 = arith.constant 80 : index
      %swap3A_154 = tpu.vector_load %arg11[%swap3A_152, %swap3A_153] {strides = array<i32>} : memref<80x128xf32, #tpu.memory_space<vmem>>, vector<1x16xf32>,
      %swap3A_155 = vector.shape_cast %swap3A_154 : vector<1x16xf32> to vector<16xf32>
      %swap3A_156 = vector.shape_cast %add3A_151 : vector<16xf32> to vector<1x16xf32>
      tpu.vector_store %arg11[%swap3A_152, %swap3A_153], %swap3A_156 {strides = array<i32>} : memref<80x128xf32, #tpu.memory_space<vmem>>, vector<1x16xf32>,
      %get3A_157 = arith.index_cast %scan3A_74 : i32 to index
      %get3A_158 = arith.constant 96 : index
      %get3A_159 = tpu.vector_load %arg9[%get3A_157, %get3A_158] {strides = array<i32>} : memref<80x128xf32, #tpu.memory_space<vmem>>, vector<1x16xf32>,
      %get3A_160 = vector.shape_cast %get3A_159 : vector<1x16xf32> to vector<16xf32>
      %get3A_161 = arith.index_cast %scan3A_74 : i32 to index
      %get3A_162 = arith.constant 96 : index
      %get3A_163 = tpu.vector_load %arg10[%get3A_161, %get3A_162] {strides = array<i32>} : memref<80x128xf32, #tpu.memory_space<vmem>>, vector<1x16xf32>,
      %get3A_164 = vector.shape_cast %get3A_163 : vector<1x16xf32> to vector<16xf32>
      %add3A_165 = arith.addf %get3A_160, %get3A_164 : vector<16xf32>
      %swap3A_166 = arith.index_cast %scan3A_74 : i32 to index
      %swap3A_167 = arith.constant 96 : index
      %swap3A_168 = tpu.vector_load %arg11[%swap3A_166, %swap3A_167] {strides = array<i32>} : memref<80x128xf32, #tpu.memory_space<vmem>>, vector<1x16xf32>,
      %swap3A_169 = vector.shape_cast %swap3A_168 : vector<1x16xf32> to vector<16xf32>
      %swap3A_170 = vector.shape_cast %add3A_165 : vector<16xf32> to vector<1x16xf32>
      tpu.vector_store %arg11[%swap3A_166, %swap3A_167], %swap3A_170 {strides = array<i32>} : memref<80x128xf32, #tpu.memory_space<vmem>>, vector<1x16xf32>,
      %get3A_171 = arith.index_cast %scan3A_74 : i32 to index
      %get3A_172 = arith.constant 112 : index
      %get3A_173 = tpu.vector_load %arg9[%get3A_171, %get3A_172] {strides = array<i32>} : memref<80x128xf32, #tpu.memory_space<vmem>>, vector<1x16xf32>,
      %get3A_174 = vector.shape_cast %get3A_173 : vector<1x16xf32> to vector<16xf32>
      %get3A_175 = arith.index_cast %scan3A_74 : i32 to index
      %get3A_176 = arith.constant 112 : index
      %get3A_177 = tpu.vector_load %arg10[%get3A_175, %get3A_176] {strides = array<i32>} : memref<80x128xf32, #tpu.memory_space<vmem>>, vector<1x16xf32>,
      %get3A_178 = vector.shape_cast %get3A_177 : vector<1x16xf32> to vector<16xf32>
      %add3A_179 = arith.addf %get3A_174, %get3A_178 : vector<16xf32>
      %swap3A_180 = arith.index_cast %scan3A_74 : i32 to index
      %swap3A_181 = arith.constant 112 : index
      %swap3A_182 = tpu.vector_load %arg11[%swap3A_180, %swap3A_181] {strides = array<i32>} : memref<80x128xf32, #tpu.memory_space<vmem>>, vector<1x16xf32>,
      %swap3A_183 = vector.shape_cast %swap3A_182 : vector<1x16xf32> to vector<16xf32>
      %swap3A_184 = vector.shape_cast %add3A_179 : vector<16xf32> to vector<1x16xf32>
      tpu.vector_store %arg11[%swap3A_180, %swap3A_181], %swap3A_184 {strides = array<i32>} : memref<80x128xf32, #tpu.memory_space<vmem>>, vector<1x16xf32>,
    }
    %scan3A_59 = arith.constant 80 : i32
    %dma_start3A_60 = arith.constant 0 : i32
    %dma_start3A_61 = tpu.memref_slice %arg6[%add3A_49, %dma_start3A_60] : memref<320000x128xf32, #tpu.memory_space<hbm>> -> memref<80x128xf32, #tpu.memory_space<hbm>>
    %dma_start3A_62 = arith.constant 0 : i32
    %dma_start3A_63 = tpu.memref_slice %arg6[%add3A_49, %dma_start3A_62] : memref<320000x128xf32, #tpu.memory_space<hbm>> -> memref<80x128xf32, #tpu.memory_space<hbm>>
    tpu.enqueue_dma source(%arg11 : memref<80x128xf32, #tpu.memory_space<vmem>>) target(%dma_start3A_63 : memref<80x128xf32, #tpu.memory_space<hbm>>) target_semaphore(%arg17 : memref<!tpu.dma_semaphore, #tpu.memory_space<semaphore_mem>>)
    %mul3A_64 = arith.constant 10000 : i32
    %mul3A_65 = arith.muli %add3A, %mul3A_64 : i32
    %dma_wait3A_66 = arith.constant 0 : i32
    %dma_wait3A_67 = tpu.memref_slice %arg6[%mul3A_65, %dma_wait3A_66] : memref<320000x128xf32, #tpu.memory_space<hbm>> -> memref<80x128xf32, #tpu.memory_space<hbm>>
    %dma_wait3A_68 = arith.constant 0 : i32
    %dma_wait3A_69 = tpu.memref_slice %arg6[%mul3A_65, %dma_wait3A_68] : memref<320000x128xf32, #tpu.memory_space<hbm>> -> memref<80x128xf32, #tpu.memory_space<hbm>>
    tpu.wait_dma2 semaphore(%arg17 : memref<!tpu.dma_semaphore, #tpu.memory_space<semaphore_mem>>) src(%arg11 : memref<80x128xf32, #tpu.memory_space<vmem>>) dst(%dma_wait3A_69 : memref<80x128xf32, #tpu.memory_space<hbm>>)
    %dma_wait3A_70 = arith.constant 0 : i32
    %dma_wait3A_71 = tpu.memref_slice %arg6[%mul3A_65, %dma_wait3A_70] : memref<320000x128xf32, #tpu.memory_space<hbm>> -> memref<80x128xf32, #tpu.memory_space<hbm>>
    %dma_wait3A_72 = arith.constant 0 : i32
    %dma_wait3A_73 = tpu.memref_slice %arg6[%mul3A_65, %dma_wait3A_72] : memref<320000x128xf32, #tpu.memory_space<hbm>> -> memref<80x128xf32, #tpu.memory_space<hbm>>
    tpu.wait_dma2 semaphore(%arg18 : memref<!tpu.dma_semaphore, #tpu.memory_space<semaphore_mem>>) src(%arg14 : memref<80x128xf32, #tpu.memory_space<vmem>>) dst(%dma_wait3A_73 : memref<80x128xf32, #tpu.memory_space<hbm>>)
    return
  }
}

#map = affine_map<(d0, d1) -> (0, 0, 0)>
#map1 = affine_map<(d0, d1) -> (0, 0)>
module attributes {stable_mosaic.version = 14 : i64} {
  func.func @_cnts_body(%arg0: i32, %arg1: i32, %arg2: memref<32x125x80xi32, #tpu.memory_space<hbm>>, %arg3: memref<20480x128xf32, #tpu.memory_space<hbm>>, %arg4: memref<80x128xf32, #tpu.memory_space<vmem>>, %arg5: memref<125x80xi32, #tpu.memory_space<vmem>>, %arg6: memref<10240x128xf32, #tpu.memory_space<vmem_shared>>, %arg7: memref<!tpu.dma_semaphore, #tpu.memory_space<semaphore_mem>>) attributes {dimension_semantics = [#tpu.dimension_semantics<core_parallel>, #tpu.dimension_semantics<subcore_parallel>], iteration_bounds = array<i64: 2, 16>, scalar_prefetch = 0 : i64, scratch_operands = 4 : i64, tpu.core_type = #tpu.core_type<sc_vector_subcore>, window_params = [{transform_indices = #map}, {transform_indices = #map1}]} {
    %mul3A = arith.constant 2 : i32
    %mul3A_0 = arith.muli %arg1, %mul3A : i32
    %add3A = arith.addi %mul3A_0, %arg0 : i32
    %broadcast_in_dim3A = arith.constant 1.000000e+00 : f32
    %broadcast_in_dim3A_1 = vector.broadcast %broadcast_in_dim3A : f32 to vector<16xf32>
    %broadcast_in_dim3A_2 = arith.constant 0.000000e+00 : f32
    %broadcast_in_dim3A_3 = vector.broadcast %broadcast_in_dim3A_2 : f32 to vector<16xf32>
    %scan3A = arith.constant 0 : i32
    %scan3A_4 = arith.constant 0 : i32
    %scan3A_5 = arith.constant 80 : i32
    %scan3A_6 = arith.addi %scan3A_4, %scan3A_5 : i32
    %scan3A_7 = arith.constant 1 : i32
    scf.for %scan3A_142 = %scan3A_4 to %scan3A_6 step %scan3A_7  : i32 {
      %swap3A = arith.index_cast %scan3A_142 : i32 to index
      %swap3A_143 = arith.constant 0 : index
      %swap3A_144 = tpu.vector_load %arg4[%swap3A, %swap3A_143] {strides = array<i32>} : memref<80x128xf32, #tpu.memory_space<vmem>>, vector<1x16xf32>,
      %swap3A_145 = vector.shape_cast %swap3A_144 : vector<1x16xf32> to vector<16xf32>
      %swap3A_146 = vector.shape_cast %broadcast_in_dim3A_3 : vector<16xf32> to vector<1x16xf32>
      tpu.vector_store %arg4[%swap3A, %swap3A_143], %swap3A_146 {strides = array<i32>} : memref<80x128xf32, #tpu.memory_space<vmem>>, vector<1x16xf32>,
      %swap3A_147 = arith.index_cast %scan3A_142 : i32 to index
      %swap3A_148 = arith.constant 16 : index
      %swap3A_149 = tpu.vector_load %arg4[%swap3A_147, %swap3A_148] {strides = array<i32>} : memref<80x128xf32, #tpu.memory_space<vmem>>, vector<1x16xf32>,
      %swap3A_150 = vector.shape_cast %swap3A_149 : vector<1x16xf32> to vector<16xf32>
      %swap3A_151 = vector.shape_cast %broadcast_in_dim3A_3 : vector<16xf32> to vector<1x16xf32>
      tpu.vector_store %arg4[%swap3A_147, %swap3A_148], %swap3A_151 {strides = array<i32>} : memref<80x128xf32, #tpu.memory_space<vmem>>, vector<1x16xf32>,
      %swap3A_152 = arith.index_cast %scan3A_142 : i32 to index
      %swap3A_153 = arith.constant 32 : index
      %swap3A_154 = tpu.vector_load %arg4[%swap3A_152, %swap3A_153] {strides = array<i32>} : memref<80x128xf32, #tpu.memory_space<vmem>>, vector<1x16xf32>,
      %swap3A_155 = vector.shape_cast %swap3A_154 : vector<1x16xf32> to vector<16xf32>
      %swap3A_156 = vector.shape_cast %broadcast_in_dim3A_3 : vector<16xf32> to vector<1x16xf32>
      tpu.vector_store %arg4[%swap3A_152, %swap3A_153], %swap3A_156 {strides = array<i32>} : memref<80x128xf32, #tpu.memory_space<vmem>>, vector<1x16xf32>,
      %swap3A_157 = arith.index_cast %scan3A_142 : i32 to index
      %swap3A_158 = arith.constant 48 : index
      %swap3A_159 = tpu.vector_load %arg4[%swap3A_157, %swap3A_158] {strides = array<i32>} : memref<80x128xf32, #tpu.memory_space<vmem>>, vector<1x16xf32>,
      %swap3A_160 = vector.shape_cast %swap3A_159 : vector<1x16xf32> to vector<16xf32>
      %swap3A_161 = vector.shape_cast %broadcast_in_dim3A_3 : vector<16xf32> to vector<1x16xf32>
      tpu.vector_store %arg4[%swap3A_157, %swap3A_158], %swap3A_161 {strides = array<i32>} : memref<80x128xf32, #tpu.memory_space<vmem>>, vector<1x16xf32>,
      %swap3A_162 = arith.index_cast %scan3A_142 : i32 to index
      %swap3A_163 = arith.constant 64 : index
      %swap3A_164 = tpu.vector_load %arg4[%swap3A_162, %swap3A_163] {strides = array<i32>} : memref<80x128xf32, #tpu.memory_space<vmem>>, vector<1x16xf32>,
      %swap3A_165 = vector.shape_cast %swap3A_164 : vector<1x16xf32> to vector<16xf32>
      %swap3A_166 = vector.shape_cast %broadcast_in_dim3A_3 : vector<16xf32> to vector<1x16xf32>
      tpu.vector_store %arg4[%swap3A_162, %swap3A_163], %swap3A_166 {strides = array<i32>} : memref<80x128xf32, #tpu.memory_space<vmem>>, vector<1x16xf32>,
      %swap3A_167 = arith.index_cast %scan3A_142 : i32 to index
      %swap3A_168 = arith.constant 80 : index
      %swap3A_169 = tpu.vector_load %arg4[%swap3A_167, %swap3A_168] {strides = array<i32>} : memref<80x128xf32, #tpu.memory_space<vmem>>, vector<1x16xf32>,
      %swap3A_170 = vector.shape_cast %swap3A_169 : vector<1x16xf32> to vector<16xf32>
      %swap3A_171 = vector.shape_cast %broadcast_in_dim3A_3 : vector<16xf32> to vector<1x16xf32>
      tpu.vector_store %arg4[%swap3A_167, %swap3A_168], %swap3A_171 {strides = array<i32>} : memref<80x128xf32, #tpu.memory_space<vmem>>, vector<1x16xf32>,
      %swap3A_172 = arith.index_cast %scan3A_142 : i32 to index
      %swap3A_173 = arith.constant 96 : index
      %swap3A_174 = tpu.vector_load %arg4[%swap3A_172, %swap3A_173] {strides = array<i32>} : memref<80x128xf32, #tpu.memory_space<vmem>>, vector<1x16xf32>,
      %swap3A_175 = vector.shape_cast %swap3A_174 : vector<1x16xf32> to vector<16xf32>
      %swap3A_176 = vector.shape_cast %broadcast_in_dim3A_3 : vector<16xf32> to vector<1x16xf32>
      tpu.vector_store %arg4[%swap3A_172, %swap3A_173], %swap3A_176 {strides = array<i32>} : memref<80x128xf32, #tpu.memory_space<vmem>>, vector<1x16xf32>,
      %swap3A_177 = arith.index_cast %scan3A_142 : i32 to index
      %swap3A_178 = arith.constant 112 : index
      %swap3A_179 = tpu.vector_load %arg4[%swap3A_177, %swap3A_178] {strides = array<i32>} : memref<80x128xf32, #tpu.memory_space<vmem>>, vector<1x16xf32>,
      %swap3A_180 = vector.shape_cast %swap3A_179 : vector<1x16xf32> to vector<16xf32>
      %swap3A_181 = vector.shape_cast %broadcast_in_dim3A_3 : vector<16xf32> to vector<1x16xf32>
      tpu.vector_store %arg4[%swap3A_177, %swap3A_178], %swap3A_181 {strides = array<i32>} : memref<80x128xf32, #tpu.memory_space<vmem>>, vector<1x16xf32>,
    }
    %scan3A_8 = arith.constant 80 : i32
    %mul3A_9 = arith.constant 640 : i32
    %mul3A_10 = arith.muli %arg1, %mul3A_9 : i32
    %add3A_11 = arith.constant 0 : i32
    %add3A_12 = arith.addi %mul3A_10, %add3A_11 : i32
    "tpu.region"() ({
      %run_scoped3A = tpu.sem_alloc : memref<!tpu.dma_semaphore, #tpu.memory_space<semaphore_mem>>
      %dma_start3A = arith.constant 0 : i32
      %dma_start3A_142 = tpu.memref_slice %arg6[%add3A_12, %dma_start3A] : memref<10240x128xf32, #tpu.memory_space<vmem_shared>> -> memref<80x128xf32, #tpu.memory_space<vmem_shared>>
      %dma_start3A_143 = arith.constant 0 : i32
      %dma_start3A_144 = tpu.memref_slice %arg6[%add3A_12, %dma_start3A_143] : memref<10240x128xf32, #tpu.memory_space<vmem_shared>> -> memref<80x128xf32, #tpu.memory_space<vmem_shared>>
      tpu.enqueue_dma source(%arg4 : memref<80x128xf32, #tpu.memory_space<vmem>>) target(%dma_start3A_144 : memref<80x128xf32, #tpu.memory_space<vmem_shared>>) target_semaphore(%run_scoped3A : memref<!tpu.dma_semaphore, #tpu.memory_space<semaphore_mem>>)
      %dma_wait3A = arith.constant 0 : i32
      %dma_wait3A_145 = tpu.memref_slice %arg6[%add3A_12, %dma_wait3A] : memref<10240x128xf32, #tpu.memory_space<vmem_shared>> -> memref<80x128xf32, #tpu.memory_space<vmem_shared>>
      %dma_wait3A_146 = arith.constant 0 : i32
      %dma_wait3A_147 = tpu.memref_slice %arg6[%add3A_12, %dma_wait3A_146] : memref<10240x128xf32, #tpu.memory_space<vmem_shared>> -> memref<80x128xf32, #tpu.memory_space<vmem_shared>>
      tpu.wait_dma2 semaphore(%run_scoped3A : memref<!tpu.dma_semaphore, #tpu.memory_space<semaphore_mem>>) src(%arg4 : memref<80x128xf32, #tpu.memory_space<vmem>>) dst(%dma_wait3A_147 : memref<80x128xf32, #tpu.memory_space<vmem_shared>>)
      tpu.yield
    }) : () -> ()
    %mul3A_13 = arith.constant 640 : i32
    %mul3A_14 = arith.muli %arg1, %mul3A_13 : i32
    %add3A_15 = arith.constant 80 : i32
    %add3A_16 = arith.addi %mul3A_14, %add3A_15 : i32
    "tpu.region"() ({
      %run_scoped3A = tpu.sem_alloc : memref<!tpu.dma_semaphore, #tpu.memory_space<semaphore_mem>>
      %dma_start3A = arith.constant 0 : i32
      %dma_start3A_142 = tpu.memref_slice %arg6[%add3A_16, %dma_start3A] : memref<10240x128xf32, #tpu.memory_space<vmem_shared>> -> memref<80x128xf32, #tpu.memory_space<vmem_shared>>
      %dma_start3A_143 = arith.constant 0 : i32
      %dma_start3A_144 = tpu.memref_slice %arg6[%add3A_16, %dma_start3A_143] : memref<10240x128xf32, #tpu.memory_space<vmem_shared>> -> memref<80x128xf32, #tpu.memory_space<vmem_shared>>
      tpu.enqueue_dma source(%arg4 : memref<80x128xf32, #tpu.memory_space<vmem>>) target(%dma_start3A_144 : memref<80x128xf32, #tpu.memory_space<vmem_shared>>) target_semaphore(%run_scoped3A : memref<!tpu.dma_semaphore, #tpu.memory_space<semaphore_mem>>)
      %dma_wait3A = arith.constant 0 : i32
      %dma_wait3A_145 = tpu.memref_slice %arg6[%add3A_16, %dma_wait3A] : memref<10240x128xf32, #tpu.memory_space<vmem_shared>> -> memref<80x128xf32, #tpu.memory_space<vmem_shared>>
      %dma_wait3A_146 = arith.constant 0 : i32
      %dma_wait3A_147 = tpu.memref_slice %arg6[%add3A_16, %dma_wait3A_146] : memref<10240x128xf32, #tpu.memory_space<vmem_shared>> -> memref<80x128xf32, #tpu.memory_space<vmem_shared>>
      tpu.wait_dma2 semaphore(%run_scoped3A : memref<!tpu.dma_semaphore, #tpu.memory_space<semaphore_mem>>) src(%arg4 : memref<80x128xf32, #tpu.memory_space<vmem>>) dst(%dma_wait3A_147 : memref<80x128xf32, #tpu.memory_space<vmem_shared>>)
      tpu.yield
    }) : () -> ()
    %mul3A_17 = arith.constant 640 : i32
    %mul3A_18 = arith.muli %arg1, %mul3A_17 : i32
    %add3A_19 = arith.constant 160 : i32
    %add3A_20 = arith.addi %mul3A_18, %add3A_19 : i32
    "tpu.region"() ({
      %run_scoped3A = tpu.sem_alloc : memref<!tpu.dma_semaphore, #tpu.memory_space<semaphore_mem>>
      %dma_start3A = arith.constant 0 : i32
      %dma_start3A_142 = tpu.memref_slice %arg6[%add3A_20, %dma_start3A] : memref<10240x128xf32, #tpu.memory_space<vmem_shared>> -> memref<80x128xf32, #tpu.memory_space<vmem_shared>>
      %dma_start3A_143 = arith.constant 0 : i32
      %dma_start3A_144 = tpu.memref_slice %arg6[%add3A_20, %dma_start3A_143] : memref<10240x128xf32, #tpu.memory_space<vmem_shared>> -> memref<80x128xf32, #tpu.memory_space<vmem_shared>>
      tpu.enqueue_dma source(%arg4 : memref<80x128xf32, #tpu.memory_space<vmem>>) target(%dma_start3A_144 : memref<80x128xf32, #tpu.memory_space<vmem_shared>>) target_semaphore(%run_scoped3A : memref<!tpu.dma_semaphore, #tpu.memory_space<semaphore_mem>>)
      %dma_wait3A = arith.constant 0 : i32
      %dma_wait3A_145 = tpu.memref_slice %arg6[%add3A_20, %dma_wait3A] : memref<10240x128xf32, #tpu.memory_space<vmem_shared>> -> memref<80x128xf32, #tpu.memory_space<vmem_shared>>
      %dma_wait3A_146 = arith.constant 0 : i32
      %dma_wait3A_147 = tpu.memref_slice %arg6[%add3A_20, %dma_wait3A_146] : memref<10240x128xf32, #tpu.memory_space<vmem_shared>> -> memref<80x128xf32, #tpu.memory_space<vmem_shared>>
      tpu.wait_dma2 semaphore(%run_scoped3A : memref<!tpu.dma_semaphore, #tpu.memory_space<semaphore_mem>>) src(%arg4 : memref<80x128xf32, #tpu.memory_space<vmem>>) dst(%dma_wait3A_147 : memref<80x128xf32, #tpu.memory_space<vmem_shared>>)
      tpu.yield
    }) : () -> ()
    %mul3A_21 = arith.constant 640 : i32
    %mul3A_22 = arith.muli %arg1, %mul3A_21 : i32
    %add3A_23 = arith.constant 240 : i32
    %add3A_24 = arith.addi %mul3A_22, %add3A_23 : i32
    "tpu.region"() ({
      %run_scoped3A = tpu.sem_alloc : memref<!tpu.dma_semaphore, #tpu.memory_space<semaphore_mem>>
      %dma_start3A = arith.constant 0 : i32
      %dma_start3A_142 = tpu.memref_slice %arg6[%add3A_24, %dma_start3A] : memref<10240x128xf32, #tpu.memory_space<vmem_shared>> -> memref<80x128xf32, #tpu.memory_space<vmem_shared>>
      %dma_start3A_143 = arith.constant 0 : i32
      %dma_start3A_144 = tpu.memref_slice %arg6[%add3A_24, %dma_start3A_143] : memref<10240x128xf32, #tpu.memory_space<vmem_shared>> -> memref<80x128xf32, #tpu.memory_space<vmem_shared>>
      tpu.enqueue_dma source(%arg4 : memref<80x128xf32, #tpu.memory_space<vmem>>) target(%dma_start3A_144 : memref<80x128xf32, #tpu.memory_space<vmem_shared>>) target_semaphore(%run_scoped3A : memref<!tpu.dma_semaphore, #tpu.memory_space<semaphore_mem>>)
      %dma_wait3A = arith.constant 0 : i32
      %dma_wait3A_145 = tpu.memref_slice %arg6[%add3A_24, %dma_wait3A] : memref<10240x128xf32, #tpu.memory_space<vmem_shared>> -> memref<80x128xf32, #tpu.memory_space<vmem_shared>>
      %dma_wait3A_146 = arith.constant 0 : i32
      %dma_wait3A_147 = tpu.memref_slice %arg6[%add3A_24, %dma_wait3A_146] : memref<10240x128xf32, #tpu.memory_space<vmem_shared>> -> memref<80x128xf32, #tpu.memory_space<vmem_shared>>
      tpu.wait_dma2 semaphore(%run_scoped3A : memref<!tpu.dma_semaphore, #tpu.memory_space<semaphore_mem>>) src(%arg4 : memref<80x128xf32, #tpu.memory_space<vmem>>) dst(%dma_wait3A_147 : memref<80x128xf32, #tpu.memory_space<vmem_shared>>)
      tpu.yield
    }) : () -> ()
    %mul3A_25 = arith.constant 640 : i32
    %mul3A_26 = arith.muli %arg1, %mul3A_25 : i32
    %add3A_27 = arith.constant 320 : i32
    %add3A_28 = arith.addi %mul3A_26, %add3A_27 : i32
    "tpu.region"() ({
      %run_scoped3A = tpu.sem_alloc : memref<!tpu.dma_semaphore, #tpu.memory_space<semaphore_mem>>
      %dma_start3A = arith.constant 0 : i32
      %dma_start3A_142 = tpu.memref_slice %arg6[%add3A_28, %dma_start3A] : memref<10240x128xf32, #tpu.memory_space<vmem_shared>> -> memref<80x128xf32, #tpu.memory_space<vmem_shared>>
      %dma_start3A_143 = arith.constant 0 : i32
      %dma_start3A_144 = tpu.memref_slice %arg6[%add3A_28, %dma_start3A_143] : memref<10240x128xf32, #tpu.memory_space<vmem_shared>> -> memref<80x128xf32, #tpu.memory_space<vmem_shared>>
      tpu.enqueue_dma source(%arg4 : memref<80x128xf32, #tpu.memory_space<vmem>>) target(%dma_start3A_144 : memref<80x128xf32, #tpu.memory_space<vmem_shared>>) target_semaphore(%run_scoped3A : memref<!tpu.dma_semaphore, #tpu.memory_space<semaphore_mem>>)
      %dma_wait3A = arith.constant 0 : i32
      %dma_wait3A_145 = tpu.memref_slice %arg6[%add3A_28, %dma_wait3A] : memref<10240x128xf32, #tpu.memory_space<vmem_shared>> -> memref<80x128xf32, #tpu.memory_space<vmem_shared>>
      %dma_wait3A_146 = arith.constant 0 : i32
      %dma_wait3A_147 = tpu.memref_slice %arg6[%add3A_28, %dma_wait3A_146] : memref<10240x128xf32, #tpu.memory_space<vmem_shared>> -> memref<80x128xf32, #tpu.memory_space<vmem_shared>>
      tpu.wait_dma2 semaphore(%run_scoped3A : memref<!tpu.dma_semaphore, #tpu.memory_space<semaphore_mem>>) src(%arg4 : memref<80x128xf32, #tpu.memory_space<vmem>>) dst(%dma_wait3A_147 : memref<80x128xf32, #tpu.memory_space<vmem_shared>>)
      tpu.yield
    }) : () -> ()
    %mul3A_29 = arith.constant 640 : i32
    %mul3A_30 = arith.muli %arg1, %mul3A_29 : i32
    %add3A_31 = arith.constant 400 : i32
    %add3A_32 = arith.addi %mul3A_30, %add3A_31 : i32
    "tpu.region"() ({
      %run_scoped3A = tpu.sem_alloc : memref<!tpu.dma_semaphore, #tpu.memory_space<semaphore_mem>>
      %dma_start3A = arith.constant 0 : i32
      %dma_start3A_142 = tpu.memref_slice %arg6[%add3A_32, %dma_start3A] : memref<10240x128xf32, #tpu.memory_space<vmem_shared>> -> memref<80x128xf32, #tpu.memory_space<vmem_shared>>
      %dma_start3A_143 = arith.constant 0 : i32
      %dma_start3A_144 = tpu.memref_slice %arg6[%add3A_32, %dma_start3A_143] : memref<10240x128xf32, #tpu.memory_space<vmem_shared>> -> memref<80x128xf32, #tpu.memory_space<vmem_shared>>
      tpu.enqueue_dma source(%arg4 : memref<80x128xf32, #tpu.memory_space<vmem>>) target(%dma_start3A_144 : memref<80x128xf32, #tpu.memory_space<vmem_shared>>) target_semaphore(%run_scoped3A : memref<!tpu.dma_semaphore, #tpu.memory_space<semaphore_mem>>)
      %dma_wait3A = arith.constant 0 : i32
      %dma_wait3A_145 = tpu.memref_slice %arg6[%add3A_32, %dma_wait3A] : memref<10240x128xf32, #tpu.memory_space<vmem_shared>> -> memref<80x128xf32, #tpu.memory_space<vmem_shared>>
      %dma_wait3A_146 = arith.constant 0 : i32
      %dma_wait3A_147 = tpu.memref_slice %arg6[%add3A_32, %dma_wait3A_146] : memref<10240x128xf32, #tpu.memory_space<vmem_shared>> -> memref<80x128xf32, #tpu.memory_space<vmem_shared>>
      tpu.wait_dma2 semaphore(%run_scoped3A : memref<!tpu.dma_semaphore, #tpu.memory_space<semaphore_mem>>) src(%arg4 : memref<80x128xf32, #tpu.memory_space<vmem>>) dst(%dma_wait3A_147 : memref<80x128xf32, #tpu.memory_space<vmem_shared>>)
      tpu.yield
    }) : () -> ()
    %mul3A_33 = arith.constant 640 : i32
    %mul3A_34 = arith.muli %arg1, %mul3A_33 : i32
    %add3A_35 = arith.constant 480 : i32
    %add3A_36 = arith.addi %mul3A_34, %add3A_35 : i32
    "tpu.region"() ({
      %run_scoped3A = tpu.sem_alloc : memref<!tpu.dma_semaphore, #tpu.memory_space<semaphore_mem>>
      %dma_start3A = arith.constant 0 : i32
      %dma_start3A_142 = tpu.memref_slice %arg6[%add3A_36, %dma_start3A] : memref<10240x128xf32, #tpu.memory_space<vmem_shared>> -> memref<80x128xf32, #tpu.memory_space<vmem_shared>>
      %dma_start3A_143 = arith.constant 0 : i32
      %dma_start3A_144 = tpu.memref_slice %arg6[%add3A_36, %dma_start3A_143] : memref<10240x128xf32, #tpu.memory_space<vmem_shared>> -> memref<80x128xf32, #tpu.memory_space<vmem_shared>>
      tpu.enqueue_dma source(%arg4 : memref<80x128xf32, #tpu.memory_space<vmem>>) target(%dma_start3A_144 : memref<80x128xf32, #tpu.memory_space<vmem_shared>>) target_semaphore(%run_scoped3A : memref<!tpu.dma_semaphore, #tpu.memory_space<semaphore_mem>>)
      %dma_wait3A = arith.constant 0 : i32
      %dma_wait3A_145 = tpu.memref_slice %arg6[%add3A_36, %dma_wait3A] : memref<10240x128xf32, #tpu.memory_space<vmem_shared>> -> memref<80x128xf32, #tpu.memory_space<vmem_shared>>
      %dma_wait3A_146 = arith.constant 0 : i32
      %dma_wait3A_147 = tpu.memref_slice %arg6[%add3A_36, %dma_wait3A_146] : memref<10240x128xf32, #tpu.memory_space<vmem_shared>> -> memref<80x128xf32, #tpu.memory_space<vmem_shared>>
      tpu.wait_dma2 semaphore(%run_scoped3A : memref<!tpu.dma_semaphore, #tpu.memory_space<semaphore_mem>>) src(%arg4 : memref<80x128xf32, #tpu.memory_space<vmem>>) dst(%dma_wait3A_147 : memref<80x128xf32, #tpu.memory_space<vmem_shared>>)
      tpu.yield
    }) : () -> ()
    %mul3A_37 = arith.constant 640 : i32
    %mul3A_38 = arith.muli %arg1, %mul3A_37 : i32
    %add3A_39 = arith.constant 560 : i32
    %add3A_40 = arith.addi %mul3A_38, %add3A_39 : i32
    "tpu.region"() ({
      %run_scoped3A = tpu.sem_alloc : memref<!tpu.dma_semaphore, #tpu.memory_space<semaphore_mem>>
      %dma_start3A = arith.constant 0 : i32
      %dma_start3A_142 = tpu.memref_slice %arg6[%add3A_40, %dma_start3A] : memref<10240x128xf32, #tpu.memory_space<vmem_shared>> -> memref<80x128xf32, #tpu.memory_space<vmem_shared>>
      %dma_start3A_143 = arith.constant 0 : i32
      %dma_start3A_144 = tpu.memref_slice %arg6[%add3A_40, %dma_start3A_143] : memref<10240x128xf32, #tpu.memory_space<vmem_shared>> -> memref<80x128xf32, #tpu.memory_space<vmem_shared>>
      tpu.enqueue_dma source(%arg4 : memref<80x128xf32, #tpu.memory_space<vmem>>) target(%dma_start3A_144 : memref<80x128xf32, #tpu.memory_space<vmem_shared>>) target_semaphore(%run_scoped3A : memref<!tpu.dma_semaphore, #tpu.memory_space<semaphore_mem>>)
      %dma_wait3A = arith.constant 0 : i32
      %dma_wait3A_145 = tpu.memref_slice %arg6[%add3A_40, %dma_wait3A] : memref<10240x128xf32, #tpu.memory_space<vmem_shared>> -> memref<80x128xf32, #tpu.memory_space<vmem_shared>>
      %dma_wait3A_146 = arith.constant 0 : i32
      %dma_wait3A_147 = tpu.memref_slice %arg6[%add3A_40, %dma_wait3A_146] : memref<10240x128xf32, #tpu.memory_space<vmem_shared>> -> memref<80x128xf32, #tpu.memory_space<vmem_shared>>
      tpu.wait_dma2 semaphore(%run_scoped3A : memref<!tpu.dma_semaphore, #tpu.memory_space<semaphore_mem>>) src(%arg4 : memref<80x128xf32, #tpu.memory_space<vmem>>) dst(%dma_wait3A_147 : memref<80x128xf32, #tpu.memory_space<vmem_shared>>)
      tpu.yield
    }) : () -> ()
    %scan3A_41 = arith.constant 0 : i32
    %scan3A_42 = arith.constant 0 : i32
    %scan3A_43 = arith.constant 80 : i32
    %scan3A_44 = arith.addi %scan3A_42, %scan3A_43 : i32
    %scan3A_45 = arith.constant 1 : i32
    scf.for %scan3A_142 = %scan3A_42 to %scan3A_44 step %scan3A_45  : i32 {
      %swap3A = arith.index_cast %scan3A_142 : i32 to index
      %swap3A_143 = arith.constant 0 : index
      %swap3A_144 = tpu.vector_load %arg4[%swap3A, %swap3A_143] {strides = array<i32>} : memref<80x128xf32, #tpu.memory_space<vmem>>, vector<1x16xf32>,
      %swap3A_145 = vector.shape_cast %swap3A_144 : vector<1x16xf32> to vector<16xf32>
      %swap3A_146 = vector.shape_cast %broadcast_in_dim3A_1 : vector<16xf32> to vector<1x16xf32>
      tpu.vector_store %arg4[%swap3A, %swap3A_143], %swap3A_146 {strides = array<i32>} : memref<80x128xf32, #tpu.memory_space<vmem>>, vector<1x16xf32>,
      %swap3A_147 = arith.index_cast %scan3A_142 : i32 to index
      %swap3A_148 = arith.constant 16 : index
      %swap3A_149 = tpu.vector_load %arg4[%swap3A_147, %swap3A_148] {strides = array<i32>} : memref<80x128xf32, #tpu.memory_space<vmem>>, vector<1x16xf32>,
      %swap3A_150 = vector.shape_cast %swap3A_149 : vector<1x16xf32> to vector<16xf32>
      %swap3A_151 = vector.shape_cast %broadcast_in_dim3A_1 : vector<16xf32> to vector<1x16xf32>
      tpu.vector_store %arg4[%swap3A_147, %swap3A_148], %swap3A_151 {strides = array<i32>} : memref<80x128xf32, #tpu.memory_space<vmem>>, vector<1x16xf32>,
      %swap3A_152 = arith.index_cast %scan3A_142 : i32 to index
      %swap3A_153 = arith.constant 32 : index
      %swap3A_154 = tpu.vector_load %arg4[%swap3A_152, %swap3A_153] {strides = array<i32>} : memref<80x128xf32, #tpu.memory_space<vmem>>, vector<1x16xf32>,
      %swap3A_155 = vector.shape_cast %swap3A_154 : vector<1x16xf32> to vector<16xf32>
      %swap3A_156 = vector.shape_cast %broadcast_in_dim3A_1 : vector<16xf32> to vector<1x16xf32>
      tpu.vector_store %arg4[%swap3A_152, %swap3A_153], %swap3A_156 {strides = array<i32>} : memref<80x128xf32, #tpu.memory_space<vmem>>, vector<1x16xf32>,
      %swap3A_157 = arith.index_cast %scan3A_142 : i32 to index
      %swap3A_158 = arith.constant 48 : index
      %swap3A_159 = tpu.vector_load %arg4[%swap3A_157, %swap3A_158] {strides = array<i32>} : memref<80x128xf32, #tpu.memory_space<vmem>>, vector<1x16xf32>,
      %swap3A_160 = vector.shape_cast %swap3A_159 : vector<1x16xf32> to vector<16xf32>
      %swap3A_161 = vector.shape_cast %broadcast_in_dim3A_1 : vector<16xf32> to vector<1x16xf32>
      tpu.vector_store %arg4[%swap3A_157, %swap3A_158], %swap3A_161 {strides = array<i32>} : memref<80x128xf32, #tpu.memory_space<vmem>>, vector<1x16xf32>,
      %swap3A_162 = arith.index_cast %scan3A_142 : i32 to index
      %swap3A_163 = arith.constant 64 : index
      %swap3A_164 = tpu.vector_load %arg4[%swap3A_162, %swap3A_163] {strides = array<i32>} : memref<80x128xf32, #tpu.memory_space<vmem>>, vector<1x16xf32>,
      %swap3A_165 = vector.shape_cast %swap3A_164 : vector<1x16xf32> to vector<16xf32>
      %swap3A_166 = vector.shape_cast %broadcast_in_dim3A_1 : vector<16xf32> to vector<1x16xf32>
      tpu.vector_store %arg4[%swap3A_162, %swap3A_163], %swap3A_166 {strides = array<i32>} : memref<80x128xf32, #tpu.memory_space<vmem>>, vector<1x16xf32>,
      %swap3A_167 = arith.index_cast %scan3A_142 : i32 to index
      %swap3A_168 = arith.constant 80 : index
      %swap3A_169 = tpu.vector_load %arg4[%swap3A_167, %swap3A_168] {strides = array<i32>} : memref<80x128xf32, #tpu.memory_space<vmem>>, vector<1x16xf32>,
      %swap3A_170 = vector.shape_cast %swap3A_169 : vector<1x16xf32> to vector<16xf32>
      %swap3A_171 = vector.shape_cast %broadcast_in_dim3A_1 : vector<16xf32> to vector<1x16xf32>
      tpu.vector_store %arg4[%swap3A_167, %swap3A_168], %swap3A_171 {strides = array<i32>} : memref<80x128xf32, #tpu.memory_space<vmem>>, vector<1x16xf32>,
      %swap3A_172 = arith.index_cast %scan3A_142 : i32 to index
      %swap3A_173 = arith.constant 96 : index
      %swap3A_174 = tpu.vector_load %arg4[%swap3A_172, %swap3A_173] {strides = array<i32>} : memref<80x128xf32, #tpu.memory_space<vmem>>, vector<1x16xf32>,
      %swap3A_175 = vector.shape_cast %swap3A_174 : vector<1x16xf32> to vector<16xf32>
      %swap3A_176 = vector.shape_cast %broadcast_in_dim3A_1 : vector<16xf32> to vector<1x16xf32>
      tpu.vector_store %arg4[%swap3A_172, %swap3A_173], %swap3A_176 {strides = array<i32>} : memref<80x128xf32, #tpu.memory_space<vmem>>, vector<1x16xf32>,
      %swap3A_177 = arith.index_cast %scan3A_142 : i32 to index
      %swap3A_178 = arith.constant 112 : index
      %swap3A_179 = tpu.vector_load %arg4[%swap3A_177, %swap3A_178] {strides = array<i32>} : memref<80x128xf32, #tpu.memory_space<vmem>>, vector<1x16xf32>,
      %swap3A_180 = vector.shape_cast %swap3A_179 : vector<1x16xf32> to vector<16xf32>
      %swap3A_181 = vector.shape_cast %broadcast_in_dim3A_1 : vector<16xf32> to vector<1x16xf32>
      tpu.vector_store %arg4[%swap3A_177, %swap3A_178], %swap3A_181 {strides = array<i32>} : memref<80x128xf32, #tpu.memory_space<vmem>>, vector<1x16xf32>,
    }
    %scan3A_46 = arith.constant 80 : i32
    %barrier3A = arith.constant 0 : index
    tpu.barrier barrier_id(%barrier3A)
    "tpu.region"() ({
      %run_scoped3A = tpu.sem_alloc : memref<!tpu.dma_semaphore, #tpu.memory_space<semaphore_mem>>
      %dma_start3A = arith.constant 0 : i32
      %dma_start3A_142 = arith.constant 0 : i32
      %dma_start3A_143 = tpu.memref_slice %arg2[%add3A, %dma_start3A, %dma_start3A_142] : memref<32x125x80xi32, #tpu.memory_space<hbm>> -> memref<1x125x80xi32, #tpu.memory_space<hbm>>
      %dma_start3A_144 = tpu.memref_squeeze %dma_start3A_143 : memref<1x125x80xi32, #tpu.memory_space<hbm>> -> memref<125x80xi32, #tpu.memory_space<hbm>>
      %dma_start3A_145 = arith.constant 0 : i32
      %dma_start3A_146 = arith.constant 0 : i32
      %dma_start3A_147 = tpu.memref_slice %arg2[%add3A, %dma_start3A_145, %dma_start3A_146] : memref<32x125x80xi32, #tpu.memory_space<hbm>> -> memref<1x125x80xi32, #tpu.memory_space<hbm>>
      %dma_start3A_148 = tpu.memref_squeeze %dma_start3A_147 : memref<1x125x80xi32, #tpu.memory_space<hbm>> -> memref<125x80xi32, #tpu.memory_space<hbm>>
      tpu.enqueue_dma source(%dma_start3A_148 : memref<125x80xi32, #tpu.memory_space<hbm>>) target(%arg5 : memref<125x80xi32, #tpu.memory_space<vmem>>) target_semaphore(%run_scoped3A : memref<!tpu.dma_semaphore, #tpu.memory_space<semaphore_mem>>)
      %dma_wait3A = arith.constant 0 : i32
      %dma_wait3A_149 = arith.constant 0 : i32
      %dma_wait3A_150 = tpu.memref_slice %arg2[%add3A, %dma_wait3A, %dma_wait3A_149] : memref<32x125x80xi32, #tpu.memory_space<hbm>> -> memref<1x125x80xi32, #tpu.memory_space<hbm>>
      %dma_wait3A_151 = tpu.memref_squeeze %dma_wait3A_150 : memref<1x125x80xi32, #tpu.memory_space<hbm>> -> memref<125x80xi32, #tpu.memory_space<hbm>>
      %dma_wait3A_152 = arith.constant 0 : i32
      %dma_wait3A_153 = arith.constant 0 : i32
      %dma_wait3A_154 = tpu.memref_slice %arg2[%add3A, %dma_wait3A_152, %dma_wait3A_153] : memref<32x125x80xi32, #tpu.memory_space<hbm>> -> memref<1x125x80xi32, #tpu.memory_space<hbm>>
      %dma_wait3A_155 = tpu.memref_squeeze %dma_wait3A_154 : memref<1x125x80xi32, #tpu.memory_space<hbm>> -> memref<125x80xi32, #tpu.memory_space<hbm>>
      tpu.wait_dma2 semaphore(%run_scoped3A : memref<!tpu.dma_semaphore, #tpu.memory_space<semaphore_mem>>) src(%dma_wait3A_155 : memref<125x80xi32, #tpu.memory_space<hbm>>) dst(%arg5 : memref<125x80xi32, #tpu.memory_space<vmem>>)
      tpu.yield
    }) : () -> ()
    %scan3A_47 = arith.constant 0 : i32
    %scan3A_48 = arith.constant 0 : i32
    %scan3A_49 = arith.constant 25 : i32
    %scan3A_50 = arith.addi %scan3A_48, %scan3A_49 : i32
    %scan3A_51 = arith.constant 1 : i32
    scf.for %scan3A_142 = %scan3A_48 to %scan3A_50 step %scan3A_51  : i32 {
      %mul3A_143 = arith.constant 5 : i32
      %mul3A_144 = arith.muli %scan3A_142, %mul3A_143 : i32
      %add3A_145 = arith.constant 0 : i32
      %add3A_146 = arith.addi %mul3A_144, %add3A_145 : i32
      %dma_start3A = arith.constant 0 : i32
      %dma_start3A_147 = tpu.memref_slice %arg5[%add3A_146, %dma_start3A] : memref<125x80xi32, #tpu.memory_space<vmem>> -> memref<1x80xi32, #tpu.memory_space<vmem>>
      %dma_start3A_148 = tpu.memref_squeeze %dma_start3A_147 : memref<1x80xi32, #tpu.memory_space<vmem>> -> memref<80xi32, #tpu.memory_space<vmem>>
      %dma_start3A_149 = arith.constant 0 : i32
      %dma_start3A_150 = arith.constant 0 : i32
      %dma_start3A_151 = tpu.memref_slice %arg6[%dma_start3A_149, %dma_start3A_150] : memref<10240x128xf32, #tpu.memory_space<vmem_shared>> -> memref<10240x128xf32, #tpu.memory_space<vmem_shared>>
      tpu.enqueue_indirect_dma source(%arg4 : memref<80x128xf32, #tpu.memory_space<vmem>>) target(%dma_start3A_151 : memref<10240x128xf32, #tpu.memory_space<vmem_shared>>) offsets(%dma_start3A_148 : memref<80xi32, #tpu.memory_space<vmem>>) semaphore(%arg7 : memref<!tpu.dma_semaphore, #tpu.memory_space<semaphore_mem>>) {add = true}
      %mul3A_152 = arith.constant 5 : i32
      %mul3A_153 = arith.muli %scan3A_142, %mul3A_152 : i32
      %add3A_154 = arith.constant 1 : i32
      %add3A_155 = arith.addi %mul3A_153, %add3A_154 : i32
      %dma_start3A_156 = arith.constant 0 : i32
      %dma_start3A_157 = tpu.memref_slice %arg5[%add3A_155, %dma_start3A_156] : memref<125x80xi32, #tpu.memory_space<vmem>> -> memref<1x80xi32, #tpu.memory_space<vmem>>
      %dma_start3A_158 = tpu.memref_squeeze %dma_start3A_157 : memref<1x80xi32, #tpu.memory_space<vmem>> -> memref<80xi32, #tpu.memory_space<vmem>>
      %dma_start3A_159 = arith.constant 0 : i32
      %dma_start3A_160 = arith.constant 0 : i32
      %dma_start3A_161 = tpu.memref_slice %arg6[%dma_start3A_159, %dma_start3A_160] : memref<10240x128xf32, #tpu.memory_space<vmem_shared>> -> memref<10240x128xf32, #tpu.memory_space<vmem_shared>>
      tpu.enqueue_indirect_dma source(%arg4 : memref<80x128xf32, #tpu.memory_space<vmem>>) target(%dma_start3A_161 : memref<10240x128xf32, #tpu.memory_space<vmem_shared>>) offsets(%dma_start3A_158 : memref<80xi32, #tpu.memory_space<vmem>>) semaphore(%arg7 : memref<!tpu.dma_semaphore, #tpu.memory_space<semaphore_mem>>) {add = true}
      %mul3A_162 = arith.constant 5 : i32
      %mul3A_163 = arith.muli %scan3A_142, %mul3A_162 : i32
      %add3A_164 = arith.constant 2 : i32
      %add3A_165 = arith.addi %mul3A_163, %add3A_164 : i32
      %dma_start3A_166 = arith.constant 0 : i32
      %dma_start3A_167 = tpu.memref_slice %arg5[%add3A_165, %dma_start3A_166] : memref<125x80xi32, #tpu.memory_space<vmem>> -> memref<1x80xi32, #tpu.memory_space<vmem>>
      %dma_start3A_168 = tpu.memref_squeeze %dma_start3A_167 : memref<1x80xi32, #tpu.memory_space<vmem>> -> memref<80xi32, #tpu.memory_space<vmem>>
      %dma_start3A_169 = arith.constant 0 : i32
      %dma_start3A_170 = arith.constant 0 : i32
      %dma_start3A_171 = tpu.memref_slice %arg6[%dma_start3A_169, %dma_start3A_170] : memref<10240x128xf32, #tpu.memory_space<vmem_shared>> -> memref<10240x128xf32, #tpu.memory_space<vmem_shared>>
      tpu.enqueue_indirect_dma source(%arg4 : memref<80x128xf32, #tpu.memory_space<vmem>>) target(%dma_start3A_171 : memref<10240x128xf32, #tpu.memory_space<vmem_shared>>) offsets(%dma_start3A_168 : memref<80xi32, #tpu.memory_space<vmem>>) semaphore(%arg7 : memref<!tpu.dma_semaphore, #tpu.memory_space<semaphore_mem>>) {add = true}
      %mul3A_172 = arith.constant 5 : i32
      %mul3A_173 = arith.muli %scan3A_142, %mul3A_172 : i32
      %add3A_174 = arith.constant 3 : i32
      %add3A_175 = arith.addi %mul3A_173, %add3A_174 : i32
      %dma_start3A_176 = arith.constant 0 : i32
      %dma_start3A_177 = tpu.memref_slice %arg5[%add3A_175, %dma_start3A_176] : memref<125x80xi32, #tpu.memory_space<vmem>> -> memref<1x80xi32, #tpu.memory_space<vmem>>
      %dma_start3A_178 = tpu.memref_squeeze %dma_start3A_177 : memref<1x80xi32, #tpu.memory_space<vmem>> -> memref<80xi32, #tpu.memory_space<vmem>>
      %dma_start3A_179 = arith.constant 0 : i32
      %dma_start3A_180 = arith.constant 0 : i32
      %dma_start3A_181 = tpu.memref_slice %arg6[%dma_start3A_179, %dma_start3A_180] : memref<10240x128xf32, #tpu.memory_space<vmem_shared>> -> memref<10240x128xf32, #tpu.memory_space<vmem_shared>>
      tpu.enqueue_indirect_dma source(%arg4 : memref<80x128xf32, #tpu.memory_space<vmem>>) target(%dma_start3A_181 : memref<10240x128xf32, #tpu.memory_space<vmem_shared>>) offsets(%dma_start3A_178 : memref<80xi32, #tpu.memory_space<vmem>>) semaphore(%arg7 : memref<!tpu.dma_semaphore, #tpu.memory_space<semaphore_mem>>) {add = true}
      %mul3A_182 = arith.constant 5 : i32
      %mul3A_183 = arith.muli %scan3A_142, %mul3A_182 : i32
      %add3A_184 = arith.constant 4 : i32
      %add3A_185 = arith.addi %mul3A_183, %add3A_184 : i32
      %dma_start3A_186 = arith.constant 0 : i32
      %dma_start3A_187 = tpu.memref_slice %arg5[%add3A_185, %dma_start3A_186] : memref<125x80xi32, #tpu.memory_space<vmem>> -> memref<1x80xi32, #tpu.memory_space<vmem>>
      %dma_start3A_188 = tpu.memref_squeeze %dma_start3A_187 : memref<1x80xi32, #tpu.memory_space<vmem>> -> memref<80xi32, #tpu.memory_space<vmem>>
      %dma_start3A_189 = arith.constant 0 : i32
      %dma_start3A_190 = arith.constant 0 : i32
      %dma_start3A_191 = tpu.memref_slice %arg6[%dma_start3A_189, %dma_start3A_190] : memref<10240x128xf32, #tpu.memory_space<vmem_shared>> -> memref<10240x128xf32, #tpu.memory_space<vmem_shared>>
      tpu.enqueue_indirect_dma source(%arg4 : memref<80x128xf32, #tpu.memory_space<vmem>>) target(%dma_start3A_191 : memref<10240x128xf32, #tpu.memory_space<vmem_shared>>) offsets(%dma_start3A_188 : memref<80xi32, #tpu.memory_space<vmem>>) semaphore(%arg7 : memref<!tpu.dma_semaphore, #tpu.memory_space<semaphore_mem>>) {add = true}
      %mul3A_192 = arith.constant 5 : i32
      %mul3A_193 = arith.muli %scan3A_142, %mul3A_192 : i32
      %add3A_194 = arith.constant 0 : i32
      %add3A_195 = arith.addi %mul3A_193, %add3A_194 : i32
      %dma_wait3A = arith.constant 0 : i32
      %dma_wait3A_196 = tpu.memref_slice %arg5[%add3A_195, %dma_wait3A] : memref<125x80xi32, #tpu.memory_space<vmem>> -> memref<1x80xi32, #tpu.memory_space<vmem>>
      %dma_wait3A_197 = tpu.memref_squeeze %dma_wait3A_196 : memref<1x80xi32, #tpu.memory_space<vmem>> -> memref<80xi32, #tpu.memory_space<vmem>>
      %dma_wait3A_198 = arith.constant 0 : i32
      %dma_wait3A_199 = arith.constant 0 : i32
      %dma_wait3A_200 = tpu.memref_slice %arg6[%dma_wait3A_198, %dma_wait3A_199] : memref<10240x128xf32, #tpu.memory_space<vmem_shared>> -> memref<10240x128xf32, #tpu.memory_space<vmem_shared>>
      tpu.wait_indirect_dma semaphore(%arg7 : memref<!tpu.dma_semaphore, #tpu.memory_space<semaphore_mem>>) src(%arg4 : memref<80x128xf32, #tpu.memory_space<vmem>>) dst(%dma_wait3A_200 : memref<10240x128xf32, #tpu.memory_space<vmem_shared>>)
      %mul3A_201 = arith.constant 5 : i32
      %mul3A_202 = arith.muli %scan3A_142, %mul3A_201 : i32
      %add3A_203 = arith.constant 1 : i32
      %add3A_204 = arith.addi %mul3A_202, %add3A_203 : i32
      %dma_wait3A_205 = arith.constant 0 : i32
      %dma_wait3A_206 = tpu.memref_slice %arg5[%add3A_204, %dma_wait3A_205] : memref<125x80xi32, #tpu.memory_space<vmem>> -> memref<1x80xi32, #tpu.memory_space<vmem>>
      %dma_wait3A_207 = tpu.memref_squeeze %dma_wait3A_206 : memref<1x80xi32, #tpu.memory_space<vmem>> -> memref<80xi32, #tpu.memory_space<vmem>>
      %dma_wait3A_208 = arith.constant 0 : i32
      %dma_wait3A_209 = arith.constant 0 : i32
      %dma_wait3A_210 = tpu.memref_slice %arg6[%dma_wait3A_208, %dma_wait3A_209] : memref<10240x128xf32, #tpu.memory_space<vmem_shared>> -> memref<10240x128xf32, #tpu.memory_space<vmem_shared>>
      tpu.wait_indirect_dma semaphore(%arg7 : memref<!tpu.dma_semaphore, #tpu.memory_space<semaphore_mem>>) src(%arg4 : memref<80x128xf32, #tpu.memory_space<vmem>>) dst(%dma_wait3A_210 : memref<10240x128xf32, #tpu.memory_space<vmem_shared>>)
      %mul3A_211 = arith.constant 5 : i32
      %mul3A_212 = arith.muli %scan3A_142, %mul3A_211 : i32
      %add3A_213 = arith.constant 2 : i32
      %add3A_214 = arith.addi %mul3A_212, %add3A_213 : i32
      %dma_wait3A_215 = arith.constant 0 : i32
      %dma_wait3A_216 = tpu.memref_slice %arg5[%add3A_214, %dma_wait3A_215] : memref<125x80xi32, #tpu.memory_space<vmem>> -> memref<1x80xi32, #tpu.memory_space<vmem>>
      %dma_wait3A_217 = tpu.memref_squeeze %dma_wait3A_216 : memref<1x80xi32, #tpu.memory_space<vmem>> -> memref<80xi32, #tpu.memory_space<vmem>>
      %dma_wait3A_218 = arith.constant 0 : i32
      %dma_wait3A_219 = arith.constant 0 : i32
      %dma_wait3A_220 = tpu.memref_slice %arg6[%dma_wait3A_218, %dma_wait3A_219] : memref<10240x128xf32, #tpu.memory_space<vmem_shared>> -> memref<10240x128xf32, #tpu.memory_space<vmem_shared>>
      tpu.wait_indirect_dma semaphore(%arg7 : memref<!tpu.dma_semaphore, #tpu.memory_space<semaphore_mem>>) src(%arg4 : memref<80x128xf32, #tpu.memory_space<vmem>>) dst(%dma_wait3A_220 : memref<10240x128xf32, #tpu.memory_space<vmem_shared>>)
      %mul3A_221 = arith.constant 5 : i32
      %mul3A_222 = arith.muli %scan3A_142, %mul3A_221 : i32
      %add3A_223 = arith.constant 3 : i32
      %add3A_224 = arith.addi %mul3A_222, %add3A_223 : i32
      %dma_wait3A_225 = arith.constant 0 : i32
      %dma_wait3A_226 = tpu.memref_slice %arg5[%add3A_224, %dma_wait3A_225] : memref<125x80xi32, #tpu.memory_space<vmem>> -> memref<1x80xi32, #tpu.memory_space<vmem>>
      %dma_wait3A_227 = tpu.memref_squeeze %dma_wait3A_226 : memref<1x80xi32, #tpu.memory_space<vmem>> -> memref<80xi32, #tpu.memory_space<vmem>>
      %dma_wait3A_228 = arith.constant 0 : i32
      %dma_wait3A_229 = arith.constant 0 : i32
      %dma_wait3A_230 = tpu.memref_slice %arg6[%dma_wait3A_228, %dma_wait3A_229] : memref<10240x128xf32, #tpu.memory_space<vmem_shared>> -> memref<10240x128xf32, #tpu.memory_space<vmem_shared>>
      tpu.wait_indirect_dma semaphore(%arg7 : memref<!tpu.dma_semaphore, #tpu.memory_space<semaphore_mem>>) src(%arg4 : memref<80x128xf32, #tpu.memory_space<vmem>>) dst(%dma_wait3A_230 : memref<10240x128xf32, #tpu.memory_space<vmem_shared>>)
      %mul3A_231 = arith.constant 5 : i32
      %mul3A_232 = arith.muli %scan3A_142, %mul3A_231 : i32
      %add3A_233 = arith.constant 4 : i32
      %add3A_234 = arith.addi %mul3A_232, %add3A_233 : i32
      %dma_wait3A_235 = arith.constant 0 : i32
      %dma_wait3A_236 = tpu.memref_slice %arg5[%add3A_234, %dma_wait3A_235] : memref<125x80xi32, #tpu.memory_space<vmem>> -> memref<1x80xi32, #tpu.memory_space<vmem>>
      %dma_wait3A_237 = tpu.memref_squeeze %dma_wait3A_236 : memref<1x80xi32, #tpu.memory_space<vmem>> -> memref<80xi32, #tpu.memory_space<vmem>>
      %dma_wait3A_238 = arith.constant 0 : i32
      %dma_wait3A_239 = arith.constant 0 : i32
      %dma_wait3A_240 = tpu.memref_slice %arg6[%dma_wait3A_238, %dma_wait3A_239] : memref<10240x128xf32, #tpu.memory_space<vmem_shared>> -> memref<10240x128xf32, #tpu.memory_space<vmem_shared>>
      tpu.wait_indirect_dma semaphore(%arg7 : memref<!tpu.dma_semaphore, #tpu.memory_space<semaphore_mem>>) src(%arg4 : memref<80x128xf32, #tpu.memory_space<vmem>>) dst(%dma_wait3A_240 : memref<10240x128xf32, #tpu.memory_space<vmem_shared>>)
    }
    %scan3A_52 = arith.constant 25 : i32
    %barrier3A_53 = arith.constant 0 : index
    tpu.barrier barrier_id(%barrier3A_53)
    %mul3A_54 = arith.constant 640 : i32
    %mul3A_55 = arith.muli %arg1, %mul3A_54 : i32
    %add3A_56 = arith.constant 0 : i32
    %add3A_57 = arith.addi %mul3A_55, %add3A_56 : i32
    %mul3A_58 = arith.constant 10240 : i32
    %mul3A_59 = arith.muli %arg0, %mul3A_58 : i32
    %mul3A_60 = arith.constant 640 : i32
    %mul3A_61 = arith.muli %arg1, %mul3A_60 : i32
    %add3A_62 = arith.addi %mul3A_59, %mul3A_61 : i32
    %add3A_63 = arith.constant 0 : i32
    %add3A_64 = arith.addi %add3A_62, %add3A_63 : i32
    "tpu.region"() ({
      %run_scoped3A = tpu.sem_alloc : memref<!tpu.dma_semaphore, #tpu.memory_space<semaphore_mem>>
      %dma_start3A = arith.constant 0 : i32
      %dma_start3A_142 = tpu.memref_slice %arg6[%add3A_57, %dma_start3A] : memref<10240x128xf32, #tpu.memory_space<vmem_shared>> -> memref<80x128xf32, #tpu.memory_space<vmem_shared>>
      %dma_start3A_143 = arith.constant 0 : i32
      %dma_start3A_144 = tpu.memref_slice %arg6[%add3A_57, %dma_start3A_143] : memref<10240x128xf32, #tpu.memory_space<vmem_shared>> -> memref<80x128xf32, #tpu.memory_space<vmem_shared>>
      tpu.enqueue_dma source(%dma_start3A_144 : memref<80x128xf32, #tpu.memory_space<vmem_shared>>) target(%arg4 : memref<80x128xf32, #tpu.memory_space<vmem>>) target_semaphore(%run_scoped3A : memref<!tpu.dma_semaphore, #tpu.memory_space<semaphore_mem>>)
      %dma_wait3A = arith.constant 0 : i32
      %dma_wait3A_145 = tpu.memref_slice %arg6[%add3A_57, %dma_wait3A] : memref<10240x128xf32, #tpu.memory_space<vmem_shared>> -> memref<80x128xf32, #tpu.memory_space<vmem_shared>>
      %dma_wait3A_146 = arith.constant 0 : i32
      %dma_wait3A_147 = tpu.memref_slice %arg6[%add3A_57, %dma_wait3A_146] : memref<10240x128xf32, #tpu.memory_space<vmem_shared>> -> memref<80x128xf32, #tpu.memory_space<vmem_shared>>
      tpu.wait_dma2 semaphore(%run_scoped3A : memref<!tpu.dma_semaphore, #tpu.memory_space<semaphore_mem>>) src(%dma_wait3A_147 : memref<80x128xf32, #tpu.memory_space<vmem_shared>>) dst(%arg4 : memref<80x128xf32, #tpu.memory_space<vmem>>)
      tpu.yield
    }) : () -> ()
    "tpu.region"() ({
      %run_scoped3A = tpu.sem_alloc : memref<!tpu.dma_semaphore, #tpu.memory_space<semaphore_mem>>
      %dma_start3A = arith.constant 0 : i32
      %dma_start3A_142 = tpu.memref_slice %arg3[%add3A_64, %dma_start3A] : memref<20480x128xf32, #tpu.memory_space<hbm>> -> memref<80x128xf32, #tpu.memory_space<hbm>>
      %dma_start3A_143 = arith.constant 0 : i32
      %dma_start3A_144 = tpu.memref_slice %arg3[%add3A_64, %dma_start3A_143] : memref<20480x128xf32, #tpu.memory_space<hbm>> -> memref<80x128xf32, #tpu.memory_space<hbm>>
      tpu.enqueue_dma source(%arg4 : memref<80x128xf32, #tpu.memory_space<vmem>>) target(%dma_start3A_144 : memref<80x128xf32, #tpu.memory_space<hbm>>) target_semaphore(%run_scoped3A : memref<!tpu.dma_semaphore, #tpu.memory_space<semaphore_mem>>)
      %dma_wait3A = arith.constant 0 : i32
      %dma_wait3A_145 = tpu.memref_slice %arg3[%add3A_64, %dma_wait3A] : memref<20480x128xf32, #tpu.memory_space<hbm>> -> memref<80x128xf32, #tpu.memory_space<hbm>>
      %dma_wait3A_146 = arith.constant 0 : i32
      %dma_wait3A_147 = tpu.memref_slice %arg3[%add3A_64, %dma_wait3A_146] : memref<20480x128xf32, #tpu.memory_space<hbm>> -> memref<80x128xf32, #tpu.memory_space<hbm>>
      tpu.wait_dma2 semaphore(%run_scoped3A : memref<!tpu.dma_semaphore, #tpu.memory_space<semaphore_mem>>) src(%arg4 : memref<80x128xf32, #tpu.memory_space<vmem>>) dst(%dma_wait3A_147 : memref<80x128xf32, #tpu.memory_space<hbm>>)
      tpu.yield
    }) : () -> ()
    %mul3A_65 = arith.constant 640 : i32
    %mul3A_66 = arith.muli %arg1, %mul3A_65 : i32
    %add3A_67 = arith.constant 80 : i32
    %add3A_68 = arith.addi %mul3A_66, %add3A_67 : i32
    %mul3A_69 = arith.constant 10240 : i32
    %mul3A_70 = arith.muli %arg0, %mul3A_69 : i32
    %mul3A_71 = arith.constant 640 : i32
    %mul3A_72 = arith.muli %arg1, %mul3A_71 : i32
    %add3A_73 = arith.addi %mul3A_70, %mul3A_72 : i32
    %add3A_74 = arith.constant 80 : i32
    %add3A_75 = arith.addi %add3A_73, %add3A_74 : i32
    "tpu.region"() ({
      %run_scoped3A = tpu.sem_alloc : memref<!tpu.dma_semaphore, #tpu.memory_space<semaphore_mem>>
      %dma_start3A = arith.constant 0 : i32
      %dma_start3A_142 = tpu.memref_slice %arg6[%add3A_68, %dma_start3A] : memref<10240x128xf32, #tpu.memory_space<vmem_shared>> -> memref<80x128xf32, #tpu.memory_space<vmem_shared>>
      %dma_start3A_143 = arith.constant 0 : i32
      %dma_start3A_144 = tpu.memref_slice %arg6[%add3A_68, %dma_start3A_143] : memref<10240x128xf32, #tpu.memory_space<vmem_shared>> -> memref<80x128xf32, #tpu.memory_space<vmem_shared>>
      tpu.enqueue_dma source(%dma_start3A_144 : memref<80x128xf32, #tpu.memory_space<vmem_shared>>) target(%arg4 : memref<80x128xf32, #tpu.memory_space<vmem>>) target_semaphore(%run_scoped3A : memref<!tpu.dma_semaphore, #tpu.memory_space<semaphore_mem>>)
      %dma_wait3A = arith.constant 0 : i32
      %dma_wait3A_145 = tpu.memref_slice %arg6[%add3A_68, %dma_wait3A] : memref<10240x128xf32, #tpu.memory_space<vmem_shared>> -> memref<80x128xf32, #tpu.memory_space<vmem_shared>>
      %dma_wait3A_146 = arith.constant 0 : i32
      %dma_wait3A_147 = tpu.memref_slice %arg6[%add3A_68, %dma_wait3A_146] : memref<10240x128xf32, #tpu.memory_space<vmem_shared>> -> memref<80x128xf32, #tpu.memory_space<vmem_shared>>
      tpu.wait_dma2 semaphore(%run_scoped3A : memref<!tpu.dma_semaphore, #tpu.memory_space<semaphore_mem>>) src(%dma_wait3A_147 : memref<80x128xf32, #tpu.memory_space<vmem_shared>>) dst(%arg4 : memref<80x128xf32, #tpu.memory_space<vmem>>)
      tpu.yield
    }) : () -> ()
    "tpu.region"() ({
      %run_scoped3A = tpu.sem_alloc : memref<!tpu.dma_semaphore, #tpu.memory_space<semaphore_mem>>
      %dma_start3A = arith.constant 0 : i32
      %dma_start3A_142 = tpu.memref_slice %arg3[%add3A_75, %dma_start3A] : memref<20480x128xf32, #tpu.memory_space<hbm>> -> memref<80x128xf32, #tpu.memory_space<hbm>>
      %dma_start3A_143 = arith.constant 0 : i32
      %dma_start3A_144 = tpu.memref_slice %arg3[%add3A_75, %dma_start3A_143] : memref<20480x128xf32, #tpu.memory_space<hbm>> -> memref<80x128xf32, #tpu.memory_space<hbm>>
      tpu.enqueue_dma source(%arg4 : memref<80x128xf32, #tpu.memory_space<vmem>>) target(%dma_start3A_144 : memref<80x128xf32, #tpu.memory_space<hbm>>) target_semaphore(%run_scoped3A : memref<!tpu.dma_semaphore, #tpu.memory_space<semaphore_mem>>)
      %dma_wait3A = arith.constant 0 : i32
      %dma_wait3A_145 = tpu.memref_slice %arg3[%add3A_75, %dma_wait3A] : memref<20480x128xf32, #tpu.memory_space<hbm>> -> memref<80x128xf32, #tpu.memory_space<hbm>>
      %dma_wait3A_146 = arith.constant 0 : i32
      %dma_wait3A_147 = tpu.memref_slice %arg3[%add3A_75, %dma_wait3A_146] : memref<20480x128xf32, #tpu.memory_space<hbm>> -> memref<80x128xf32, #tpu.memory_space<hbm>>
      tpu.wait_dma2 semaphore(%run_scoped3A : memref<!tpu.dma_semaphore, #tpu.memory_space<semaphore_mem>>) src(%arg4 : memref<80x128xf32, #tpu.memory_space<vmem>>) dst(%dma_wait3A_147 : memref<80x128xf32, #tpu.memory_space<hbm>>)
      tpu.yield
    }) : () -> ()
    %mul3A_76 = arith.constant 640 : i32
    %mul3A_77 = arith.muli %arg1, %mul3A_76 : i32
    %add3A_78 = arith.constant 160 : i32
    %add3A_79 = arith.addi %mul3A_77, %add3A_78 : i32
    %mul3A_80 = arith.constant 10240 : i32
    %mul3A_81 = arith.muli %arg0, %mul3A_80 : i32
    %mul3A_82 = arith.constant 640 : i32
    %mul3A_83 = arith.muli %arg1, %mul3A_82 : i32
    %add3A_84 = arith.addi %mul3A_81, %mul3A_83 : i32
    %add3A_85 = arith.constant 160 : i32
    %add3A_86 = arith.addi %add3A_84, %add3A_85 : i32
    "tpu.region"() ({
      %run_scoped3A = tpu.sem_alloc : memref<!tpu.dma_semaphore, #tpu.memory_space<semaphore_mem>>
      %dma_start3A = arith.constant 0 : i32
      %dma_start3A_142 = tpu.memref_slice %arg6[%add3A_79, %dma_start3A] : memref<10240x128xf32, #tpu.memory_space<vmem_shared>> -> memref<80x128xf32, #tpu.memory_space<vmem_shared>>
      %dma_start3A_143 = arith.constant 0 : i32
      %dma_start3A_144 = tpu.memref_slice %arg6[%add3A_79, %dma_start3A_143] : memref<10240x128xf32, #tpu.memory_space<vmem_shared>> -> memref<80x128xf32, #tpu.memory_space<vmem_shared>>
      tpu.enqueue_dma source(%dma_start3A_144 : memref<80x128xf32, #tpu.memory_space<vmem_shared>>) target(%arg4 : memref<80x128xf32, #tpu.memory_space<vmem>>) target_semaphore(%run_scoped3A : memref<!tpu.dma_semaphore, #tpu.memory_space<semaphore_mem>>)
      %dma_wait3A = arith.constant 0 : i32
      %dma_wait3A_145 = tpu.memref_slice %arg6[%add3A_79, %dma_wait3A] : memref<10240x128xf32, #tpu.memory_space<vmem_shared>> -> memref<80x128xf32, #tpu.memory_space<vmem_shared>>
      %dma_wait3A_146 = arith.constant 0 : i32
      %dma_wait3A_147 = tpu.memref_slice %arg6[%add3A_79, %dma_wait3A_146] : memref<10240x128xf32, #tpu.memory_space<vmem_shared>> -> memref<80x128xf32, #tpu.memory_space<vmem_shared>>
      tpu.wait_dma2 semaphore(%run_scoped3A : memref<!tpu.dma_semaphore, #tpu.memory_space<semaphore_mem>>) src(%dma_wait3A_147 : memref<80x128xf32, #tpu.memory_space<vmem_shared>>) dst(%arg4 : memref<80x128xf32, #tpu.memory_space<vmem>>)
      tpu.yield
    }) : () -> ()
    "tpu.region"() ({
      %run_scoped3A = tpu.sem_alloc : memref<!tpu.dma_semaphore, #tpu.memory_space<semaphore_mem>>
      %dma_start3A = arith.constant 0 : i32
      %dma_start3A_142 = tpu.memref_slice %arg3[%add3A_86, %dma_start3A] : memref<20480x128xf32, #tpu.memory_space<hbm>> -> memref<80x128xf32, #tpu.memory_space<hbm>>
      %dma_start3A_143 = arith.constant 0 : i32
      %dma_start3A_144 = tpu.memref_slice %arg3[%add3A_86, %dma_start3A_143] : memref<20480x128xf32, #tpu.memory_space<hbm>> -> memref<80x128xf32, #tpu.memory_space<hbm>>
      tpu.enqueue_dma source(%arg4 : memref<80x128xf32, #tpu.memory_space<vmem>>) target(%dma_start3A_144 : memref<80x128xf32, #tpu.memory_space<hbm>>) target_semaphore(%run_scoped3A : memref<!tpu.dma_semaphore, #tpu.memory_space<semaphore_mem>>)
      %dma_wait3A = arith.constant 0 : i32
      %dma_wait3A_145 = tpu.memref_slice %arg3[%add3A_86, %dma_wait3A] : memref<20480x128xf32, #tpu.memory_space<hbm>> -> memref<80x128xf32, #tpu.memory_space<hbm>>
      %dma_wait3A_146 = arith.constant 0 : i32
      %dma_wait3A_147 = tpu.memref_slice %arg3[%add3A_86, %dma_wait3A_146] : memref<20480x128xf32, #tpu.memory_space<hbm>> -> memref<80x128xf32, #tpu.memory_space<hbm>>
      tpu.wait_dma2 semaphore(%run_scoped3A : memref<!tpu.dma_semaphore, #tpu.memory_space<semaphore_mem>>) src(%arg4 : memref<80x128xf32, #tpu.memory_space<vmem>>) dst(%dma_wait3A_147 : memref<80x128xf32, #tpu.memory_space<hbm>>)
      tpu.yield
    }) : () -> ()
    %mul3A_87 = arith.constant 640 : i32
    %mul3A_88 = arith.muli %arg1, %mul3A_87 : i32
    %add3A_89 = arith.constant 240 : i32
    %add3A_90 = arith.addi %mul3A_88, %add3A_89 : i32
    %mul3A_91 = arith.constant 10240 : i32
    %mul3A_92 = arith.muli %arg0, %mul3A_91 : i32
    %mul3A_93 = arith.constant 640 : i32
    %mul3A_94 = arith.muli %arg1, %mul3A_93 : i32
    %add3A_95 = arith.addi %mul3A_92, %mul3A_94 : i32
    %add3A_96 = arith.constant 240 : i32
    %add3A_97 = arith.addi %add3A_95, %add3A_96 : i32
    "tpu.region"() ({
      %run_scoped3A = tpu.sem_alloc : memref<!tpu.dma_semaphore, #tpu.memory_space<semaphore_mem>>
      %dma_start3A = arith.constant 0 : i32
      %dma_start3A_142 = tpu.memref_slice %arg6[%add3A_90, %dma_start3A] : memref<10240x128xf32, #tpu.memory_space<vmem_shared>> -> memref<80x128xf32, #tpu.memory_space<vmem_shared>>
      %dma_start3A_143 = arith.constant 0 : i32
      %dma_start3A_144 = tpu.memref_slice %arg6[%add3A_90, %dma_start3A_143] : memref<10240x128xf32, #tpu.memory_space<vmem_shared>> -> memref<80x128xf32, #tpu.memory_space<vmem_shared>>
      tpu.enqueue_dma source(%dma_start3A_144 : memref<80x128xf32, #tpu.memory_space<vmem_shared>>) target(%arg4 : memref<80x128xf32, #tpu.memory_space<vmem>>) target_semaphore(%run_scoped3A : memref<!tpu.dma_semaphore, #tpu.memory_space<semaphore_mem>>)
      %dma_wait3A = arith.constant 0 : i32
      %dma_wait3A_145 = tpu.memref_slice %arg6[%add3A_90, %dma_wait3A] : memref<10240x128xf32, #tpu.memory_space<vmem_shared>> -> memref<80x128xf32, #tpu.memory_space<vmem_shared>>
      %dma_wait3A_146 = arith.constant 0 : i32
      %dma_wait3A_147 = tpu.memref_slice %arg6[%add3A_90, %dma_wait3A_146] : memref<10240x128xf32, #tpu.memory_space<vmem_shared>> -> memref<80x128xf32, #tpu.memory_space<vmem_shared>>
      tpu.wait_dma2 semaphore(%run_scoped3A : memref<!tpu.dma_semaphore, #tpu.memory_space<semaphore_mem>>) src(%dma_wait3A_147 : memref<80x128xf32, #tpu.memory_space<vmem_shared>>) dst(%arg4 : memref<80x128xf32, #tpu.memory_space<vmem>>)
      tpu.yield
    }) : () -> ()
    "tpu.region"() ({
      %run_scoped3A = tpu.sem_alloc : memref<!tpu.dma_semaphore, #tpu.memory_space<semaphore_mem>>
      %dma_start3A = arith.constant 0 : i32
      %dma_start3A_142 = tpu.memref_slice %arg3[%add3A_97, %dma_start3A] : memref<20480x128xf32, #tpu.memory_space<hbm>> -> memref<80x128xf32, #tpu.memory_space<hbm>>
      %dma_start3A_143 = arith.constant 0 : i32
      %dma_start3A_144 = tpu.memref_slice %arg3[%add3A_97, %dma_start3A_143] : memref<20480x128xf32, #tpu.memory_space<hbm>> -> memref<80x128xf32, #tpu.memory_space<hbm>>
      tpu.enqueue_dma source(%arg4 : memref<80x128xf32, #tpu.memory_space<vmem>>) target(%dma_start3A_144 : memref<80x128xf32, #tpu.memory_space<hbm>>) target_semaphore(%run_scoped3A : memref<!tpu.dma_semaphore, #tpu.memory_space<semaphore_mem>>)
      %dma_wait3A = arith.constant 0 : i32
      %dma_wait3A_145 = tpu.memref_slice %arg3[%add3A_97, %dma_wait3A] : memref<20480x128xf32, #tpu.memory_space<hbm>> -> memref<80x128xf32, #tpu.memory_space<hbm>>
      %dma_wait3A_146 = arith.constant 0 : i32
      %dma_wait3A_147 = tpu.memref_slice %arg3[%add3A_97, %dma_wait3A_146] : memref<20480x128xf32, #tpu.memory_space<hbm>> -> memref<80x128xf32, #tpu.memory_space<hbm>>
      tpu.wait_dma2 semaphore(%run_scoped3A : memref<!tpu.dma_semaphore, #tpu.memory_space<semaphore_mem>>) src(%arg4 : memref<80x128xf32, #tpu.memory_space<vmem>>) dst(%dma_wait3A_147 : memref<80x128xf32, #tpu.memory_space<hbm>>)
      tpu.yield
    }) : () -> ()
    %mul3A_98 = arith.constant 640 : i32
    %mul3A_99 = arith.muli %arg1, %mul3A_98 : i32
    %add3A_100 = arith.constant 320 : i32
    %add3A_101 = arith.addi %mul3A_99, %add3A_100 : i32
    %mul3A_102 = arith.constant 10240 : i32
    %mul3A_103 = arith.muli %arg0, %mul3A_102 : i32
    %mul3A_104 = arith.constant 640 : i32
    %mul3A_105 = arith.muli %arg1, %mul3A_104 : i32
    %add3A_106 = arith.addi %mul3A_103, %mul3A_105 : i32
    %add3A_107 = arith.constant 320 : i32
    %add3A_108 = arith.addi %add3A_106, %add3A_107 : i32
    "tpu.region"() ({
      %run_scoped3A = tpu.sem_alloc : memref<!tpu.dma_semaphore, #tpu.memory_space<semaphore_mem>>
      %dma_start3A = arith.constant 0 : i32
      %dma_start3A_142 = tpu.memref_slice %arg6[%add3A_101, %dma_start3A] : memref<10240x128xf32, #tpu.memory_space<vmem_shared>> -> memref<80x128xf32, #tpu.memory_space<vmem_shared>>
      %dma_start3A_143 = arith.constant 0 : i32
      %dma_start3A_144 = tpu.memref_slice %arg6[%add3A_101, %dma_start3A_143] : memref<10240x128xf32, #tpu.memory_space<vmem_shared>> -> memref<80x128xf32, #tpu.memory_space<vmem_shared>>
      tpu.enqueue_dma source(%dma_start3A_144 : memref<80x128xf32, #tpu.memory_space<vmem_shared>>) target(%arg4 : memref<80x128xf32, #tpu.memory_space<vmem>>) target_semaphore(%run_scoped3A : memref<!tpu.dma_semaphore, #tpu.memory_space<semaphore_mem>>)
      %dma_wait3A = arith.constant 0 : i32
      %dma_wait3A_145 = tpu.memref_slice %arg6[%add3A_101, %dma_wait3A] : memref<10240x128xf32, #tpu.memory_space<vmem_shared>> -> memref<80x128xf32, #tpu.memory_space<vmem_shared>>
      %dma_wait3A_146 = arith.constant 0 : i32
      %dma_wait3A_147 = tpu.memref_slice %arg6[%add3A_101, %dma_wait3A_146] : memref<10240x128xf32, #tpu.memory_space<vmem_shared>> -> memref<80x128xf32, #tpu.memory_space<vmem_shared>>
      tpu.wait_dma2 semaphore(%run_scoped3A : memref<!tpu.dma_semaphore, #tpu.memory_space<semaphore_mem>>) src(%dma_wait3A_147 : memref<80x128xf32, #tpu.memory_space<vmem_shared>>) dst(%arg4 : memref<80x128xf32, #tpu.memory_space<vmem>>)
      tpu.yield
    }) : () -> ()
    "tpu.region"() ({
      %run_scoped3A = tpu.sem_alloc : memref<!tpu.dma_semaphore, #tpu.memory_space<semaphore_mem>>
      %dma_start3A = arith.constant 0 : i32
      %dma_start3A_142 = tpu.memref_slice %arg3[%add3A_108, %dma_start3A] : memref<20480x128xf32, #tpu.memory_space<hbm>> -> memref<80x128xf32, #tpu.memory_space<hbm>>
      %dma_start3A_143 = arith.constant 0 : i32
      %dma_start3A_144 = tpu.memref_slice %arg3[%add3A_108, %dma_start3A_143] : memref<20480x128xf32, #tpu.memory_space<hbm>> -> memref<80x128xf32, #tpu.memory_space<hbm>>
      tpu.enqueue_dma source(%arg4 : memref<80x128xf32, #tpu.memory_space<vmem>>) target(%dma_start3A_144 : memref<80x128xf32, #tpu.memory_space<hbm>>) target_semaphore(%run_scoped3A : memref<!tpu.dma_semaphore, #tpu.memory_space<semaphore_mem>>)
      %dma_wait3A = arith.constant 0 : i32
      %dma_wait3A_145 = tpu.memref_slice %arg3[%add3A_108, %dma_wait3A] : memref<20480x128xf32, #tpu.memory_space<hbm>> -> memref<80x128xf32, #tpu.memory_space<hbm>>
      %dma_wait3A_146 = arith.constant 0 : i32
      %dma_wait3A_147 = tpu.memref_slice %arg3[%add3A_108, %dma_wait3A_146] : memref<20480x128xf32, #tpu.memory_space<hbm>> -> memref<80x128xf32, #tpu.memory_space<hbm>>
      tpu.wait_dma2 semaphore(%run_scoped3A : memref<!tpu.dma_semaphore, #tpu.memory_space<semaphore_mem>>) src(%arg4 : memref<80x128xf32, #tpu.memory_space<vmem>>) dst(%dma_wait3A_147 : memref<80x128xf32, #tpu.memory_space<hbm>>)
      tpu.yield
    }) : () -> ()
    %mul3A_109 = arith.constant 640 : i32
    %mul3A_110 = arith.muli %arg1, %mul3A_109 : i32
    %add3A_111 = arith.constant 400 : i32
    %add3A_112 = arith.addi %mul3A_110, %add3A_111 : i32
    %mul3A_113 = arith.constant 10240 : i32
    %mul3A_114 = arith.muli %arg0, %mul3A_113 : i32
    %mul3A_115 = arith.constant 640 : i32
    %mul3A_116 = arith.muli %arg1, %mul3A_115 : i32
    %add3A_117 = arith.addi %mul3A_114, %mul3A_116 : i32
    %add3A_118 = arith.constant 400 : i32
    %add3A_119 = arith.addi %add3A_117, %add3A_118 : i32
    "tpu.region"() ({
      %run_scoped3A = tpu.sem_alloc : memref<!tpu.dma_semaphore, #tpu.memory_space<semaphore_mem>>
      %dma_start3A = arith.constant 0 : i32
      %dma_start3A_142 = tpu.memref_slice %arg6[%add3A_112, %dma_start3A] : memref<10240x128xf32, #tpu.memory_space<vmem_shared>> -> memref<80x128xf32, #tpu.memory_space<vmem_shared>>
      %dma_start3A_143 = arith.constant 0 : i32
      %dma_start3A_144 = tpu.memref_slice %arg6[%add3A_112, %dma_start3A_143] : memref<10240x128xf32, #tpu.memory_space<vmem_shared>> -> memref<80x128xf32, #tpu.memory_space<vmem_shared>>
      tpu.enqueue_dma source(%dma_start3A_144 : memref<80x128xf32, #tpu.memory_space<vmem_shared>>) target(%arg4 : memref<80x128xf32, #tpu.memory_space<vmem>>) target_semaphore(%run_scoped3A : memref<!tpu.dma_semaphore, #tpu.memory_space<semaphore_mem>>)
      %dma_wait3A = arith.constant 0 : i32
      %dma_wait3A_145 = tpu.memref_slice %arg6[%add3A_112, %dma_wait3A] : memref<10240x128xf32, #tpu.memory_space<vmem_shared>> -> memref<80x128xf32, #tpu.memory_space<vmem_shared>>
      %dma_wait3A_146 = arith.constant 0 : i32
      %dma_wait3A_147 = tpu.memref_slice %arg6[%add3A_112, %dma_wait3A_146] : memref<10240x128xf32, #tpu.memory_space<vmem_shared>> -> memref<80x128xf32, #tpu.memory_space<vmem_shared>>
      tpu.wait_dma2 semaphore(%run_scoped3A : memref<!tpu.dma_semaphore, #tpu.memory_space<semaphore_mem>>) src(%dma_wait3A_147 : memref<80x128xf32, #tpu.memory_space<vmem_shared>>) dst(%arg4 : memref<80x128xf32, #tpu.memory_space<vmem>>)
      tpu.yield
    }) : () -> ()
    "tpu.region"() ({
      %run_scoped3A = tpu.sem_alloc : memref<!tpu.dma_semaphore, #tpu.memory_space<semaphore_mem>>
      %dma_start3A = arith.constant 0 : i32
      %dma_start3A_142 = tpu.memref_slice %arg3[%add3A_119, %dma_start3A] : memref<20480x128xf32, #tpu.memory_space<hbm>> -> memref<80x128xf32, #tpu.memory_space<hbm>>
      %dma_start3A_143 = arith.constant 0 : i32
      %dma_start3A_144 = tpu.memref_slice %arg3[%add3A_119, %dma_start3A_143] : memref<20480x128xf32, #tpu.memory_space<hbm>> -> memref<80x128xf32, #tpu.memory_space<hbm>>
      tpu.enqueue_dma source(%arg4 : memref<80x128xf32, #tpu.memory_space<vmem>>) target(%dma_start3A_144 : memref<80x128xf32, #tpu.memory_space<hbm>>) target_semaphore(%run_scoped3A : memref<!tpu.dma_semaphore, #tpu.memory_space<semaphore_mem>>)
      %dma_wait3A = arith.constant 0 : i32
      %dma_wait3A_145 = tpu.memref_slice %arg3[%add3A_119, %dma_wait3A] : memref<20480x128xf32, #tpu.memory_space<hbm>> -> memref<80x128xf32, #tpu.memory_space<hbm>>
      %dma_wait3A_146 = arith.constant 0 : i32
      %dma_wait3A_147 = tpu.memref_slice %arg3[%add3A_119, %dma_wait3A_146] : memref<20480x128xf32, #tpu.memory_space<hbm>> -> memref<80x128xf32, #tpu.memory_space<hbm>>
      tpu.wait_dma2 semaphore(%run_scoped3A : memref<!tpu.dma_semaphore, #tpu.memory_space<semaphore_mem>>) src(%arg4 : memref<80x128xf32, #tpu.memory_space<vmem>>) dst(%dma_wait3A_147 : memref<80x128xf32, #tpu.memory_space<hbm>>)
      tpu.yield
    }) : () -> ()
    %mul3A_120 = arith.constant 640 : i32
    %mul3A_121 = arith.muli %arg1, %mul3A_120 : i32
    %add3A_122 = arith.constant 480 : i32
    %add3A_123 = arith.addi %mul3A_121, %add3A_122 : i32
    %mul3A_124 = arith.constant 10240 : i32
    %mul3A_125 = arith.muli %arg0, %mul3A_124 : i32
    %mul3A_126 = arith.constant 640 : i32
    %mul3A_127 = arith.muli %arg1, %mul3A_126 : i32
    %add3A_128 = arith.addi %mul3A_125, %mul3A_127 : i32
    %add3A_129 = arith.constant 480 : i32
    %add3A_130 = arith.addi %add3A_128, %add3A_129 : i32
    "tpu.region"() ({
      %run_scoped3A = tpu.sem_alloc : memref<!tpu.dma_semaphore, #tpu.memory_space<semaphore_mem>>
      %dma_start3A = arith.constant 0 : i32
      %dma_start3A_142 = tpu.memref_slice %arg6[%add3A_123, %dma_start3A] : memref<10240x128xf32, #tpu.memory_space<vmem_shared>> -> memref<80x128xf32, #tpu.memory_space<vmem_shared>>
      %dma_start3A_143 = arith.constant 0 : i32
      %dma_start3A_144 = tpu.memref_slice %arg6[%add3A_123, %dma_start3A_143] : memref<10240x128xf32, #tpu.memory_space<vmem_shared>> -> memref<80x128xf32, #tpu.memory_space<vmem_shared>>
      tpu.enqueue_dma source(%dma_start3A_144 : memref<80x128xf32, #tpu.memory_space<vmem_shared>>) target(%arg4 : memref<80x128xf32, #tpu.memory_space<vmem>>) target_semaphore(%run_scoped3A : memref<!tpu.dma_semaphore, #tpu.memory_space<semaphore_mem>>)
      %dma_wait3A = arith.constant 0 : i32
      %dma_wait3A_145 = tpu.memref_slice %arg6[%add3A_123, %dma_wait3A] : memref<10240x128xf32, #tpu.memory_space<vmem_shared>> -> memref<80x128xf32, #tpu.memory_space<vmem_shared>>
      %dma_wait3A_146 = arith.constant 0 : i32
      %dma_wait3A_147 = tpu.memref_slice %arg6[%add3A_123, %dma_wait3A_146] : memref<10240x128xf32, #tpu.memory_space<vmem_shared>> -> memref<80x128xf32, #tpu.memory_space<vmem_shared>>
      tpu.wait_dma2 semaphore(%run_scoped3A : memref<!tpu.dma_semaphore, #tpu.memory_space<semaphore_mem>>) src(%dma_wait3A_147 : memref<80x128xf32, #tpu.memory_space<vmem_shared>>) dst(%arg4 : memref<80x128xf32, #tpu.memory_space<vmem>>)
      tpu.yield
    }) : () -> ()
    "tpu.region"() ({
      %run_scoped3A = tpu.sem_alloc : memref<!tpu.dma_semaphore, #tpu.memory_space<semaphore_mem>>
      %dma_start3A = arith.constant 0 : i32
      %dma_start3A_142 = tpu.memref_slice %arg3[%add3A_130, %dma_start3A] : memref<20480x128xf32, #tpu.memory_space<hbm>> -> memref<80x128xf32, #tpu.memory_space<hbm>>
      %dma_start3A_143 = arith.constant 0 : i32
      %dma_start3A_144 = tpu.memref_slice %arg3[%add3A_130, %dma_start3A_143] : memref<20480x128xf32, #tpu.memory_space<hbm>> -> memref<80x128xf32, #tpu.memory_space<hbm>>
      tpu.enqueue_dma source(%arg4 : memref<80x128xf32, #tpu.memory_space<vmem>>) target(%dma_start3A_144 : memref<80x128xf32, #tpu.memory_space<hbm>>) target_semaphore(%run_scoped3A : memref<!tpu.dma_semaphore, #tpu.memory_space<semaphore_mem>>)
      %dma_wait3A = arith.constant 0 : i32
      %dma_wait3A_145 = tpu.memref_slice %arg3[%add3A_130, %dma_wait3A] : memref<20480x128xf32, #tpu.memory_space<hbm>> -> memref<80x128xf32, #tpu.memory_space<hbm>>
      %dma_wait3A_146 = arith.constant 0 : i32
      %dma_wait3A_147 = tpu.memref_slice %arg3[%add3A_130, %dma_wait3A_146] : memref<20480x128xf32, #tpu.memory_space<hbm>> -> memref<80x128xf32, #tpu.memory_space<hbm>>
      tpu.wait_dma2 semaphore(%run_scoped3A : memref<!tpu.dma_semaphore, #tpu.memory_space<semaphore_mem>>) src(%arg4 : memref<80x128xf32, #tpu.memory_space<vmem>>) dst(%dma_wait3A_147 : memref<80x128xf32, #tpu.memory_space<hbm>>)
      tpu.yield
    }) : () -> ()
    %mul3A_131 = arith.constant 640 : i32
    %mul3A_132 = arith.muli %arg1, %mul3A_131 : i32
    %add3A_133 = arith.constant 560 : i32
    %add3A_134 = arith.addi %mul3A_132, %add3A_133 : i32
    %mul3A_135 = arith.constant 10240 : i32
    %mul3A_136 = arith.muli %arg0, %mul3A_135 : i32
    %mul3A_137 = arith.constant 640 : i32
    %mul3A_138 = arith.muli %arg1, %mul3A_137 : i32
    %add3A_139 = arith.addi %mul3A_136, %mul3A_138 : i32
    %add3A_140 = arith.constant 560 : i32
    %add3A_141 = arith.addi %add3A_139, %add3A_140 : i32
    "tpu.region"() ({
      %run_scoped3A = tpu.sem_alloc : memref<!tpu.dma_semaphore, #tpu.memory_space<semaphore_mem>>
      %dma_start3A = arith.constant 0 : i32
      %dma_start3A_142 = tpu.memref_slice %arg6[%add3A_134, %dma_start3A] : memref<10240x128xf32, #tpu.memory_space<vmem_shared>> -> memref<80x128xf32, #tpu.memory_space<vmem_shared>>
      %dma_start3A_143 = arith.constant 0 : i32
      %dma_start3A_144 = tpu.memref_slice %arg6[%add3A_134, %dma_start3A_143] : memref<10240x128xf32, #tpu.memory_space<vmem_shared>> -> memref<80x128xf32, #tpu.memory_space<vmem_shared>>
      tpu.enqueue_dma source(%dma_start3A_144 : memref<80x128xf32, #tpu.memory_space<vmem_shared>>) target(%arg4 : memref<80x128xf32, #tpu.memory_space<vmem>>) target_semaphore(%run_scoped3A : memref<!tpu.dma_semaphore, #tpu.memory_space<semaphore_mem>>)
      %dma_wait3A = arith.constant 0 : i32
      %dma_wait3A_145 = tpu.memref_slice %arg6[%add3A_134, %dma_wait3A] : memref<10240x128xf32, #tpu.memory_space<vmem_shared>> -> memref<80x128xf32, #tpu.memory_space<vmem_shared>>
      %dma_wait3A_146 = arith.constant 0 : i32
      %dma_wait3A_147 = tpu.memref_slice %arg6[%add3A_134, %dma_wait3A_146] : memref<10240x128xf32, #tpu.memory_space<vmem_shared>> -> memref<80x128xf32, #tpu.memory_space<vmem_shared>>
      tpu.wait_dma2 semaphore(%run_scoped3A : memref<!tpu.dma_semaphore, #tpu.memory_space<semaphore_mem>>) src(%dma_wait3A_147 : memref<80x128xf32, #tpu.memory_space<vmem_shared>>) dst(%arg4 : memref<80x128xf32, #tpu.memory_space<vmem>>)
      tpu.yield
    }) : () -> ()
    "tpu.region"() ({
      %run_scoped3A = tpu.sem_alloc : memref<!tpu.dma_semaphore, #tpu.memory_space<semaphore_mem>>
      %dma_start3A = arith.constant 0 : i32
      %dma_start3A_142 = tpu.memref_slice %arg3[%add3A_141, %dma_start3A] : memref<20480x128xf32, #tpu.memory_space<hbm>> -> memref<80x128xf32, #tpu.memory_space<hbm>>
      %dma_start3A_143 = arith.constant 0 : i32
      %dma_start3A_144 = tpu.memref_slice %arg3[%add3A_141, %dma_start3A_143] : memref<20480x128xf32, #tpu.memory_space<hbm>> -> memref<80x128xf32, #tpu.memory_space<hbm>>
      tpu.enqueue_dma source(%arg4 : memref<80x128xf32, #tpu.memory_space<vmem>>) target(%dma_start3A_144 : memref<80x128xf32, #tpu.memory_space<hbm>>) target_semaphore(%run_scoped3A : memref<!tpu.dma_semaphore, #tpu.memory_space<semaphore_mem>>)
      %dma_wait3A = arith.constant 0 : i32
      %dma_wait3A_145 = tpu.memref_slice %arg3[%add3A_141, %dma_wait3A] : memref<20480x128xf32, #tpu.memory_space<hbm>> -> memref<80x128xf32, #tpu.memory_space<hbm>>
      %dma_wait3A_146 = arith.constant 0 : i32
      %dma_wait3A_147 = tpu.memref_slice %arg3[%add3A_141, %dma_wait3A_146] : memref<20480x128xf32, #tpu.memory_space<hbm>> -> memref<80x128xf32, #tpu.memory_space<hbm>>
      tpu.wait_dma2 semaphore(%run_scoped3A : memref<!tpu.dma_semaphore, #tpu.memory_space<semaphore_mem>>) src(%arg4 : memref<80x128xf32, #tpu.memory_space<vmem>>) dst(%dma_wait3A_147 : memref<80x128xf32, #tpu.memory_space<hbm>>)
      tpu.yield
    }) : () -> ()
    return
  }
}

#map = affine_map<(d0, d1) -> (0, 0)>
#map1 = affine_map<(d0, d1) -> (0, 0, 0)>
module attributes {stable_mosaic.version = 14 : i64} {
  func.func @_sums_body(%arg0: i32, %arg1: i32, %arg2: memref<320000x128xf32, #tpu.memory_space<hbm>>, %arg3: memref<32x125x80xi32, #tpu.memory_space<hbm>>, %arg4: memref<20480x128xf32, #tpu.memory_space<hbm>>, %arg5: memref<80x128xf32, #tpu.memory_space<vmem>>, %arg6: memref<80x128xf32, #tpu.memory_space<vmem>>, %arg7: memref<125x80xi32, #tpu.memory_space<vmem>>, %arg8: memref<10240x128xf32, #tpu.memory_space<vmem_shared>>, %arg9: memref<!tpu.dma_semaphore, #tpu.memory_space<semaphore_mem>>, %arg10: memref<!tpu.dma_semaphore, #tpu.memory_space<semaphore_mem>>) attributes {dimension_semantics = [#tpu.dimension_semantics<core_parallel>, #tpu.dimension_semantics<subcore_parallel>], iteration_bounds = array<i64: 2, 16>, scalar_prefetch = 0 : i64, scratch_operands = 6 : i64, tpu.core_type = #tpu.core_type<sc_vector_subcore>, window_params = [{transform_indices = #map}, {transform_indices = #map1}, {transform_indices = #map}]} {
    %mul3A = arith.constant 2 : i32
    %mul3A_0 = arith.muli %arg1, %mul3A : i32
    %add3A = arith.addi %mul3A_0, %arg0 : i32
    %scan3A = arith.constant 0 : i32
    %scan3A_1 = arith.constant 0 : i32
    %scan3A_2 = arith.constant 80 : i32
    %scan3A_3 = arith.addi %scan3A_1, %scan3A_2 : i32
    %scan3A_4 = arith.constant 1 : i32
    scf.for %scan3A_155 = %scan3A_1 to %scan3A_3 step %scan3A_4  : i32 {
      %broadcast_in_dim3A = arith.constant 0.000000e+00 : f32
      %broadcast_in_dim3A_156 = vector.broadcast %broadcast_in_dim3A : f32 to vector<16xf32>
      %swap3A = arith.index_cast %scan3A_155 : i32 to index
      %swap3A_157 = arith.constant 0 : index
      %swap3A_158 = tpu.vector_load %arg5[%swap3A, %swap3A_157] {strides = array<i32>} : memref<80x128xf32, #tpu.memory_space<vmem>>, vector<1x16xf32>,
      %swap3A_159 = vector.shape_cast %swap3A_158 : vector<1x16xf32> to vector<16xf32>
      %swap3A_160 = vector.shape_cast %broadcast_in_dim3A_156 : vector<16xf32> to vector<1x16xf32>
      tpu.vector_store %arg5[%swap3A, %swap3A_157], %swap3A_160 {strides = array<i32>} : memref<80x128xf32, #tpu.memory_space<vmem>>, vector<1x16xf32>,
      %broadcast_in_dim3A_161 = arith.constant 0.000000e+00 : f32
      %broadcast_in_dim3A_162 = vector.broadcast %broadcast_in_dim3A_161 : f32 to vector<16xf32>
      %swap3A_163 = arith.index_cast %scan3A_155 : i32 to index
      %swap3A_164 = arith.constant 16 : index
      %swap3A_165 = tpu.vector_load %arg5[%swap3A_163, %swap3A_164] {strides = array<i32>} : memref<80x128xf32, #tpu.memory_space<vmem>>, vector<1x16xf32>,
      %swap3A_166 = vector.shape_cast %swap3A_165 : vector<1x16xf32> to vector<16xf32>
      %swap3A_167 = vector.shape_cast %broadcast_in_dim3A_162 : vector<16xf32> to vector<1x16xf32>
      tpu.vector_store %arg5[%swap3A_163, %swap3A_164], %swap3A_167 {strides = array<i32>} : memref<80x128xf32, #tpu.memory_space<vmem>>, vector<1x16xf32>,
      %broadcast_in_dim3A_168 = arith.constant 0.000000e+00 : f32
      %broadcast_in_dim3A_169 = vector.broadcast %broadcast_in_dim3A_168 : f32 to vector<16xf32>
      %swap3A_170 = arith.index_cast %scan3A_155 : i32 to index
      %swap3A_171 = arith.constant 32 : index
      %swap3A_172 = tpu.vector_load %arg5[%swap3A_170, %swap3A_171] {strides = array<i32>} : memref<80x128xf32, #tpu.memory_space<vmem>>, vector<1x16xf32>,
      %swap3A_173 = vector.shape_cast %swap3A_172 : vector<1x16xf32> to vector<16xf32>
      %swap3A_174 = vector.shape_cast %broadcast_in_dim3A_169 : vector<16xf32> to vector<1x16xf32>
      tpu.vector_store %arg5[%swap3A_170, %swap3A_171], %swap3A_174 {strides = array<i32>} : memref<80x128xf32, #tpu.memory_space<vmem>>, vector<1x16xf32>,
      %broadcast_in_dim3A_175 = arith.constant 0.000000e+00 : f32
      %broadcast_in_dim3A_176 = vector.broadcast %broadcast_in_dim3A_175 : f32 to vector<16xf32>
      %swap3A_177 = arith.index_cast %scan3A_155 : i32 to index
      %swap3A_178 = arith.constant 48 : index
      %swap3A_179 = tpu.vector_load %arg5[%swap3A_177, %swap3A_178] {strides = array<i32>} : memref<80x128xf32, #tpu.memory_space<vmem>>, vector<1x16xf32>,
      %swap3A_180 = vector.shape_cast %swap3A_179 : vector<1x16xf32> to vector<16xf32>
      %swap3A_181 = vector.shape_cast %broadcast_in_dim3A_176 : vector<16xf32> to vector<1x16xf32>
      tpu.vector_store %arg5[%swap3A_177, %swap3A_178], %swap3A_181 {strides = array<i32>} : memref<80x128xf32, #tpu.memory_space<vmem>>, vector<1x16xf32>,
      %broadcast_in_dim3A_182 = arith.constant 0.000000e+00 : f32
      %broadcast_in_dim3A_183 = vector.broadcast %broadcast_in_dim3A_182 : f32 to vector<16xf32>
      %swap3A_184 = arith.index_cast %scan3A_155 : i32 to index
      %swap3A_185 = arith.constant 64 : index
      %swap3A_186 = tpu.vector_load %arg5[%swap3A_184, %swap3A_185] {strides = array<i32>} : memref<80x128xf32, #tpu.memory_space<vmem>>, vector<1x16xf32>,
      %swap3A_187 = vector.shape_cast %swap3A_186 : vector<1x16xf32> to vector<16xf32>
      %swap3A_188 = vector.shape_cast %broadcast_in_dim3A_183 : vector<16xf32> to vector<1x16xf32>
      tpu.vector_store %arg5[%swap3A_184, %swap3A_185], %swap3A_188 {strides = array<i32>} : memref<80x128xf32, #tpu.memory_space<vmem>>, vector<1x16xf32>,
      %broadcast_in_dim3A_189 = arith.constant 0.000000e+00 : f32
      %broadcast_in_dim3A_190 = vector.broadcast %broadcast_in_dim3A_189 : f32 to vector<16xf32>
      %swap3A_191 = arith.index_cast %scan3A_155 : i32 to index
      %swap3A_192 = arith.constant 80 : index
      %swap3A_193 = tpu.vector_load %arg5[%swap3A_191, %swap3A_192] {strides = array<i32>} : memref<80x128xf32, #tpu.memory_space<vmem>>, vector<1x16xf32>,
      %swap3A_194 = vector.shape_cast %swap3A_193 : vector<1x16xf32> to vector<16xf32>
      %swap3A_195 = vector.shape_cast %broadcast_in_dim3A_190 : vector<16xf32> to vector<1x16xf32>
      tpu.vector_store %arg5[%swap3A_191, %swap3A_192], %swap3A_195 {strides = array<i32>} : memref<80x128xf32, #tpu.memory_space<vmem>>, vector<1x16xf32>,
      %broadcast_in_dim3A_196 = arith.constant 0.000000e+00 : f32
      %broadcast_in_dim3A_197 = vector.broadcast %broadcast_in_dim3A_196 : f32 to vector<16xf32>
      %swap3A_198 = arith.index_cast %scan3A_155 : i32 to index
      %swap3A_199 = arith.constant 96 : index
      %swap3A_200 = tpu.vector_load %arg5[%swap3A_198, %swap3A_199] {strides = array<i32>} : memref<80x128xf32, #tpu.memory_space<vmem>>, vector<1x16xf32>,
      %swap3A_201 = vector.shape_cast %swap3A_200 : vector<1x16xf32> to vector<16xf32>
      %swap3A_202 = vector.shape_cast %broadcast_in_dim3A_197 : vector<16xf32> to vector<1x16xf32>
      tpu.vector_store %arg5[%swap3A_198, %swap3A_199], %swap3A_202 {strides = array<i32>} : memref<80x128xf32, #tpu.memory_space<vmem>>, vector<1x16xf32>,
      %broadcast_in_dim3A_203 = arith.constant 0.000000e+00 : f32
      %broadcast_in_dim3A_204 = vector.broadcast %broadcast_in_dim3A_203 : f32 to vector<16xf32>
      %swap3A_205 = arith.index_cast %scan3A_155 : i32 to index
      %swap3A_206 = arith.constant 112 : index
      %swap3A_207 = tpu.vector_load %arg5[%swap3A_205, %swap3A_206] {strides = array<i32>} : memref<80x128xf32, #tpu.memory_space<vmem>>, vector<1x16xf32>,
      %swap3A_208 = vector.shape_cast %swap3A_207 : vector<1x16xf32> to vector<16xf32>
      %swap3A_209 = vector.shape_cast %broadcast_in_dim3A_204 : vector<16xf32> to vector<1x16xf32>
      tpu.vector_store %arg5[%swap3A_205, %swap3A_206], %swap3A_209 {strides = array<i32>} : memref<80x128xf32, #tpu.memory_space<vmem>>, vector<1x16xf32>,
    }
    %scan3A_5 = arith.constant 80 : i32
    %mul3A_6 = arith.constant 640 : i32
    %mul3A_7 = arith.muli %arg1, %mul3A_6 : i32
    %add3A_8 = arith.constant 0 : i32
    %add3A_9 = arith.addi %mul3A_7, %add3A_8 : i32
    "tpu.region"() ({
      %run_scoped3A_155 = tpu.sem_alloc : memref<!tpu.dma_semaphore, #tpu.memory_space<semaphore_mem>>
      %dma_start3A_156 = arith.constant 0 : i32
      %dma_start3A_157 = tpu.memref_slice %arg8[%add3A_9, %dma_start3A_156] : memref<10240x128xf32, #tpu.memory_space<vmem_shared>> -> memref<80x128xf32, #tpu.memory_space<vmem_shared>>
      %dma_start3A_158 = arith.constant 0 : i32
      %dma_start3A_159 = tpu.memref_slice %arg8[%add3A_9, %dma_start3A_158] : memref<10240x128xf32, #tpu.memory_space<vmem_shared>> -> memref<80x128xf32, #tpu.memory_space<vmem_shared>>
      tpu.enqueue_dma source(%arg5 : memref<80x128xf32, #tpu.memory_space<vmem>>) target(%dma_start3A_159 : memref<80x128xf32, #tpu.memory_space<vmem_shared>>) target_semaphore(%run_scoped3A_155 : memref<!tpu.dma_semaphore, #tpu.memory_space<semaphore_mem>>)
      %dma_wait3A_160 = arith.constant 0 : i32
      %dma_wait3A_161 = tpu.memref_slice %arg8[%add3A_9, %dma_wait3A_160] : memref<10240x128xf32, #tpu.memory_space<vmem_shared>> -> memref<80x128xf32, #tpu.memory_space<vmem_shared>>
      %dma_wait3A_162 = arith.constant 0 : i32
      %dma_wait3A_163 = tpu.memref_slice %arg8[%add3A_9, %dma_wait3A_162] : memref<10240x128xf32, #tpu.memory_space<vmem_shared>> -> memref<80x128xf32, #tpu.memory_space<vmem_shared>>
      tpu.wait_dma2 semaphore(%run_scoped3A_155 : memref<!tpu.dma_semaphore, #tpu.memory_space<semaphore_mem>>) src(%arg5 : memref<80x128xf32, #tpu.memory_space<vmem>>) dst(%dma_wait3A_163 : memref<80x128xf32, #tpu.memory_space<vmem_shared>>)
      tpu.yield
    }) : () -> ()
    %mul3A_10 = arith.constant 640 : i32
    %mul3A_11 = arith.muli %arg1, %mul3A_10 : i32
    %add3A_12 = arith.constant 80 : i32
    %add3A_13 = arith.addi %mul3A_11, %add3A_12 : i32
    "tpu.region"() ({
      %run_scoped3A_155 = tpu.sem_alloc : memref<!tpu.dma_semaphore, #tpu.memory_space<semaphore_mem>>
      %dma_start3A_156 = arith.constant 0 : i32
      %dma_start3A_157 = tpu.memref_slice %arg8[%add3A_13, %dma_start3A_156] : memref<10240x128xf32, #tpu.memory_space<vmem_shared>> -> memref<80x128xf32, #tpu.memory_space<vmem_shared>>
      %dma_start3A_158 = arith.constant 0 : i32
      %dma_start3A_159 = tpu.memref_slice %arg8[%add3A_13, %dma_start3A_158] : memref<10240x128xf32, #tpu.memory_space<vmem_shared>> -> memref<80x128xf32, #tpu.memory_space<vmem_shared>>
      tpu.enqueue_dma source(%arg5 : memref<80x128xf32, #tpu.memory_space<vmem>>) target(%dma_start3A_159 : memref<80x128xf32, #tpu.memory_space<vmem_shared>>) target_semaphore(%run_scoped3A_155 : memref<!tpu.dma_semaphore, #tpu.memory_space<semaphore_mem>>)
      %dma_wait3A_160 = arith.constant 0 : i32
      %dma_wait3A_161 = tpu.memref_slice %arg8[%add3A_13, %dma_wait3A_160] : memref<10240x128xf32, #tpu.memory_space<vmem_shared>> -> memref<80x128xf32, #tpu.memory_space<vmem_shared>>
      %dma_wait3A_162 = arith.constant 0 : i32
      %dma_wait3A_163 = tpu.memref_slice %arg8[%add3A_13, %dma_wait3A_162] : memref<10240x128xf32, #tpu.memory_space<vmem_shared>> -> memref<80x128xf32, #tpu.memory_space<vmem_shared>>
      tpu.wait_dma2 semaphore(%run_scoped3A_155 : memref<!tpu.dma_semaphore, #tpu.memory_space<semaphore_mem>>) src(%arg5 : memref<80x128xf32, #tpu.memory_space<vmem>>) dst(%dma_wait3A_163 : memref<80x128xf32, #tpu.memory_space<vmem_shared>>)
      tpu.yield
    }) : () -> ()
    %mul3A_14 = arith.constant 640 : i32
    %mul3A_15 = arith.muli %arg1, %mul3A_14 : i32
    %add3A_16 = arith.constant 160 : i32
    %add3A_17 = arith.addi %mul3A_15, %add3A_16 : i32
    "tpu.region"() ({
      %run_scoped3A_155 = tpu.sem_alloc : memref<!tpu.dma_semaphore, #tpu.memory_space<semaphore_mem>>
      %dma_start3A_156 = arith.constant 0 : i32
      %dma_start3A_157 = tpu.memref_slice %arg8[%add3A_17, %dma_start3A_156] : memref<10240x128xf32, #tpu.memory_space<vmem_shared>> -> memref<80x128xf32, #tpu.memory_space<vmem_shared>>
      %dma_start3A_158 = arith.constant 0 : i32
      %dma_start3A_159 = tpu.memref_slice %arg8[%add3A_17, %dma_start3A_158] : memref<10240x128xf32, #tpu.memory_space<vmem_shared>> -> memref<80x128xf32, #tpu.memory_space<vmem_shared>>
      tpu.enqueue_dma source(%arg5 : memref<80x128xf32, #tpu.memory_space<vmem>>) target(%dma_start3A_159 : memref<80x128xf32, #tpu.memory_space<vmem_shared>>) target_semaphore(%run_scoped3A_155 : memref<!tpu.dma_semaphore, #tpu.memory_space<semaphore_mem>>)
      %dma_wait3A_160 = arith.constant 0 : i32
      %dma_wait3A_161 = tpu.memref_slice %arg8[%add3A_17, %dma_wait3A_160] : memref<10240x128xf32, #tpu.memory_space<vmem_shared>> -> memref<80x128xf32, #tpu.memory_space<vmem_shared>>
      %dma_wait3A_162 = arith.constant 0 : i32
      %dma_wait3A_163 = tpu.memref_slice %arg8[%add3A_17, %dma_wait3A_162] : memref<10240x128xf32, #tpu.memory_space<vmem_shared>> -> memref<80x128xf32, #tpu.memory_space<vmem_shared>>
      tpu.wait_dma2 semaphore(%run_scoped3A_155 : memref<!tpu.dma_semaphore, #tpu.memory_space<semaphore_mem>>) src(%arg5 : memref<80x128xf32, #tpu.memory_space<vmem>>) dst(%dma_wait3A_163 : memref<80x128xf32, #tpu.memory_space<vmem_shared>>)
      tpu.yield
    }) : () -> ()
    %mul3A_18 = arith.constant 640 : i32
    %mul3A_19 = arith.muli %arg1, %mul3A_18 : i32
    %add3A_20 = arith.constant 240 : i32
    %add3A_21 = arith.addi %mul3A_19, %add3A_20 : i32
    "tpu.region"() ({
      %run_scoped3A_155 = tpu.sem_alloc : memref<!tpu.dma_semaphore, #tpu.memory_space<semaphore_mem>>
      %dma_start3A_156 = arith.constant 0 : i32
      %dma_start3A_157 = tpu.memref_slice %arg8[%add3A_21, %dma_start3A_156] : memref<10240x128xf32, #tpu.memory_space<vmem_shared>> -> memref<80x128xf32, #tpu.memory_space<vmem_shared>>
      %dma_start3A_158 = arith.constant 0 : i32
      %dma_start3A_159 = tpu.memref_slice %arg8[%add3A_21, %dma_start3A_158] : memref<10240x128xf32, #tpu.memory_space<vmem_shared>> -> memref<80x128xf32, #tpu.memory_space<vmem_shared>>
      tpu.enqueue_dma source(%arg5 : memref<80x128xf32, #tpu.memory_space<vmem>>) target(%dma_start3A_159 : memref<80x128xf32, #tpu.memory_space<vmem_shared>>) target_semaphore(%run_scoped3A_155 : memref<!tpu.dma_semaphore, #tpu.memory_space<semaphore_mem>>)
      %dma_wait3A_160 = arith.constant 0 : i32
      %dma_wait3A_161 = tpu.memref_slice %arg8[%add3A_21, %dma_wait3A_160] : memref<10240x128xf32, #tpu.memory_space<vmem_shared>> -> memref<80x128xf32, #tpu.memory_space<vmem_shared>>
      %dma_wait3A_162 = arith.constant 0 : i32
      %dma_wait3A_163 = tpu.memref_slice %arg8[%add3A_21, %dma_wait3A_162] : memref<10240x128xf32, #tpu.memory_space<vmem_shared>> -> memref<80x128xf32, #tpu.memory_space<vmem_shared>>
      tpu.wait_dma2 semaphore(%run_scoped3A_155 : memref<!tpu.dma_semaphore, #tpu.memory_space<semaphore_mem>>) src(%arg5 : memref<80x128xf32, #tpu.memory_space<vmem>>) dst(%dma_wait3A_163 : memref<80x128xf32, #tpu.memory_space<vmem_shared>>)
      tpu.yield
    }) : () -> ()
    %mul3A_22 = arith.constant 640 : i32
    %mul3A_23 = arith.muli %arg1, %mul3A_22 : i32
    %add3A_24 = arith.constant 320 : i32
    %add3A_25 = arith.addi %mul3A_23, %add3A_24 : i32
    "tpu.region"() ({
      %run_scoped3A_155 = tpu.sem_alloc : memref<!tpu.dma_semaphore, #tpu.memory_space<semaphore_mem>>
      %dma_start3A_156 = arith.constant 0 : i32
      %dma_start3A_157 = tpu.memref_slice %arg8[%add3A_25, %dma_start3A_156] : memref<10240x128xf32, #tpu.memory_space<vmem_shared>> -> memref<80x128xf32, #tpu.memory_space<vmem_shared>>
      %dma_start3A_158 = arith.constant 0 : i32
      %dma_start3A_159 = tpu.memref_slice %arg8[%add3A_25, %dma_start3A_158] : memref<10240x128xf32, #tpu.memory_space<vmem_shared>> -> memref<80x128xf32, #tpu.memory_space<vmem_shared>>
      tpu.enqueue_dma source(%arg5 : memref<80x128xf32, #tpu.memory_space<vmem>>) target(%dma_start3A_159 : memref<80x128xf32, #tpu.memory_space<vmem_shared>>) target_semaphore(%run_scoped3A_155 : memref<!tpu.dma_semaphore, #tpu.memory_space<semaphore_mem>>)
      %dma_wait3A_160 = arith.constant 0 : i32
      %dma_wait3A_161 = tpu.memref_slice %arg8[%add3A_25, %dma_wait3A_160] : memref<10240x128xf32, #tpu.memory_space<vmem_shared>> -> memref<80x128xf32, #tpu.memory_space<vmem_shared>>
      %dma_wait3A_162 = arith.constant 0 : i32
      %dma_wait3A_163 = tpu.memref_slice %arg8[%add3A_25, %dma_wait3A_162] : memref<10240x128xf32, #tpu.memory_space<vmem_shared>> -> memref<80x128xf32, #tpu.memory_space<vmem_shared>>
      tpu.wait_dma2 semaphore(%run_scoped3A_155 : memref<!tpu.dma_semaphore, #tpu.memory_space<semaphore_mem>>) src(%arg5 : memref<80x128xf32, #tpu.memory_space<vmem>>) dst(%dma_wait3A_163 : memref<80x128xf32, #tpu.memory_space<vmem_shared>>)
      tpu.yield
    }) : () -> ()
    %mul3A_26 = arith.constant 640 : i32
    %mul3A_27 = arith.muli %arg1, %mul3A_26 : i32
    %add3A_28 = arith.constant 400 : i32
    %add3A_29 = arith.addi %mul3A_27, %add3A_28 : i32
    "tpu.region"() ({
      %run_scoped3A_155 = tpu.sem_alloc : memref<!tpu.dma_semaphore, #tpu.memory_space<semaphore_mem>>
      %dma_start3A_156 = arith.constant 0 : i32
      %dma_start3A_157 = tpu.memref_slice %arg8[%add3A_29, %dma_start3A_156] : memref<10240x128xf32, #tpu.memory_space<vmem_shared>> -> memref<80x128xf32, #tpu.memory_space<vmem_shared>>
      %dma_start3A_158 = arith.constant 0 : i32
      %dma_start3A_159 = tpu.memref_slice %arg8[%add3A_29, %dma_start3A_158] : memref<10240x128xf32, #tpu.memory_space<vmem_shared>> -> memref<80x128xf32, #tpu.memory_space<vmem_shared>>
      tpu.enqueue_dma source(%arg5 : memref<80x128xf32, #tpu.memory_space<vmem>>) target(%dma_start3A_159 : memref<80x128xf32, #tpu.memory_space<vmem_shared>>) target_semaphore(%run_scoped3A_155 : memref<!tpu.dma_semaphore, #tpu.memory_space<semaphore_mem>>)
      %dma_wait3A_160 = arith.constant 0 : i32
      %dma_wait3A_161 = tpu.memref_slice %arg8[%add3A_29, %dma_wait3A_160] : memref<10240x128xf32, #tpu.memory_space<vmem_shared>> -> memref<80x128xf32, #tpu.memory_space<vmem_shared>>
      %dma_wait3A_162 = arith.constant 0 : i32
      %dma_wait3A_163 = tpu.memref_slice %arg8[%add3A_29, %dma_wait3A_162] : memref<10240x128xf32, #tpu.memory_space<vmem_shared>> -> memref<80x128xf32, #tpu.memory_space<vmem_shared>>
      tpu.wait_dma2 semaphore(%run_scoped3A_155 : memref<!tpu.dma_semaphore, #tpu.memory_space<semaphore_mem>>) src(%arg5 : memref<80x128xf32, #tpu.memory_space<vmem>>) dst(%dma_wait3A_163 : memref<80x128xf32, #tpu.memory_space<vmem_shared>>)
      tpu.yield
    }) : () -> ()
    %mul3A_30 = arith.constant 640 : i32
    %mul3A_31 = arith.muli %arg1, %mul3A_30 : i32
    %add3A_32 = arith.constant 480 : i32
    %add3A_33 = arith.addi %mul3A_31, %add3A_32 : i32
    "tpu.region"() ({
      %run_scoped3A_155 = tpu.sem_alloc : memref<!tpu.dma_semaphore, #tpu.memory_space<semaphore_mem>>
      %dma_start3A_156 = arith.constant 0 : i32
      %dma_start3A_157 = tpu.memref_slice %arg8[%add3A_33, %dma_start3A_156] : memref<10240x128xf32, #tpu.memory_space<vmem_shared>> -> memref<80x128xf32, #tpu.memory_space<vmem_shared>>
      %dma_start3A_158 = arith.constant 0 : i32
      %dma_start3A_159 = tpu.memref_slice %arg8[%add3A_33, %dma_start3A_158] : memref<10240x128xf32, #tpu.memory_space<vmem_shared>> -> memref<80x128xf32, #tpu.memory_space<vmem_shared>>
      tpu.enqueue_dma source(%arg5 : memref<80x128xf32, #tpu.memory_space<vmem>>) target(%dma_start3A_159 : memref<80x128xf32, #tpu.memory_space<vmem_shared>>) target_semaphore(%run_scoped3A_155 : memref<!tpu.dma_semaphore, #tpu.memory_space<semaphore_mem>>)
      %dma_wait3A_160 = arith.constant 0 : i32
      %dma_wait3A_161 = tpu.memref_slice %arg8[%add3A_33, %dma_wait3A_160] : memref<10240x128xf32, #tpu.memory_space<vmem_shared>> -> memref<80x128xf32, #tpu.memory_space<vmem_shared>>
      %dma_wait3A_162 = arith.constant 0 : i32
      %dma_wait3A_163 = tpu.memref_slice %arg8[%add3A_33, %dma_wait3A_162] : memref<10240x128xf32, #tpu.memory_space<vmem_shared>> -> memref<80x128xf32, #tpu.memory_space<vmem_shared>>
      tpu.wait_dma2 semaphore(%run_scoped3A_155 : memref<!tpu.dma_semaphore, #tpu.memory_space<semaphore_mem>>) src(%arg5 : memref<80x128xf32, #tpu.memory_space<vmem>>) dst(%dma_wait3A_163 : memref<80x128xf32, #tpu.memory_space<vmem_shared>>)
      tpu.yield
    }) : () -> ()
    %mul3A_34 = arith.constant 640 : i32
    %mul3A_35 = arith.muli %arg1, %mul3A_34 : i32
    %add3A_36 = arith.constant 560 : i32
    %add3A_37 = arith.addi %mul3A_35, %add3A_36 : i32
    "tpu.region"() ({
      %run_scoped3A_155 = tpu.sem_alloc : memref<!tpu.dma_semaphore, #tpu.memory_space<semaphore_mem>>
      %dma_start3A_156 = arith.constant 0 : i32
      %dma_start3A_157 = tpu.memref_slice %arg8[%add3A_37, %dma_start3A_156] : memref<10240x128xf32, #tpu.memory_space<vmem_shared>> -> memref<80x128xf32, #tpu.memory_space<vmem_shared>>
      %dma_start3A_158 = arith.constant 0 : i32
      %dma_start3A_159 = tpu.memref_slice %arg8[%add3A_37, %dma_start3A_158] : memref<10240x128xf32, #tpu.memory_space<vmem_shared>> -> memref<80x128xf32, #tpu.memory_space<vmem_shared>>
      tpu.enqueue_dma source(%arg5 : memref<80x128xf32, #tpu.memory_space<vmem>>) target(%dma_start3A_159 : memref<80x128xf32, #tpu.memory_space<vmem_shared>>) target_semaphore(%run_scoped3A_155 : memref<!tpu.dma_semaphore, #tpu.memory_space<semaphore_mem>>)
      %dma_wait3A_160 = arith.constant 0 : i32
      %dma_wait3A_161 = tpu.memref_slice %arg8[%add3A_37, %dma_wait3A_160] : memref<10240x128xf32, #tpu.memory_space<vmem_shared>> -> memref<80x128xf32, #tpu.memory_space<vmem_shared>>
      %dma_wait3A_162 = arith.constant 0 : i32
      %dma_wait3A_163 = tpu.memref_slice %arg8[%add3A_37, %dma_wait3A_162] : memref<10240x128xf32, #tpu.memory_space<vmem_shared>> -> memref<80x128xf32, #tpu.memory_space<vmem_shared>>
      tpu.wait_dma2 semaphore(%run_scoped3A_155 : memref<!tpu.dma_semaphore, #tpu.memory_space<semaphore_mem>>) src(%arg5 : memref<80x128xf32, #tpu.memory_space<vmem>>) dst(%dma_wait3A_163 : memref<80x128xf32, #tpu.memory_space<vmem_shared>>)
      tpu.yield
    }) : () -> ()
    %barrier3A = arith.constant 0 : index
    tpu.barrier barrier_id(%barrier3A)
    "tpu.region"() ({
      %run_scoped3A_155 = tpu.sem_alloc : memref<!tpu.dma_semaphore, #tpu.memory_space<semaphore_mem>>
      %dma_start3A_156 = arith.constant 0 : i32
      %dma_start3A_157 = arith.constant 0 : i32
      %dma_start3A_158 = tpu.memref_slice %arg3[%add3A, %dma_start3A_156, %dma_start3A_157] : memref<32x125x80xi32, #tpu.memory_space<hbm>> -> memref<1x125x80xi32, #tpu.memory_space<hbm>>
      %dma_start3A_159 = tpu.memref_squeeze %dma_start3A_158 : memref<1x125x80xi32, #tpu.memory_space<hbm>> -> memref<125x80xi32, #tpu.memory_space<hbm>>
      %dma_start3A_160 = arith.constant 0 : i32
      %dma_start3A_161 = arith.constant 0 : i32
      %dma_start3A_162 = tpu.memref_slice %arg3[%add3A, %dma_start3A_160, %dma_start3A_161] : memref<32x125x80xi32, #tpu.memory_space<hbm>> -> memref<1x125x80xi32, #tpu.memory_space<hbm>>
      %dma_start3A_163 = tpu.memref_squeeze %dma_start3A_162 : memref<1x125x80xi32, #tpu.memory_space<hbm>> -> memref<125x80xi32, #tpu.memory_space<hbm>>
      tpu.enqueue_dma source(%dma_start3A_163 : memref<125x80xi32, #tpu.memory_space<hbm>>) target(%arg7 : memref<125x80xi32, #tpu.memory_space<vmem>>) target_semaphore(%run_scoped3A_155 : memref<!tpu.dma_semaphore, #tpu.memory_space<semaphore_mem>>)
      %dma_wait3A_164 = arith.constant 0 : i32
      %dma_wait3A_165 = arith.constant 0 : i32
      %dma_wait3A_166 = tpu.memref_slice %arg3[%add3A, %dma_wait3A_164, %dma_wait3A_165] : memref<32x125x80xi32, #tpu.memory_space<hbm>> -> memref<1x125x80xi32, #tpu.memory_space<hbm>>
      %dma_wait3A_167 = tpu.memref_squeeze %dma_wait3A_166 : memref<1x125x80xi32, #tpu.memory_space<hbm>> -> memref<125x80xi32, #tpu.memory_space<hbm>>
      %dma_wait3A_168 = arith.constant 0 : i32
      %dma_wait3A_169 = arith.constant 0 : i32
      %dma_wait3A_170 = tpu.memref_slice %arg3[%add3A, %dma_wait3A_168, %dma_wait3A_169] : memref<32x125x80xi32, #tpu.memory_space<hbm>> -> memref<1x125x80xi32, #tpu.memory_space<hbm>>
      %dma_wait3A_171 = tpu.memref_squeeze %dma_wait3A_170 : memref<1x125x80xi32, #tpu.memory_space<hbm>> -> memref<125x80xi32, #tpu.memory_space<hbm>>
      tpu.wait_dma2 semaphore(%run_scoped3A_155 : memref<!tpu.dma_semaphore, #tpu.memory_space<semaphore_mem>>) src(%dma_wait3A_171 : memref<125x80xi32, #tpu.memory_space<hbm>>) dst(%arg7 : memref<125x80xi32, #tpu.memory_space<vmem>>)
      tpu.yield
    }) : () -> ()
    %mul3A_38 = arith.constant 10000 : i32
    %mul3A_39 = arith.muli %add3A, %mul3A_38 : i32
    %add3A_40 = arith.constant 0 : i32
    %add3A_41 = arith.addi %mul3A_39, %add3A_40 : i32
    %dma_start3A = arith.constant 0 : i32
    %dma_start3A_42 = tpu.memref_slice %arg2[%add3A_41, %dma_start3A] : memref<320000x128xf32, #tpu.memory_space<hbm>> -> memref<80x128xf32, #tpu.memory_space<hbm>>
    %dma_start3A_43 = arith.constant 0 : i32
    %dma_start3A_44 = tpu.memref_slice %arg2[%add3A_41, %dma_start3A_43] : memref<320000x128xf32, #tpu.memory_space<hbm>> -> memref<80x128xf32, #tpu.memory_space<hbm>>
    tpu.enqueue_dma source(%dma_start3A_44 : memref<80x128xf32, #tpu.memory_space<hbm>>) target(%arg5 : memref<80x128xf32, #tpu.memory_space<vmem>>) target_semaphore(%arg9 : memref<!tpu.dma_semaphore, #tpu.memory_space<semaphore_mem>>)
    %mul3A_45 = arith.constant 10000 : i32
    %mul3A_46 = arith.muli %add3A, %mul3A_45 : i32
    %add3A_47 = arith.constant 80 : i32
    %add3A_48 = arith.addi %mul3A_46, %add3A_47 : i32
    %dma_start3A_49 = arith.constant 0 : i32
    %dma_start3A_50 = tpu.memref_slice %arg2[%add3A_48, %dma_start3A_49] : memref<320000x128xf32, #tpu.memory_space<hbm>> -> memref<80x128xf32, #tpu.memory_space<hbm>>
    %dma_start3A_51 = arith.constant 0 : i32
    %dma_start3A_52 = tpu.memref_slice %arg2[%add3A_48, %dma_start3A_51] : memref<320000x128xf32, #tpu.memory_space<hbm>> -> memref<80x128xf32, #tpu.memory_space<hbm>>
    tpu.enqueue_dma source(%dma_start3A_52 : memref<80x128xf32, #tpu.memory_space<hbm>>) target(%arg6 : memref<80x128xf32, #tpu.memory_space<vmem>>) target_semaphore(%arg10 : memref<!tpu.dma_semaphore, #tpu.memory_space<semaphore_mem>>)
    %scan3A_53 = arith.constant 0 : i32
    %scan3A_54 = arith.constant 0 : i32
    %scan3A_55 = arith.constant 62 : i32
    %scan3A_56 = arith.addi %scan3A_54, %scan3A_55 : i32
    %scan3A_57 = arith.constant 1 : i32
    scf.for %scan3A_155 = %scan3A_54 to %scan3A_56 step %scan3A_57  : i32 {
      %mul3A_156 = arith.constant 2 : i32
      %mul3A_157 = arith.muli %scan3A_155, %mul3A_156 : i32
      %add3A_158 = arith.constant 0 : i32
      %add3A_159 = arith.addi %mul3A_157, %add3A_158 : i32
      %mul3A_160 = arith.constant 10000 : i32
      %mul3A_161 = arith.muli %add3A, %mul3A_160 : i32
      %mul3A_162 = arith.constant 80 : i32
      %mul3A_163 = arith.muli %add3A_159, %mul3A_162 : i32
      %add3A_164 = arith.addi %mul3A_161, %mul3A_163 : i32
      %dma_wait3A_165 = arith.constant 0 : i32
      %dma_wait3A_166 = tpu.memref_slice %arg2[%add3A_164, %dma_wait3A_165] : memref<320000x128xf32, #tpu.memory_space<hbm>> -> memref<80x128xf32, #tpu.memory_space<hbm>>
      %dma_wait3A_167 = arith.constant 0 : i32
      %dma_wait3A_168 = tpu.memref_slice %arg2[%add3A_164, %dma_wait3A_167] : memref<320000x128xf32, #tpu.memory_space<hbm>> -> memref<80x128xf32, #tpu.memory_space<hbm>>
      tpu.wait_dma2 semaphore(%arg9 : memref<!tpu.dma_semaphore, #tpu.memory_space<semaphore_mem>>) src(%dma_wait3A_168 : memref<80x128xf32, #tpu.memory_space<hbm>>) dst(%arg5 : memref<80x128xf32, #tpu.memory_space<vmem>>)
      "tpu.region"() ({
        %run_scoped3A_193 = tpu.sem_alloc : memref<!tpu.dma_semaphore, #tpu.memory_space<semaphore_mem>>
        %dma_start3A_194 = arith.constant 0 : i32
        %dma_start3A_195 = tpu.memref_slice %arg7[%add3A_159, %dma_start3A_194] : memref<125x80xi32, #tpu.memory_space<vmem>> -> memref<1x80xi32, #tpu.memory_space<vmem>>
        %dma_start3A_196 = tpu.memref_squeeze %dma_start3A_195 : memref<1x80xi32, #tpu.memory_space<vmem>> -> memref<80xi32, #tpu.memory_space<vmem>>
        %dma_start3A_197 = arith.constant 0 : i32
        %dma_start3A_198 = arith.constant 0 : i32
        %dma_start3A_199 = tpu.memref_slice %arg8[%dma_start3A_197, %dma_start3A_198] : memref<10240x128xf32, #tpu.memory_space<vmem_shared>> -> memref<10240x128xf32, #tpu.memory_space<vmem_shared>>
        tpu.enqueue_indirect_dma source(%arg5 : memref<80x128xf32, #tpu.memory_space<vmem>>) target(%dma_start3A_199 : memref<10240x128xf32, #tpu.memory_space<vmem_shared>>) offsets(%dma_start3A_196 : memref<80xi32, #tpu.memory_space<vmem>>) semaphore(%run_scoped3A_193 : memref<!tpu.dma_semaphore, #tpu.memory_space<semaphore_mem>>) {add = true}
        %dma_wait3A_200 = arith.constant 0 : i32
        %dma_wait3A_201 = tpu.memref_slice %arg7[%add3A_159, %dma_wait3A_200] : memref<125x80xi32, #tpu.memory_space<vmem>> -> memref<1x80xi32, #tpu.memory_space<vmem>>
        %dma_wait3A_202 = tpu.memref_squeeze %dma_wait3A_201 : memref<1x80xi32, #tpu.memory_space<vmem>> -> memref<80xi32, #tpu.memory_space<vmem>>
        %dma_wait3A_203 = arith.constant 0 : i32
        %dma_wait3A_204 = arith.constant 0 : i32
        %dma_wait3A_205 = tpu.memref_slice %arg8[%dma_wait3A_203, %dma_wait3A_204] : memref<10240x128xf32, #tpu.memory_space<vmem_shared>> -> memref<10240x128xf32, #tpu.memory_space<vmem_shared>>
        tpu.wait_indirect_dma semaphore(%run_scoped3A_193 : memref<!tpu.dma_semaphore, #tpu.memory_space<semaphore_mem>>) src(%arg5 : memref<80x128xf32, #tpu.memory_space<vmem>>) dst(%dma_wait3A_205 : memref<10240x128xf32, #tpu.memory_space<vmem_shared>>)
        tpu.yield
      }) : () -> ()
      %add3A_169 = arith.constant 2 : i32
      %add3A_170 = arith.addi %add3A_159, %add3A_169 : i32
      %lt3A = arith.constant 125 : i32
      %lt3A_171 = arith.cmpi slt, %add3A_170, %lt3A : i32
      %convert_element_type3A = arith.extui %lt3A_171 : i1 to i32
      %cond3A = arith.constant 0 : i32
      %cond3A_172 = arith.cmpi ne, %convert_element_type3A, %cond3A : i32
      scf.if %cond3A_172 {
        %mul3A_193 = arith.constant 10000 : i32
        %mul3A_194 = arith.muli %add3A, %mul3A_193 : i32
        %mul3A_195 = arith.constant 80 : i32
        %mul3A_196 = arith.muli %add3A_170, %mul3A_195 : i32
        %add3A_197 = arith.addi %mul3A_194, %mul3A_196 : i32
        %dma_start3A_198 = arith.constant 0 : i32
        %dma_start3A_199 = tpu.memref_slice %arg2[%add3A_197, %dma_start3A_198] : memref<320000x128xf32, #tpu.memory_space<hbm>> -> memref<80x128xf32, #tpu.memory_space<hbm>>
        %dma_start3A_200 = arith.constant 0 : i32
        %dma_start3A_201 = tpu.memref_slice %arg2[%add3A_197, %dma_start3A_200] : memref<320000x128xf32, #tpu.memory_space<hbm>> -> memref<80x128xf32, #tpu.memory_space<hbm>>
        tpu.enqueue_dma source(%dma_start3A_201 : memref<80x128xf32, #tpu.memory_space<hbm>>) target(%arg5 : memref<80x128xf32, #tpu.memory_space<vmem>>) target_semaphore(%arg9 : memref<!tpu.dma_semaphore, #tpu.memory_space<semaphore_mem>>)
      } else {
      }
      %mul3A_173 = arith.constant 2 : i32
      %mul3A_174 = arith.muli %scan3A_155, %mul3A_173 : i32
      %add3A_175 = arith.constant 1 : i32
      %add3A_176 = arith.addi %mul3A_174, %add3A_175 : i32
      %mul3A_177 = arith.constant 10000 : i32
      %mul3A_178 = arith.muli %add3A, %mul3A_177 : i32
      %mul3A_179 = arith.constant 80 : i32
      %mul3A_180 = arith.muli %add3A_176, %mul3A_179 : i32
      %add3A_181 = arith.addi %mul3A_178, %mul3A_180 : i32
      %dma_wait3A_182 = arith.constant 0 : i32
      %dma_wait3A_183 = tpu.memref_slice %arg2[%add3A_181, %dma_wait3A_182] : memref<320000x128xf32, #tpu.memory_space<hbm>> -> memref<80x128xf32, #tpu.memory_space<hbm>>
      %dma_wait3A_184 = arith.constant 0 : i32
      %dma_wait3A_185 = tpu.memref_slice %arg2[%add3A_181, %dma_wait3A_184] : memref<320000x128xf32, #tpu.memory_space<hbm>> -> memref<80x128xf32, #tpu.memory_space<hbm>>
      tpu.wait_dma2 semaphore(%arg10 : memref<!tpu.dma_semaphore, #tpu.memory_space<semaphore_mem>>) src(%dma_wait3A_185 : memref<80x128xf32, #tpu.memory_space<hbm>>) dst(%arg6 : memref<80x128xf32, #tpu.memory_space<vmem>>)
      "tpu.region"() ({
        %run_scoped3A_193 = tpu.sem_alloc : memref<!tpu.dma_semaphore, #tpu.memory_space<semaphore_mem>>
        %dma_start3A_194 = arith.constant 0 : i32
        %dma_start3A_195 = tpu.memref_slice %arg7[%add3A_176, %dma_start3A_194] : memref<125x80xi32, #tpu.memory_space<vmem>> -> memref<1x80xi32, #tpu.memory_space<vmem>>
        %dma_start3A_196 = tpu.memref_squeeze %dma_start3A_195 : memref<1x80xi32, #tpu.memory_space<vmem>> -> memref<80xi32, #tpu.memory_space<vmem>>
        %dma_start3A_197 = arith.constant 0 : i32
        %dma_start3A_198 = arith.constant 0 : i32
        %dma_start3A_199 = tpu.memref_slice %arg8[%dma_start3A_197, %dma_start3A_198] : memref<10240x128xf32, #tpu.memory_space<vmem_shared>> -> memref<10240x128xf32, #tpu.memory_space<vmem_shared>>
        tpu.enqueue_indirect_dma source(%arg6 : memref<80x128xf32, #tpu.memory_space<vmem>>) target(%dma_start3A_199 : memref<10240x128xf32, #tpu.memory_space<vmem_shared>>) offsets(%dma_start3A_196 : memref<80xi32, #tpu.memory_space<vmem>>) semaphore(%run_scoped3A_193 : memref<!tpu.dma_semaphore, #tpu.memory_space<semaphore_mem>>) {add = true}
        %dma_wait3A_200 = arith.constant 0 : i32
        %dma_wait3A_201 = tpu.memref_slice %arg7[%add3A_176, %dma_wait3A_200] : memref<125x80xi32, #tpu.memory_space<vmem>> -> memref<1x80xi32, #tpu.memory_space<vmem>>
        %dma_wait3A_202 = tpu.memref_squeeze %dma_wait3A_201 : memref<1x80xi32, #tpu.memory_space<vmem>> -> memref<80xi32, #tpu.memory_space<vmem>>
        %dma_wait3A_203 = arith.constant 0 : i32
        %dma_wait3A_204 = arith.constant 0 : i32
        %dma_wait3A_205 = tpu.memref_slice %arg8[%dma_wait3A_203, %dma_wait3A_204] : memref<10240x128xf32, #tpu.memory_space<vmem_shared>> -> memref<10240x128xf32, #tpu.memory_space<vmem_shared>>
        tpu.wait_indirect_dma semaphore(%run_scoped3A_193 : memref<!tpu.dma_semaphore, #tpu.memory_space<semaphore_mem>>) src(%arg6 : memref<80x128xf32, #tpu.memory_space<vmem>>) dst(%dma_wait3A_205 : memref<10240x128xf32, #tpu.memory_space<vmem_shared>>)
        tpu.yield
      }) : () -> ()
      %add3A_186 = arith.constant 2 : i32
      %add3A_187 = arith.addi %add3A_176, %add3A_186 : i32
      %lt3A_188 = arith.constant 125 : i32
      %lt3A_189 = arith.cmpi slt, %add3A_187, %lt3A_188 : i32
      %convert_element_type3A_190 = arith.extui %lt3A_189 : i1 to i32
      %cond3A_191 = arith.constant 0 : i32
      %cond3A_192 = arith.cmpi ne, %convert_element_type3A_190, %cond3A_191 : i32
      scf.if %cond3A_192 {
        %mul3A_193 = arith.constant 10000 : i32
        %mul3A_194 = arith.muli %add3A, %mul3A_193 : i32
        %mul3A_195 = arith.constant 80 : i32
        %mul3A_196 = arith.muli %add3A_187, %mul3A_195 : i32
        %add3A_197 = arith.addi %mul3A_194, %mul3A_196 : i32
        %dma_start3A_198 = arith.constant 0 : i32
        %dma_start3A_199 = tpu.memref_slice %arg2[%add3A_197, %dma_start3A_198] : memref<320000x128xf32, #tpu.memory_space<hbm>> -> memref<80x128xf32, #tpu.memory_space<hbm>>
        %dma_start3A_200 = arith.constant 0 : i32
        %dma_start3A_201 = tpu.memref_slice %arg2[%add3A_197, %dma_start3A_200] : memref<320000x128xf32, #tpu.memory_space<hbm>> -> memref<80x128xf32, #tpu.memory_space<hbm>>
        tpu.enqueue_dma source(%dma_start3A_201 : memref<80x128xf32, #tpu.memory_space<hbm>>) target(%arg6 : memref<80x128xf32, #tpu.memory_space<vmem>>) target_semaphore(%arg10 : memref<!tpu.dma_semaphore, #tpu.memory_space<semaphore_mem>>)
      } else {
      }
    }
    %scan3A_58 = arith.constant 62 : i32
    %mul3A_59 = arith.constant 10000 : i32
    %mul3A_60 = arith.muli %add3A, %mul3A_59 : i32
    %add3A_61 = arith.constant 9920 : i32
    %add3A_62 = arith.addi %mul3A_60, %add3A_61 : i32
    %dma_wait3A = arith.constant 0 : i32
    %dma_wait3A_63 = tpu.memref_slice %arg2[%add3A_62, %dma_wait3A] : memref<320000x128xf32, #tpu.memory_space<hbm>> -> memref<80x128xf32, #tpu.memory_space<hbm>>
    %dma_wait3A_64 = arith.constant 0 : i32
    %dma_wait3A_65 = tpu.memref_slice %arg2[%add3A_62, %dma_wait3A_64] : memref<320000x128xf32, #tpu.memory_space<hbm>> -> memref<80x128xf32, #tpu.memory_space<hbm>>
    tpu.wait_dma2 semaphore(%arg9 : memref<!tpu.dma_semaphore, #tpu.memory_space<semaphore_mem>>) src(%dma_wait3A_65 : memref<80x128xf32, #tpu.memory_space<hbm>>) dst(%arg5 : memref<80x128xf32, #tpu.memory_space<vmem>>)
    %run_scoped3A = arith.constant 124 : i32
    "tpu.region"() ({
      %run_scoped3A_155 = tpu.sem_alloc : memref<!tpu.dma_semaphore, #tpu.memory_space<semaphore_mem>>
      %dma_start3A_156 = arith.constant 0 : i32
      %dma_start3A_157 = tpu.memref_slice %arg7[%run_scoped3A, %dma_start3A_156] : memref<125x80xi32, #tpu.memory_space<vmem>> -> memref<1x80xi32, #tpu.memory_space<vmem>>
      %dma_start3A_158 = tpu.memref_squeeze %dma_start3A_157 : memref<1x80xi32, #tpu.memory_space<vmem>> -> memref<80xi32, #tpu.memory_space<vmem>>
      %dma_start3A_159 = arith.constant 0 : i32
      %dma_start3A_160 = arith.constant 0 : i32
      %dma_start3A_161 = tpu.memref_slice %arg8[%dma_start3A_159, %dma_start3A_160] : memref<10240x128xf32, #tpu.memory_space<vmem_shared>> -> memref<10240x128xf32, #tpu.memory_space<vmem_shared>>
      tpu.enqueue_indirect_dma source(%arg5 : memref<80x128xf32, #tpu.memory_space<vmem>>) target(%dma_start3A_161 : memref<10240x128xf32, #tpu.memory_space<vmem_shared>>) offsets(%dma_start3A_158 : memref<80xi32, #tpu.memory_space<vmem>>) semaphore(%run_scoped3A_155 : memref<!tpu.dma_semaphore, #tpu.memory_space<semaphore_mem>>) {add = true}
      %dma_wait3A_162 = arith.constant 0 : i32
      %dma_wait3A_163 = tpu.memref_slice %arg7[%run_scoped3A, %dma_wait3A_162] : memref<125x80xi32, #tpu.memory_space<vmem>> -> memref<1x80xi32, #tpu.memory_space<vmem>>
      %dma_wait3A_164 = tpu.memref_squeeze %dma_wait3A_163 : memref<1x80xi32, #tpu.memory_space<vmem>> -> memref<80xi32, #tpu.memory_space<vmem>>
      %dma_wait3A_165 = arith.constant 0 : i32
      %dma_wait3A_166 = arith.constant 0 : i32
      %dma_wait3A_167 = tpu.memref_slice %arg8[%dma_wait3A_165, %dma_wait3A_166] : memref<10240x128xf32, #tpu.memory_space<vmem_shared>> -> memref<10240x128xf32, #tpu.memory_space<vmem_shared>>
      tpu.wait_indirect_dma semaphore(%run_scoped3A_155 : memref<!tpu.dma_semaphore, #tpu.memory_space<semaphore_mem>>) src(%arg5 : memref<80x128xf32, #tpu.memory_space<vmem>>) dst(%dma_wait3A_167 : memref<10240x128xf32, #tpu.memory_space<vmem_shared>>)
      tpu.yield
    }) : () -> ()
    %barrier3A_66 = arith.constant 0 : index
    tpu.barrier barrier_id(%barrier3A_66)
    %mul3A_67 = arith.constant 640 : i32
    %mul3A_68 = arith.muli %arg1, %mul3A_67 : i32
    %add3A_69 = arith.constant 0 : i32
    %add3A_70 = arith.addi %mul3A_68, %add3A_69 : i32
    %mul3A_71 = arith.constant 10240 : i32
    %mul3A_72 = arith.muli %arg0, %mul3A_71 : i32
    %mul3A_73 = arith.constant 640 : i32
    %mul3A_74 = arith.muli %arg1, %mul3A_73 : i32
    %add3A_75 = arith.addi %mul3A_72, %mul3A_74 : i32
    %add3A_76 = arith.constant 0 : i32
    %add3A_77 = arith.addi %add3A_75, %add3A_76 : i32
    "tpu.region"() ({
      %run_scoped3A_155 = tpu.sem_alloc : memref<!tpu.dma_semaphore, #tpu.memory_space<semaphore_mem>>
      %dma_start3A_156 = arith.constant 0 : i32
      %dma_start3A_157 = tpu.memref_slice %arg8[%add3A_70, %dma_start3A_156] : memref<10240x128xf32, #tpu.memory_space<vmem_shared>> -> memref<80x128xf32, #tpu.memory_space<vmem_shared>>
      %dma_start3A_158 = arith.constant 0 : i32
      %dma_start3A_159 = tpu.memref_slice %arg8[%add3A_70, %dma_start3A_158] : memref<10240x128xf32, #tpu.memory_space<vmem_shared>> -> memref<80x128xf32, #tpu.memory_space<vmem_shared>>
      tpu.enqueue_dma source(%dma_start3A_159 : memref<80x128xf32, #tpu.memory_space<vmem_shared>>) target(%arg5 : memref<80x128xf32, #tpu.memory_space<vmem>>) target_semaphore(%run_scoped3A_155 : memref<!tpu.dma_semaphore, #tpu.memory_space<semaphore_mem>>)
      %dma_wait3A_160 = arith.constant 0 : i32
      %dma_wait3A_161 = tpu.memref_slice %arg8[%add3A_70, %dma_wait3A_160] : memref<10240x128xf32, #tpu.memory_space<vmem_shared>> -> memref<80x128xf32, #tpu.memory_space<vmem_shared>>
      %dma_wait3A_162 = arith.constant 0 : i32
      %dma_wait3A_163 = tpu.memref_slice %arg8[%add3A_70, %dma_wait3A_162] : memref<10240x128xf32, #tpu.memory_space<vmem_shared>> -> memref<80x128xf32, #tpu.memory_space<vmem_shared>>
      tpu.wait_dma2 semaphore(%run_scoped3A_155 : memref<!tpu.dma_semaphore, #tpu.memory_space<semaphore_mem>>) src(%dma_wait3A_163 : memref<80x128xf32, #tpu.memory_space<vmem_shared>>) dst(%arg5 : memref<80x128xf32, #tpu.memory_space<vmem>>)
      tpu.yield
    }) : () -> ()
    "tpu.region"() ({
      %run_scoped3A_155 = tpu.sem_alloc : memref<!tpu.dma_semaphore, #tpu.memory_space<semaphore_mem>>
      %dma_start3A_156 = arith.constant 0 : i32
      %dma_start3A_157 = tpu.memref_slice %arg4[%add3A_77, %dma_start3A_156] : memref<20480x128xf32, #tpu.memory_space<hbm>> -> memref<80x128xf32, #tpu.memory_space<hbm>>
      %dma_start3A_158 = arith.constant 0 : i32
      %dma_start3A_159 = tpu.memref_slice %arg4[%add3A_77, %dma_start3A_158] : memref<20480x128xf32, #tpu.memory_space<hbm>> -> memref<80x128xf32, #tpu.memory_space<hbm>>
      tpu.enqueue_dma source(%arg5 : memref<80x128xf32, #tpu.memory_space<vmem>>) target(%dma_start3A_159 : memref<80x128xf32, #tpu.memory_space<hbm>>) target_semaphore(%run_scoped3A_155 : memref<!tpu.dma_semaphore, #tpu.memory_space<semaphore_mem>>)
      %dma_wait3A_160 = arith.constant 0 : i32
      %dma_wait3A_161 = tpu.memref_slice %arg4[%add3A_77, %dma_wait3A_160] : memref<20480x128xf32, #tpu.memory_space<hbm>> -> memref<80x128xf32, #tpu.memory_space<hbm>>
      %dma_wait3A_162 = arith.constant 0 : i32
      %dma_wait3A_163 = tpu.memref_slice %arg4[%add3A_77, %dma_wait3A_162] : memref<20480x128xf32, #tpu.memory_space<hbm>> -> memref<80x128xf32, #tpu.memory_space<hbm>>
      tpu.wait_dma2 semaphore(%run_scoped3A_155 : memref<!tpu.dma_semaphore, #tpu.memory_space<semaphore_mem>>) src(%arg5 : memref<80x128xf32, #tpu.memory_space<vmem>>) dst(%dma_wait3A_163 : memref<80x128xf32, #tpu.memory_space<hbm>>)
      tpu.yield
    }) : () -> ()
    %mul3A_78 = arith.constant 640 : i32
    %mul3A_79 = arith.muli %arg1, %mul3A_78 : i32
    %add3A_80 = arith.constant 80 : i32
    %add3A_81 = arith.addi %mul3A_79, %add3A_80 : i32
    %mul3A_82 = arith.constant 10240 : i32
    %mul3A_83 = arith.muli %arg0, %mul3A_82 : i32
    %mul3A_84 = arith.constant 640 : i32
    %mul3A_85 = arith.muli %arg1, %mul3A_84 : i32
    %add3A_86 = arith.addi %mul3A_83, %mul3A_85 : i32
    %add3A_87 = arith.constant 80 : i32
    %add3A_88 = arith.addi %add3A_86, %add3A_87 : i32
    "tpu.region"() ({
      %run_scoped3A_155 = tpu.sem_alloc : memref<!tpu.dma_semaphore, #tpu.memory_space<semaphore_mem>>
      %dma_start3A_156 = arith.constant 0 : i32
      %dma_start3A_157 = tpu.memref_slice %arg8[%add3A_81, %dma_start3A_156] : memref<10240x128xf32, #tpu.memory_space<vmem_shared>> -> memref<80x128xf32, #tpu.memory_space<vmem_shared>>
      %dma_start3A_158 = arith.constant 0 : i32
      %dma_start3A_159 = tpu.memref_slice %arg8[%add3A_81, %dma_start3A_158] : memref<10240x128xf32, #tpu.memory_space<vmem_shared>> -> memref<80x128xf32, #tpu.memory_space<vmem_shared>>
      tpu.enqueue_dma source(%dma_start3A_159 : memref<80x128xf32, #tpu.memory_space<vmem_shared>>) target(%arg5 : memref<80x128xf32, #tpu.memory_space<vmem>>) target_semaphore(%run_scoped3A_155 : memref<!tpu.dma_semaphore, #tpu.memory_space<semaphore_mem>>)
      %dma_wait3A_160 = arith.constant 0 : i32
      %dma_wait3A_161 = tpu.memref_slice %arg8[%add3A_81, %dma_wait3A_160] : memref<10240x128xf32, #tpu.memory_space<vmem_shared>> -> memref<80x128xf32, #tpu.memory_space<vmem_shared>>
      %dma_wait3A_162 = arith.constant 0 : i32
      %dma_wait3A_163 = tpu.memref_slice %arg8[%add3A_81, %dma_wait3A_162] : memref<10240x128xf32, #tpu.memory_space<vmem_shared>> -> memref<80x128xf32, #tpu.memory_space<vmem_shared>>
      tpu.wait_dma2 semaphore(%run_scoped3A_155 : memref<!tpu.dma_semaphore, #tpu.memory_space<semaphore_mem>>) src(%dma_wait3A_163 : memref<80x128xf32, #tpu.memory_space<vmem_shared>>) dst(%arg5 : memref<80x128xf32, #tpu.memory_space<vmem>>)
      tpu.yield
    }) : () -> ()
    "tpu.region"() ({
      %run_scoped3A_155 = tpu.sem_alloc : memref<!tpu.dma_semaphore, #tpu.memory_space<semaphore_mem>>
      %dma_start3A_156 = arith.constant 0 : i32
      %dma_start3A_157 = tpu.memref_slice %arg4[%add3A_88, %dma_start3A_156] : memref<20480x128xf32, #tpu.memory_space<hbm>> -> memref<80x128xf32, #tpu.memory_space<hbm>>
      %dma_start3A_158 = arith.constant 0 : i32
      %dma_start3A_159 = tpu.memref_slice %arg4[%add3A_88, %dma_start3A_158] : memref<20480x128xf32, #tpu.memory_space<hbm>> -> memref<80x128xf32, #tpu.memory_space<hbm>>
      tpu.enqueue_dma source(%arg5 : memref<80x128xf32, #tpu.memory_space<vmem>>) target(%dma_start3A_159 : memref<80x128xf32, #tpu.memory_space<hbm>>) target_semaphore(%run_scoped3A_155 : memref<!tpu.dma_semaphore, #tpu.memory_space<semaphore_mem>>)
      %dma_wait3A_160 = arith.constant 0 : i32
      %dma_wait3A_161 = tpu.memref_slice %arg4[%add3A_88, %dma_wait3A_160] : memref<20480x128xf32, #tpu.memory_space<hbm>> -> memref<80x128xf32, #tpu.memory_space<hbm>>
      %dma_wait3A_162 = arith.constant 0 : i32
      %dma_wait3A_163 = tpu.memref_slice %arg4[%add3A_88, %dma_wait3A_162] : memref<20480x128xf32, #tpu.memory_space<hbm>> -> memref<80x128xf32, #tpu.memory_space<hbm>>
      tpu.wait_dma2 semaphore(%run_scoped3A_155 : memref<!tpu.dma_semaphore, #tpu.memory_space<semaphore_mem>>) src(%arg5 : memref<80x128xf32, #tpu.memory_space<vmem>>) dst(%dma_wait3A_163 : memref<80x128xf32, #tpu.memory_space<hbm>>)
      tpu.yield
    }) : () -> ()
    %mul3A_89 = arith.constant 640 : i32
    %mul3A_90 = arith.muli %arg1, %mul3A_89 : i32
    %add3A_91 = arith.constant 160 : i32
    %add3A_92 = arith.addi %mul3A_90, %add3A_91 : i32
    %mul3A_93 = arith.constant 10240 : i32
    %mul3A_94 = arith.muli %arg0, %mul3A_93 : i32
    %mul3A_95 = arith.constant 640 : i32
    %mul3A_96 = arith.muli %arg1, %mul3A_95 : i32
    %add3A_97 = arith.addi %mul3A_94, %mul3A_96 : i32
    %add3A_98 = arith.constant 160 : i32
    %add3A_99 = arith.addi %add3A_97, %add3A_98 : i32
    "tpu.region"() ({
      %run_scoped3A_155 = tpu.sem_alloc : memref<!tpu.dma_semaphore, #tpu.memory_space<semaphore_mem>>
      %dma_start3A_156 = arith.constant 0 : i32
      %dma_start3A_157 = tpu.memref_slice %arg8[%add3A_92, %dma_start3A_156] : memref<10240x128xf32, #tpu.memory_space<vmem_shared>> -> memref<80x128xf32, #tpu.memory_space<vmem_shared>>
      %dma_start3A_158 = arith.constant 0 : i32
      %dma_start3A_159 = tpu.memref_slice %arg8[%add3A_92, %dma_start3A_158] : memref<10240x128xf32, #tpu.memory_space<vmem_shared>> -> memref<80x128xf32, #tpu.memory_space<vmem_shared>>
      tpu.enqueue_dma source(%dma_start3A_159 : memref<80x128xf32, #tpu.memory_space<vmem_shared>>) target(%arg5 : memref<80x128xf32, #tpu.memory_space<vmem>>) target_semaphore(%run_scoped3A_155 : memref<!tpu.dma_semaphore, #tpu.memory_space<semaphore_mem>>)
      %dma_wait3A_160 = arith.constant 0 : i32
      %dma_wait3A_161 = tpu.memref_slice %arg8[%add3A_92, %dma_wait3A_160] : memref<10240x128xf32, #tpu.memory_space<vmem_shared>> -> memref<80x128xf32, #tpu.memory_space<vmem_shared>>
      %dma_wait3A_162 = arith.constant 0 : i32
      %dma_wait3A_163 = tpu.memref_slice %arg8[%add3A_92, %dma_wait3A_162] : memref<10240x128xf32, #tpu.memory_space<vmem_shared>> -> memref<80x128xf32, #tpu.memory_space<vmem_shared>>
      tpu.wait_dma2 semaphore(%run_scoped3A_155 : memref<!tpu.dma_semaphore, #tpu.memory_space<semaphore_mem>>) src(%dma_wait3A_163 : memref<80x128xf32, #tpu.memory_space<vmem_shared>>) dst(%arg5 : memref<80x128xf32, #tpu.memory_space<vmem>>)
      tpu.yield
    }) : () -> ()
    "tpu.region"() ({
      %run_scoped3A_155 = tpu.sem_alloc : memref<!tpu.dma_semaphore, #tpu.memory_space<semaphore_mem>>
      %dma_start3A_156 = arith.constant 0 : i32
      %dma_start3A_157 = tpu.memref_slice %arg4[%add3A_99, %dma_start3A_156] : memref<20480x128xf32, #tpu.memory_space<hbm>> -> memref<80x128xf32, #tpu.memory_space<hbm>>
      %dma_start3A_158 = arith.constant 0 : i32
      %dma_start3A_159 = tpu.memref_slice %arg4[%add3A_99, %dma_start3A_158] : memref<20480x128xf32, #tpu.memory_space<hbm>> -> memref<80x128xf32, #tpu.memory_space<hbm>>
      tpu.enqueue_dma source(%arg5 : memref<80x128xf32, #tpu.memory_space<vmem>>) target(%dma_start3A_159 : memref<80x128xf32, #tpu.memory_space<hbm>>) target_semaphore(%run_scoped3A_155 : memref<!tpu.dma_semaphore, #tpu.memory_space<semaphore_mem>>)
      %dma_wait3A_160 = arith.constant 0 : i32
      %dma_wait3A_161 = tpu.memref_slice %arg4[%add3A_99, %dma_wait3A_160] : memref<20480x128xf32, #tpu.memory_space<hbm>> -> memref<80x128xf32, #tpu.memory_space<hbm>>
      %dma_wait3A_162 = arith.constant 0 : i32
      %dma_wait3A_163 = tpu.memref_slice %arg4[%add3A_99, %dma_wait3A_162] : memref<20480x128xf32, #tpu.memory_space<hbm>> -> memref<80x128xf32, #tpu.memory_space<hbm>>
      tpu.wait_dma2 semaphore(%run_scoped3A_155 : memref<!tpu.dma_semaphore, #tpu.memory_space<semaphore_mem>>) src(%arg5 : memref<80x128xf32, #tpu.memory_space<vmem>>) dst(%dma_wait3A_163 : memref<80x128xf32, #tpu.memory_space<hbm>>)
      tpu.yield
    }) : () -> ()
    %mul3A_100 = arith.constant 640 : i32
    %mul3A_101 = arith.muli %arg1, %mul3A_100 : i32
    %add3A_102 = arith.constant 240 : i32
    %add3A_103 = arith.addi %mul3A_101, %add3A_102 : i32
    %mul3A_104 = arith.constant 10240 : i32
    %mul3A_105 = arith.muli %arg0, %mul3A_104 : i32
    %mul3A_106 = arith.constant 640 : i32
    %mul3A_107 = arith.muli %arg1, %mul3A_106 : i32
    %add3A_108 = arith.addi %mul3A_105, %mul3A_107 : i32
    %add3A_109 = arith.constant 240 : i32
    %add3A_110 = arith.addi %add3A_108, %add3A_109 : i32
    "tpu.region"() ({
      %run_scoped3A_155 = tpu.sem_alloc : memref<!tpu.dma_semaphore, #tpu.memory_space<semaphore_mem>>
      %dma_start3A_156 = arith.constant 0 : i32
      %dma_start3A_157 = tpu.memref_slice %arg8[%add3A_103, %dma_start3A_156] : memref<10240x128xf32, #tpu.memory_space<vmem_shared>> -> memref<80x128xf32, #tpu.memory_space<vmem_shared>>
      %dma_start3A_158 = arith.constant 0 : i32
      %dma_start3A_159 = tpu.memref_slice %arg8[%add3A_103, %dma_start3A_158] : memref<10240x128xf32, #tpu.memory_space<vmem_shared>> -> memref<80x128xf32, #tpu.memory_space<vmem_shared>>
      tpu.enqueue_dma source(%dma_start3A_159 : memref<80x128xf32, #tpu.memory_space<vmem_shared>>) target(%arg5 : memref<80x128xf32, #tpu.memory_space<vmem>>) target_semaphore(%run_scoped3A_155 : memref<!tpu.dma_semaphore, #tpu.memory_space<semaphore_mem>>)
      %dma_wait3A_160 = arith.constant 0 : i32
      %dma_wait3A_161 = tpu.memref_slice %arg8[%add3A_103, %dma_wait3A_160] : memref<10240x128xf32, #tpu.memory_space<vmem_shared>> -> memref<80x128xf32, #tpu.memory_space<vmem_shared>>
      %dma_wait3A_162 = arith.constant 0 : i32
      %dma_wait3A_163 = tpu.memref_slice %arg8[%add3A_103, %dma_wait3A_162] : memref<10240x128xf32, #tpu.memory_space<vmem_shared>> -> memref<80x128xf32, #tpu.memory_space<vmem_shared>>
      tpu.wait_dma2 semaphore(%run_scoped3A_155 : memref<!tpu.dma_semaphore, #tpu.memory_space<semaphore_mem>>) src(%dma_wait3A_163 : memref<80x128xf32, #tpu.memory_space<vmem_shared>>) dst(%arg5 : memref<80x128xf32, #tpu.memory_space<vmem>>)
      tpu.yield
    }) : () -> ()
    "tpu.region"() ({
      %run_scoped3A_155 = tpu.sem_alloc : memref<!tpu.dma_semaphore, #tpu.memory_space<semaphore_mem>>
      %dma_start3A_156 = arith.constant 0 : i32
      %dma_start3A_157 = tpu.memref_slice %arg4[%add3A_110, %dma_start3A_156] : memref<20480x128xf32, #tpu.memory_space<hbm>> -> memref<80x128xf32, #tpu.memory_space<hbm>>
      %dma_start3A_158 = arith.constant 0 : i32
      %dma_start3A_159 = tpu.memref_slice %arg4[%add3A_110, %dma_start3A_158] : memref<20480x128xf32, #tpu.memory_space<hbm>> -> memref<80x128xf32, #tpu.memory_space<hbm>>
      tpu.enqueue_dma source(%arg5 : memref<80x128xf32, #tpu.memory_space<vmem>>) target(%dma_start3A_159 : memref<80x128xf32, #tpu.memory_space<hbm>>) target_semaphore(%run_scoped3A_155 : memref<!tpu.dma_semaphore, #tpu.memory_space<semaphore_mem>>)
      %dma_wait3A_160 = arith.constant 0 : i32
      %dma_wait3A_161 = tpu.memref_slice %arg4[%add3A_110, %dma_wait3A_160] : memref<20480x128xf32, #tpu.memory_space<hbm>> -> memref<80x128xf32, #tpu.memory_space<hbm>>
      %dma_wait3A_162 = arith.constant 0 : i32
      %dma_wait3A_163 = tpu.memref_slice %arg4[%add3A_110, %dma_wait3A_162] : memref<20480x128xf32, #tpu.memory_space<hbm>> -> memref<80x128xf32, #tpu.memory_space<hbm>>
      tpu.wait_dma2 semaphore(%run_scoped3A_155 : memref<!tpu.dma_semaphore, #tpu.memory_space<semaphore_mem>>) src(%arg5 : memref<80x128xf32, #tpu.memory_space<vmem>>) dst(%dma_wait3A_163 : memref<80x128xf32, #tpu.memory_space<hbm>>)
      tpu.yield
    }) : () -> ()
    %mul3A_111 = arith.constant 640 : i32
    %mul3A_112 = arith.muli %arg1, %mul3A_111 : i32
    %add3A_113 = arith.constant 320 : i32
    %add3A_114 = arith.addi %mul3A_112, %add3A_113 : i32
    %mul3A_115 = arith.constant 10240 : i32
    %mul3A_116 = arith.muli %arg0, %mul3A_115 : i32
    %mul3A_117 = arith.constant 640 : i32
    %mul3A_118 = arith.muli %arg1, %mul3A_117 : i32
    %add3A_119 = arith.addi %mul3A_116, %mul3A_118 : i32
    %add3A_120 = arith.constant 320 : i32
    %add3A_121 = arith.addi %add3A_119, %add3A_120 : i32
    "tpu.region"() ({
      %run_scoped3A_155 = tpu.sem_alloc : memref<!tpu.dma_semaphore, #tpu.memory_space<semaphore_mem>>
      %dma_start3A_156 = arith.constant 0 : i32
      %dma_start3A_157 = tpu.memref_slice %arg8[%add3A_114, %dma_start3A_156] : memref<10240x128xf32, #tpu.memory_space<vmem_shared>> -> memref<80x128xf32, #tpu.memory_space<vmem_shared>>
      %dma_start3A_158 = arith.constant 0 : i32
      %dma_start3A_159 = tpu.memref_slice %arg8[%add3A_114, %dma_start3A_158] : memref<10240x128xf32, #tpu.memory_space<vmem_shared>> -> memref<80x128xf32, #tpu.memory_space<vmem_shared>>
      tpu.enqueue_dma source(%dma_start3A_159 : memref<80x128xf32, #tpu.memory_space<vmem_shared>>) target(%arg5 : memref<80x128xf32, #tpu.memory_space<vmem>>) target_semaphore(%run_scoped3A_155 : memref<!tpu.dma_semaphore, #tpu.memory_space<semaphore_mem>>)
      %dma_wait3A_160 = arith.constant 0 : i32
      %dma_wait3A_161 = tpu.memref_slice %arg8[%add3A_114, %dma_wait3A_160] : memref<10240x128xf32, #tpu.memory_space<vmem_shared>> -> memref<80x128xf32, #tpu.memory_space<vmem_shared>>
      %dma_wait3A_162 = arith.constant 0 : i32
      %dma_wait3A_163 = tpu.memref_slice %arg8[%add3A_114, %dma_wait3A_162] : memref<10240x128xf32, #tpu.memory_space<vmem_shared>> -> memref<80x128xf32, #tpu.memory_space<vmem_shared>>
      tpu.wait_dma2 semaphore(%run_scoped3A_155 : memref<!tpu.dma_semaphore, #tpu.memory_space<semaphore_mem>>) src(%dma_wait3A_163 : memref<80x128xf32, #tpu.memory_space<vmem_shared>>) dst(%arg5 : memref<80x128xf32, #tpu.memory_space<vmem>>)
      tpu.yield
    }) : () -> ()
    "tpu.region"() ({
      %run_scoped3A_155 = tpu.sem_alloc : memref<!tpu.dma_semaphore, #tpu.memory_space<semaphore_mem>>
      %dma_start3A_156 = arith.constant 0 : i32
      %dma_start3A_157 = tpu.memref_slice %arg4[%add3A_121, %dma_start3A_156] : memref<20480x128xf32, #tpu.memory_space<hbm>> -> memref<80x128xf32, #tpu.memory_space<hbm>>
      %dma_start3A_158 = arith.constant 0 : i32
      %dma_start3A_159 = tpu.memref_slice %arg4[%add3A_121, %dma_start3A_158] : memref<20480x128xf32, #tpu.memory_space<hbm>> -> memref<80x128xf32, #tpu.memory_space<hbm>>
      tpu.enqueue_dma source(%arg5 : memref<80x128xf32, #tpu.memory_space<vmem>>) target(%dma_start3A_159 : memref<80x128xf32, #tpu.memory_space<hbm>>) target_semaphore(%run_scoped3A_155 : memref<!tpu.dma_semaphore, #tpu.memory_space<semaphore_mem>>)
      %dma_wait3A_160 = arith.constant 0 : i32
      %dma_wait3A_161 = tpu.memref_slice %arg4[%add3A_121, %dma_wait3A_160] : memref<20480x128xf32, #tpu.memory_space<hbm>> -> memref<80x128xf32, #tpu.memory_space<hbm>>
      %dma_wait3A_162 = arith.constant 0 : i32
      %dma_wait3A_163 = tpu.memref_slice %arg4[%add3A_121, %dma_wait3A_162] : memref<20480x128xf32, #tpu.memory_space<hbm>> -> memref<80x128xf32, #tpu.memory_space<hbm>>
      tpu.wait_dma2 semaphore(%run_scoped3A_155 : memref<!tpu.dma_semaphore, #tpu.memory_space<semaphore_mem>>) src(%arg5 : memref<80x128xf32, #tpu.memory_space<vmem>>) dst(%dma_wait3A_163 : memref<80x128xf32, #tpu.memory_space<hbm>>)
      tpu.yield
    }) : () -> ()
    %mul3A_122 = arith.constant 640 : i32
    %mul3A_123 = arith.muli %arg1, %mul3A_122 : i32
    %add3A_124 = arith.constant 400 : i32
    %add3A_125 = arith.addi %mul3A_123, %add3A_124 : i32
    %mul3A_126 = arith.constant 10240 : i32
    %mul3A_127 = arith.muli %arg0, %mul3A_126 : i32
    %mul3A_128 = arith.constant 640 : i32
    %mul3A_129 = arith.muli %arg1, %mul3A_128 : i32
    %add3A_130 = arith.addi %mul3A_127, %mul3A_129 : i32
    %add3A_131 = arith.constant 400 : i32
    %add3A_132 = arith.addi %add3A_130, %add3A_131 : i32
    "tpu.region"() ({
      %run_scoped3A_155 = tpu.sem_alloc : memref<!tpu.dma_semaphore, #tpu.memory_space<semaphore_mem>>
      %dma_start3A_156 = arith.constant 0 : i32
      %dma_start3A_157 = tpu.memref_slice %arg8[%add3A_125, %dma_start3A_156] : memref<10240x128xf32, #tpu.memory_space<vmem_shared>> -> memref<80x128xf32, #tpu.memory_space<vmem_shared>>
      %dma_start3A_158 = arith.constant 0 : i32
      %dma_start3A_159 = tpu.memref_slice %arg8[%add3A_125, %dma_start3A_158] : memref<10240x128xf32, #tpu.memory_space<vmem_shared>> -> memref<80x128xf32, #tpu.memory_space<vmem_shared>>
      tpu.enqueue_dma source(%dma_start3A_159 : memref<80x128xf32, #tpu.memory_space<vmem_shared>>) target(%arg5 : memref<80x128xf32, #tpu.memory_space<vmem>>) target_semaphore(%run_scoped3A_155 : memref<!tpu.dma_semaphore, #tpu.memory_space<semaphore_mem>>)
      %dma_wait3A_160 = arith.constant 0 : i32
      %dma_wait3A_161 = tpu.memref_slice %arg8[%add3A_125, %dma_wait3A_160] : memref<10240x128xf32, #tpu.memory_space<vmem_shared>> -> memref<80x128xf32, #tpu.memory_space<vmem_shared>>
      %dma_wait3A_162 = arith.constant 0 : i32
      %dma_wait3A_163 = tpu.memref_slice %arg8[%add3A_125, %dma_wait3A_162] : memref<10240x128xf32, #tpu.memory_space<vmem_shared>> -> memref<80x128xf32, #tpu.memory_space<vmem_shared>>
      tpu.wait_dma2 semaphore(%run_scoped3A_155 : memref<!tpu.dma_semaphore, #tpu.memory_space<semaphore_mem>>) src(%dma_wait3A_163 : memref<80x128xf32, #tpu.memory_space<vmem_shared>>) dst(%arg5 : memref<80x128xf32, #tpu.memory_space<vmem>>)
      tpu.yield
    }) : () -> ()
    "tpu.region"() ({
      %run_scoped3A_155 = tpu.sem_alloc : memref<!tpu.dma_semaphore, #tpu.memory_space<semaphore_mem>>
      %dma_start3A_156 = arith.constant 0 : i32
      %dma_start3A_157 = tpu.memref_slice %arg4[%add3A_132, %dma_start3A_156] : memref<20480x128xf32, #tpu.memory_space<hbm>> -> memref<80x128xf32, #tpu.memory_space<hbm>>
      %dma_start3A_158 = arith.constant 0 : i32
      %dma_start3A_159 = tpu.memref_slice %arg4[%add3A_132, %dma_start3A_158] : memref<20480x128xf32, #tpu.memory_space<hbm>> -> memref<80x128xf32, #tpu.memory_space<hbm>>
      tpu.enqueue_dma source(%arg5 : memref<80x128xf32, #tpu.memory_space<vmem>>) target(%dma_start3A_159 : memref<80x128xf32, #tpu.memory_space<hbm>>) target_semaphore(%run_scoped3A_155 : memref<!tpu.dma_semaphore, #tpu.memory_space<semaphore_mem>>)
      %dma_wait3A_160 = arith.constant 0 : i32
      %dma_wait3A_161 = tpu.memref_slice %arg4[%add3A_132, %dma_wait3A_160] : memref<20480x128xf32, #tpu.memory_space<hbm>> -> memref<80x128xf32, #tpu.memory_space<hbm>>
      %dma_wait3A_162 = arith.constant 0 : i32
      %dma_wait3A_163 = tpu.memref_slice %arg4[%add3A_132, %dma_wait3A_162] : memref<20480x128xf32, #tpu.memory_space<hbm>> -> memref<80x128xf32, #tpu.memory_space<hbm>>
      tpu.wait_dma2 semaphore(%run_scoped3A_155 : memref<!tpu.dma_semaphore, #tpu.memory_space<semaphore_mem>>) src(%arg5 : memref<80x128xf32, #tpu.memory_space<vmem>>) dst(%dma_wait3A_163 : memref<80x128xf32, #tpu.memory_space<hbm>>)
      tpu.yield
    }) : () -> ()
    %mul3A_133 = arith.constant 640 : i32
    %mul3A_134 = arith.muli %arg1, %mul3A_133 : i32
    %add3A_135 = arith.constant 480 : i32
    %add3A_136 = arith.addi %mul3A_134, %add3A_135 : i32
    %mul3A_137 = arith.constant 10240 : i32
    %mul3A_138 = arith.muli %arg0, %mul3A_137 : i32
    %mul3A_139 = arith.constant 640 : i32
    %mul3A_140 = arith.muli %arg1, %mul3A_139 : i32
    %add3A_141 = arith.addi %mul3A_138, %mul3A_140 : i32
    %add3A_142 = arith.constant 480 : i32
    %add3A_143 = arith.addi %add3A_141, %add3A_142 : i32
    "tpu.region"() ({
      %run_scoped3A_155 = tpu.sem_alloc : memref<!tpu.dma_semaphore, #tpu.memory_space<semaphore_mem>>
      %dma_start3A_156 = arith.constant 0 : i32
      %dma_start3A_157 = tpu.memref_slice %arg8[%add3A_136, %dma_start3A_156] : memref<10240x128xf32, #tpu.memory_space<vmem_shared>> -> memref<80x128xf32, #tpu.memory_space<vmem_shared>>
      %dma_start3A_158 = arith.constant 0 : i32
      %dma_start3A_159 = tpu.memref_slice %arg8[%add3A_136, %dma_start3A_158] : memref<10240x128xf32, #tpu.memory_space<vmem_shared>> -> memref<80x128xf32, #tpu.memory_space<vmem_shared>>
      tpu.enqueue_dma source(%dma_start3A_159 : memref<80x128xf32, #tpu.memory_space<vmem_shared>>) target(%arg5 : memref<80x128xf32, #tpu.memory_space<vmem>>) target_semaphore(%run_scoped3A_155 : memref<!tpu.dma_semaphore, #tpu.memory_space<semaphore_mem>>)
      %dma_wait3A_160 = arith.constant 0 : i32
      %dma_wait3A_161 = tpu.memref_slice %arg8[%add3A_136, %dma_wait3A_160] : memref<10240x128xf32, #tpu.memory_space<vmem_shared>> -> memref<80x128xf32, #tpu.memory_space<vmem_shared>>
      %dma_wait3A_162 = arith.constant 0 : i32
      %dma_wait3A_163 = tpu.memref_slice %arg8[%add3A_136, %dma_wait3A_162] : memref<10240x128xf32, #tpu.memory_space<vmem_shared>> -> memref<80x128xf32, #tpu.memory_space<vmem_shared>>
      tpu.wait_dma2 semaphore(%run_scoped3A_155 : memref<!tpu.dma_semaphore, #tpu.memory_space<semaphore_mem>>) src(%dma_wait3A_163 : memref<80x128xf32, #tpu.memory_space<vmem_shared>>) dst(%arg5 : memref<80x128xf32, #tpu.memory_space<vmem>>)
      tpu.yield
    }) : () -> ()
    "tpu.region"() ({
      %run_scoped3A_155 = tpu.sem_alloc : memref<!tpu.dma_semaphore, #tpu.memory_space<semaphore_mem>>
      %dma_start3A_156 = arith.constant 0 : i32
      %dma_start3A_157 = tpu.memref_slice %arg4[%add3A_143, %dma_start3A_156] : memref<20480x128xf32, #tpu.memory_space<hbm>> -> memref<80x128xf32, #tpu.memory_space<hbm>>
      %dma_start3A_158 = arith.constant 0 : i32
      %dma_start3A_159 = tpu.memref_slice %arg4[%add3A_143, %dma_start3A_158] : memref<20480x128xf32, #tpu.memory_space<hbm>> -> memref<80x128xf32, #tpu.memory_space<hbm>>
      tpu.enqueue_dma source(%arg5 : memref<80x128xf32, #tpu.memory_space<vmem>>) target(%dma_start3A_159 : memref<80x128xf32, #tpu.memory_space<hbm>>) target_semaphore(%run_scoped3A_155 : memref<!tpu.dma_semaphore, #tpu.memory_space<semaphore_mem>>)
      %dma_wait3A_160 = arith.constant 0 : i32
      %dma_wait3A_161 = tpu.memref_slice %arg4[%add3A_143, %dma_wait3A_160] : memref<20480x128xf32, #tpu.memory_space<hbm>> -> memref<80x128xf32, #tpu.memory_space<hbm>>
      %dma_wait3A_162 = arith.constant 0 : i32
      %dma_wait3A_163 = tpu.memref_slice %arg4[%add3A_143, %dma_wait3A_162] : memref<20480x128xf32, #tpu.memory_space<hbm>> -> memref<80x128xf32, #tpu.memory_space<hbm>>
      tpu.wait_dma2 semaphore(%run_scoped3A_155 : memref<!tpu.dma_semaphore, #tpu.memory_space<semaphore_mem>>) src(%arg5 : memref<80x128xf32, #tpu.memory_space<vmem>>) dst(%dma_wait3A_163 : memref<80x128xf32, #tpu.memory_space<hbm>>)
      tpu.yield
    }) : () -> ()
    %mul3A_144 = arith.constant 640 : i32
    %mul3A_145 = arith.muli %arg1, %mul3A_144 : i32
    %add3A_146 = arith.constant 560 : i32
    %add3A_147 = arith.addi %mul3A_145, %add3A_146 : i32
    %mul3A_148 = arith.constant 10240 : i32
    %mul3A_149 = arith.muli %arg0, %mul3A_148 : i32
    %mul3A_150 = arith.constant 640 : i32
    %mul3A_151 = arith.muli %arg1, %mul3A_150 : i32
    %add3A_152 = arith.addi %mul3A_149, %mul3A_151 : i32
    %add3A_153 = arith.constant 560 : i32
    %add3A_154 = arith.addi %add3A_152, %add3A_153 : i32
    "tpu.region"() ({
      %run_scoped3A_155 = tpu.sem_alloc : memref<!tpu.dma_semaphore, #tpu.memory_space<semaphore_mem>>
      %dma_start3A_156 = arith.constant 0 : i32
      %dma_start3A_157 = tpu.memref_slice %arg8[%add3A_147, %dma_start3A_156] : memref<10240x128xf32, #tpu.memory_space<vmem_shared>> -> memref<80x128xf32, #tpu.memory_space<vmem_shared>>
      %dma_start3A_158 = arith.constant 0 : i32
      %dma_start3A_159 = tpu.memref_slice %arg8[%add3A_147, %dma_start3A_158] : memref<10240x128xf32, #tpu.memory_space<vmem_shared>> -> memref<80x128xf32, #tpu.memory_space<vmem_shared>>
      tpu.enqueue_dma source(%dma_start3A_159 : memref<80x128xf32, #tpu.memory_space<vmem_shared>>) target(%arg5 : memref<80x128xf32, #tpu.memory_space<vmem>>) target_semaphore(%run_scoped3A_155 : memref<!tpu.dma_semaphore, #tpu.memory_space<semaphore_mem>>)
      %dma_wait3A_160 = arith.constant 0 : i32
      %dma_wait3A_161 = tpu.memref_slice %arg8[%add3A_147, %dma_wait3A_160] : memref<10240x128xf32, #tpu.memory_space<vmem_shared>> -> memref<80x128xf32, #tpu.memory_space<vmem_shared>>
      %dma_wait3A_162 = arith.constant 0 : i32
      %dma_wait3A_163 = tpu.memref_slice %arg8[%add3A_147, %dma_wait3A_162] : memref<10240x128xf32, #tpu.memory_space<vmem_shared>> -> memref<80x128xf32, #tpu.memory_space<vmem_shared>>
      tpu.wait_dma2 semaphore(%run_scoped3A_155 : memref<!tpu.dma_semaphore, #tpu.memory_space<semaphore_mem>>) src(%dma_wait3A_163 : memref<80x128xf32, #tpu.memory_space<vmem_shared>>) dst(%arg5 : memref<80x128xf32, #tpu.memory_space<vmem>>)
      tpu.yield
    }) : () -> ()
    "tpu.region"() ({
      %run_scoped3A_155 = tpu.sem_alloc : memref<!tpu.dma_semaphore, #tpu.memory_space<semaphore_mem>>
      %dma_start3A_156 = arith.constant 0 : i32
      %dma_start3A_157 = tpu.memref_slice %arg4[%add3A_154, %dma_start3A_156] : memref<20480x128xf32, #tpu.memory_space<hbm>> -> memref<80x128xf32, #tpu.memory_space<hbm>>
      %dma_start3A_158 = arith.constant 0 : i32
      %dma_start3A_159 = tpu.memref_slice %arg4[%add3A_154, %dma_start3A_158] : memref<20480x128xf32, #tpu.memory_space<hbm>> -> memref<80x128xf32, #tpu.memory_space<hbm>>
      tpu.enqueue_dma source(%arg5 : memref<80x128xf32, #tpu.memory_space<vmem>>) target(%dma_start3A_159 : memref<80x128xf32, #tpu.memory_space<hbm>>) target_semaphore(%run_scoped3A_155 : memref<!tpu.dma_semaphore, #tpu.memory_space<semaphore_mem>>)
      %dma_wait3A_160 = arith.constant 0 : i32
      %dma_wait3A_161 = tpu.memref_slice %arg4[%add3A_154, %dma_wait3A_160] : memref<20480x128xf32, #tpu.memory_space<hbm>> -> memref<80x128xf32, #tpu.memory_space<hbm>>
      %dma_wait3A_162 = arith.constant 0 : i32
      %dma_wait3A_163 = tpu.memref_slice %arg4[%add3A_154, %dma_wait3A_162] : memref<20480x128xf32, #tpu.memory_space<hbm>> -> memref<80x128xf32, #tpu.memory_space<hbm>>
      tpu.wait_dma2 semaphore(%run_scoped3A_155 : memref<!tpu.dma_semaphore, #tpu.memory_space<semaphore_mem>>) src(%arg5 : memref<80x128xf32, #tpu.memory_space<vmem>>) dst(%dma_wait3A_163 : memref<80x128xf32, #tpu.memory_space<hbm>>)
      tpu.yield
    }) : () -> ()
    return
  }
}

module attributes {stable_mosaic.version = 14 : i64} {
  func.func @_proj_body(%arg0: i32, %arg1: memref<2000x128xf32, #tpu.memory_space<vmem>>, %arg2: memref<256x128xf32, #tpu.memory_space<vmem>>, %arg3: memref<2000x128xf32, #tpu.memory_space<vmem>>, %arg4: memref<2000x128xf32, #tpu.memory_space<vmem>>) attributes {dimension_semantics = [#tpu.dimension_semantics<arbitrary>], iteration_bounds = array<i64: 5>, scalar_prefetch = 0 : i64, scratch_operands = 0 : i64, tpu.core_type = #tpu.core_type<tc>, window_params = [{transform_indices = @transform_0, window_bounds = array<i64: 2000, 128>}, {pipeline_mode = #tpu.pipeline_mode<synchronous>, transform_indices = @transform_1, window_bounds = array<i64: 256, 128>}, {transform_indices = @transform_2, window_bounds = array<i64: 2000, 128>}, {transform_indices = @transform_3, window_bounds = array<i64: 2000, 128>}]} {
    %get3A = arith.constant 0 : index
    %get3A_0 = arith.constant 0 : index
    %get3A_1 = vector.load %arg1[%get3A, %get3A_0] : memref<2000x128xf32, #tpu.memory_space<vmem>>, vector<2000x128xf32>
    %get3A_2 = arith.constant 0 : index
    %get3A_3 = arith.constant 0 : index
    %get3A_4 = vector.load %arg2[%get3A_2, %get3A_3] : memref<256x128xf32, #tpu.memory_space<vmem>>, vector<256x128xf32>
    %slice3A = vector.extract_strided_slice %get3A_4 {offsets = [0, 0], sizes = [128, 128], strides = [1, 1]} : vector<256x128xf32> to vector<128x128xf32>
    %dot_general3A = arith.constant dense<0.000000e+00> : vector<2000x128xf32>
    %dot_general3A_5 = tpu.matmul %get3A_1, %slice3A, %dot_general3A {dimension_numbers = #tpu.dot_dimension_numbers<[1], [0], [0], [1], [0, 0, 1, 1], [], []>, transpose_lhs_hint = false} : vector<2000x128xf32>, vector<128x128xf32>, vector<2000x128xf32> -> vector<2000x128xf32>
    %swap3A = arith.constant 0 : index
    %swap3A_6 = arith.constant 0 : index
    %swap3A_7 = vector.load %arg3[%swap3A, %swap3A_6] : memref<2000x128xf32, #tpu.memory_space<vmem>>, vector<2000x128xf32>
    tpu.vector_store %arg3[%swap3A, %swap3A_6], %dot_general3A_5 {strides = array<i32>} : memref<2000x128xf32, #tpu.memory_space<vmem>>, vector<2000x128xf32>,
    %slice3A_8 = vector.extract_strided_slice %get3A_4 {offsets = [128, 0], sizes = [128, 128], strides = [1, 1]} : vector<256x128xf32> to vector<128x128xf32>
    %dot_general3A_9 = arith.constant dense<0.000000e+00> : vector<2000x128xf32>
    %dot_general3A_10 = tpu.matmul %get3A_1, %slice3A_8, %dot_general3A_9 {dimension_numbers = #tpu.dot_dimension_numbers<[1], [0], [0], [1], [0, 0, 1, 1], [], []>, transpose_lhs_hint = false} : vector<2000x128xf32>, vector<128x128xf32>, vector<2000x128xf32> -> vector<2000x128xf32>
    %swap3A_11 = arith.constant 0 : index
    %swap3A_12 = arith.constant 0 : index
    %swap3A_13 = vector.load %arg4[%swap3A_11, %swap3A_12] : memref<2000x128xf32, #tpu.memory_space<vmem>>, vector<2000x128xf32>
    tpu.vector_store %arg4[%swap3A_11, %swap3A_12], %dot_general3A_10 {strides = array<i32>} : memref<2000x128xf32, #tpu.memory_space<vmem>>, vector<2000x128xf32>,
    return
  }
  func.func @transform_0(%arg0: i32) -> (i32, i32) {
    %c0_i32 = arith.constant 0 : i32
    %c0_i32_0 = arith.constant 0 : i32
    return %arg0, %c0_i32 : i32, i32
  }
  func.func @transform_1(%arg0: i32) -> (i32, i32) {
    %c0_i32 = arith.constant 0 : i32
    %c0_i32_0 = arith.constant 0 : i32
    %c0_i32_1 = arith.constant 0 : i32
    return %c0_i32, %c0_i32_0 : i32, i32
  }
  func.func @transform_2(%arg0: i32) -> (i32, i32) {
    %c0_i32 = arith.constant 0 : i32
    %c0_i32_0 = arith.constant 0 : i32
    return %arg0, %c0_i32 : i32, i32
  }
  func.func @transform_3(%arg0: i32) -> (i32, i32) {
    %c0_i32 = arith.constant 0 : i32
    %c0_i32_0 = arith.constant 0 : i32
    return %arg0, %c0_i32 : i32, i32
  }
}

module attributes {stable_mosaic.version = 14 : i64} {
  func.func @_mlp_body(%arg0: i32, %arg1: memref<8000x128xf32, #tpu.memory_space<vmem>>, %arg2: memref<8000x16xf32, #tpu.memory_space<vmem>>, %arg3: memref<16x128xf32, #tpu.memory_space<vmem>>, %arg4: memref<1x128xf32, #tpu.memory_space<vmem>>, %arg5: memref<128x128xf32, #tpu.memory_space<vmem>>, %arg6: memref<1x128xf32, #tpu.memory_space<vmem>>, %arg7: memref<128x128xf32, #tpu.memory_space<vmem>>, %arg8: memref<1x128xf32, #tpu.memory_space<vmem>>, %arg9: memref<8000x128xf32, #tpu.memory_space<vmem>>) attributes {dimension_semantics = [#tpu.dimension_semantics<arbitrary>], iteration_bounds = array<i64: 40>, scalar_prefetch = 0 : i64, scratch_operands = 0 : i64, tpu.core_type = #tpu.core_type<tc>, window_params = [{transform_indices = @transform_0, window_bounds = array<i64: 8000, 128>}, {transform_indices = @transform_1, window_bounds = array<i64: 8000, 16>}, {pipeline_mode = #tpu.pipeline_mode<synchronous>, transform_indices = @transform_2, window_bounds = array<i64: 16, 128>}, {pipeline_mode = #tpu.pipeline_mode<synchronous>, transform_indices = @transform_3, window_bounds = array<i64: 1, 128>}, {pipeline_mode = #tpu.pipeline_mode<synchronous>, transform_indices = @transform_4, window_bounds = array<i64: 128, 128>}, {pipeline_mode = #tpu.pipeline_mode<synchronous>, transform_indices = @transform_5, window_bounds = array<i64: 1, 128>}, {pipeline_mode = #tpu.pipeline_mode<synchronous>, transform_indices = @transform_6, window_bounds = array<i64: 128, 128>}, {pipeline_mode = #tpu.pipeline_mode<synchronous>, transform_indices = @transform_7, window_bounds = array<i64: 1, 128>}, {transform_indices = @transform_8, window_bounds = array<i64: 8000, 128>}]} {
    %get3A = arith.constant 0 : index
    %get3A_0 = arith.constant 0 : index
    %get3A_1 = vector.load %arg1[%get3A, %get3A_0] : memref<8000x128xf32, #tpu.memory_space<vmem>>, vector<8000x128xf32>
    %get3A_2 = arith.constant 0 : index
    %get3A_3 = arith.constant 0 : index
    %get3A_4 = vector.load %arg2[%get3A_2, %get3A_3] : memref<8000x16xf32, #tpu.memory_space<vmem>>, vector<8000x16xf32>
    %get3A_5 = arith.constant 0 : index
    %get3A_6 = arith.constant 0 : index
    %get3A_7 = vector.load %arg3[%get3A_5, %get3A_6] : memref<16x128xf32, #tpu.memory_space<vmem>>, vector<16x128xf32>
    %dot_general3A = arith.constant dense<0.000000e+00> : vector<8000x128xf32>
    %dot_general3A_8 = tpu.matmul %get3A_4, %get3A_7, %dot_general3A {dimension_numbers = #tpu.dot_dimension_numbers<[1], [0], [0], [1], [0, 0, 1, 1], [], []>, transpose_lhs_hint = false} : vector<8000x16xf32>, vector<16x128xf32>, vector<8000x128xf32> -> vector<8000x128xf32>
    %add3A = arith.addf %get3A_1, %dot_general3A_8 : vector<8000x128xf32>
    %get3A_9 = arith.constant 0 : index
    %get3A_10 = arith.constant 0 : index
    %get3A_11 = vector.load %arg4[%get3A_9, %get3A_10] : memref<1x128xf32, #tpu.memory_space<vmem>>, vector<1x128xf32>
    %add3A_12 = vector.broadcast %get3A_11 : vector<1x128xf32> to vector<8000x128xf32>
    %add3A_13 = arith.addf %add3A, %add3A_12 : vector<8000x128xf32>
    %max3A = arith.constant 0.000000e+00 : f32
    %max3A_14 = vector.broadcast %max3A : f32 to vector<8000x128xf32>
    %max3A_15 = arith.maximumf %add3A_13, %max3A_14 : vector<8000x128xf32>
    %get3A_16 = arith.constant 0 : index
    %get3A_17 = arith.constant 0 : index
    %get3A_18 = vector.load %arg5[%get3A_16, %get3A_17] : memref<128x128xf32, #tpu.memory_space<vmem>>, vector<128x128xf32>
    %dot_general3A_19 = arith.constant dense<0.000000e+00> : vector<8000x128xf32>
    %dot_general3A_20 = tpu.matmul %max3A_15, %get3A_18, %dot_general3A_19 {dimension_numbers = #tpu.dot_dimension_numbers<[1], [0], [0], [1], [0, 0, 1, 1], [], []>, transpose_lhs_hint = false} : vector<8000x128xf32>, vector<128x128xf32>, vector<8000x128xf32> -> vector<8000x128xf32>
    %get3A_21 = arith.constant 0 : index
    %get3A_22 = arith.constant 0 : index
    %get3A_23 = vector.load %arg6[%get3A_21, %get3A_22] : memref<1x128xf32, #tpu.memory_space<vmem>>, vector<1x128xf32>
    %add3A_24 = vector.broadcast %get3A_23 : vector<1x128xf32> to vector<8000x128xf32>
    %add3A_25 = arith.addf %dot_general3A_20, %add3A_24 : vector<8000x128xf32>
    %max3A_26 = arith.constant 0.000000e+00 : f32
    %max3A_27 = vector.broadcast %max3A_26 : f32 to vector<8000x128xf32>
    %max3A_28 = arith.maximumf %add3A_25, %max3A_27 : vector<8000x128xf32>
    %get3A_29 = arith.constant 0 : index
    %get3A_30 = arith.constant 0 : index
    %get3A_31 = vector.load %arg7[%get3A_29, %get3A_30] : memref<128x128xf32, #tpu.memory_space<vmem>>, vector<128x128xf32>
    %dot_general3A_32 = arith.constant dense<0.000000e+00> : vector<8000x128xf32>
    %dot_general3A_33 = tpu.matmul %max3A_28, %get3A_31, %dot_general3A_32 {dimension_numbers = #tpu.dot_dimension_numbers<[1], [0], [0], [1], [0, 0, 1, 1], [], []>, transpose_lhs_hint = false} : vector<8000x128xf32>, vector<128x128xf32>, vector<8000x128xf32> -> vector<8000x128xf32>
    %get3A_34 = arith.constant 0 : index
    %get3A_35 = arith.constant 0 : index
    %get3A_36 = vector.load %arg8[%get3A_34, %get3A_35] : memref<1x128xf32, #tpu.memory_space<vmem>>, vector<1x128xf32>
    %add3A_37 = vector.broadcast %get3A_36 : vector<1x128xf32> to vector<8000x128xf32>
    %add3A_38 = arith.addf %dot_general3A_33, %add3A_37 : vector<8000x128xf32>
    %swap3A = arith.constant 0 : index
    %swap3A_39 = arith.constant 0 : index
    %swap3A_40 = vector.load %arg9[%swap3A, %swap3A_39] : memref<8000x128xf32, #tpu.memory_space<vmem>>, vector<8000x128xf32>
    tpu.vector_store %arg9[%swap3A, %swap3A_39], %add3A_38 {strides = array<i32>} : memref<8000x128xf32, #tpu.memory_space<vmem>>, vector<8000x128xf32>,
    return
  }
  func.func @transform_0(%arg0: i32) -> (i32, i32) {
    %c0_i32 = arith.constant 0 : i32
    %c0_i32_0 = arith.constant 0 : i32
    return %arg0, %c0_i32 : i32, i32
  }
  func.func @transform_1(%arg0: i32) -> (i32, i32) {
    %c0_i32 = arith.constant 0 : i32
    %c0_i32_0 = arith.constant 0 : i32
    return %arg0, %c0_i32 : i32, i32
  }
  func.func @transform_2(%arg0: i32) -> (i32, i32) {
    %c0_i32 = arith.constant 0 : i32
    %c0_i32_0 = arith.constant 0 : i32
    %c0_i32_1 = arith.constant 0 : i32
    return %c0_i32, %c0_i32_0 : i32, i32
  }
  func.func @transform_3(%arg0: i32) -> (i32, i32) {
    %c0_i32 = arith.constant 0 : i32
    %c0_i32_0 = arith.constant 0 : i32
    %c0_i32_1 = arith.constant 0 : i32
    return %c0_i32, %c0_i32_0 : i32, i32
  }
  func.func @transform_4(%arg0: i32) -> (i32, i32) {
    %c0_i32 = arith.constant 0 : i32
    %c0_i32_0 = arith.constant 0 : i32
    %c0_i32_1 = arith.constant 0 : i32
    return %c0_i32, %c0_i32_0 : i32, i32
  }
  func.func @transform_5(%arg0: i32) -> (i32, i32) {
    %c0_i32 = arith.constant 0 : i32
    %c0_i32_0 = arith.constant 0 : i32
    %c0_i32_1 = arith.constant 0 : i32
    return %c0_i32, %c0_i32_0 : i32, i32
  }
  func.func @transform_6(%arg0: i32) -> (i32, i32) {
    %c0_i32 = arith.constant 0 : i32
    %c0_i32_0 = arith.constant 0 : i32
    %c0_i32_1 = arith.constant 0 : i32
    return %c0_i32, %c0_i32_0 : i32, i32
  }
  func.func @transform_7(%arg0: i32) -> (i32, i32) {
    %c0_i32 = arith.constant 0 : i32
    %c0_i32_0 = arith.constant 0 : i32
    %c0_i32_1 = arith.constant 0 : i32
    return %c0_i32, %c0_i32_0 : i32, i32
  }
  func.func @transform_8(%arg0: i32) -> (i32, i32) {
    %c0_i32 = arith.constant 0 : i32
    %c0_i32_0 = arith.constant 0 : i32
    return %arg0, %c0_i32 : i32, i32
  }
}

module attributes {stable_mosaic.version = 14 : i64} {
  func.func @_final_body(%arg0: i32, %arg1: memref<2000x128xf32, #tpu.memory_space<vmem>>, %arg2: memref<2000x128xf32, #tpu.memory_space<vmem>>, %arg3: memref<2000x128xf32, #tpu.memory_space<vmem>>, %arg4: memref<2000x128xf32, #tpu.memory_space<vmem>>, %arg5: memref<2000x128xf32, #tpu.memory_space<vmem>>, %arg6: memref<2000x128xf32, #tpu.memory_space<vmem>>) attributes {dimension_semantics = [#tpu.dimension_semantics<arbitrary>], iteration_bounds = array<i64: 5>, scalar_prefetch = 0 : i64, scratch_operands = 0 : i64, tpu.core_type = #tpu.core_type<tc>, window_params = [{transform_indices = @transform_0, window_bounds = array<i64: 2000, 128>}, {transform_indices = @transform_1, window_bounds = array<i64: 2000, 128>}, {transform_indices = @transform_2, window_bounds = array<i64: 2000, 128>}, {transform_indices = @transform_3, window_bounds = array<i64: 2000, 128>}, {transform_indices = @transform_4, window_bounds = array<i64: 2000, 128>}, {transform_indices = @transform_5, window_bounds = array<i64: 2000, 128>}]} {
    %get3A = arith.constant 0 : index
    %get3A_0 = arith.constant 0 : index
    %get3A_1 = vector.load %arg2[%get3A, %get3A_0] : memref<2000x128xf32, #tpu.memory_space<vmem>>, vector<2000x128xf32>
    %get3A_2 = arith.constant 0 : index
    %get3A_3 = arith.constant 0 : index
    %get3A_4 = vector.load %arg3[%get3A_2, %get3A_3] : memref<2000x128xf32, #tpu.memory_space<vmem>>, vector<2000x128xf32>
    %add3A = arith.addf %get3A_1, %get3A_4 : vector<2000x128xf32>
    %get3A_5 = arith.constant 0 : index
    %get3A_6 = arith.constant 0 : index
    %get3A_7 = vector.load %arg4[%get3A_5, %get3A_6] : memref<2000x128xf32, #tpu.memory_space<vmem>>, vector<2000x128xf32>
    %get3A_8 = arith.constant 0 : index
    %get3A_9 = arith.constant 0 : index
    %get3A_10 = vector.load %arg5[%get3A_8, %get3A_9] : memref<2000x128xf32, #tpu.memory_space<vmem>>, vector<2000x128xf32>
    %add3A_11 = arith.addf %get3A_7, %get3A_10 : vector<2000x128xf32>
    %get3A_12 = arith.constant 0 : index
    %get3A_13 = arith.constant 0 : index
    %get3A_14 = vector.load %arg1[%get3A_12, %get3A_13] : memref<2000x128xf32, #tpu.memory_space<vmem>>, vector<2000x128xf32>
    %max3A = arith.constant 1.000000e+00 : f32
    %max3A_15 = vector.broadcast %max3A : f32 to vector<2000x128xf32>
    %max3A_16 = arith.maximumf %add3A_11, %max3A_15 : vector<2000x128xf32>
    %div3A = arith.divf %add3A, %max3A_16 : vector<2000x128xf32>
    %add3A_17 = arith.addf %get3A_14, %div3A : vector<2000x128xf32>
    %swap3A = arith.constant 0 : index
    %swap3A_18 = arith.constant 0 : index
    %swap3A_19 = vector.load %arg6[%swap3A, %swap3A_18] : memref<2000x128xf32, #tpu.memory_space<vmem>>, vector<2000x128xf32>
    tpu.vector_store %arg6[%swap3A, %swap3A_18], %add3A_17 {strides = array<i32>} : memref<2000x128xf32, #tpu.memory_space<vmem>>, vector<2000x128xf32>,
    return
  }
  func.func @transform_0(%arg0: i32) -> (i32, i32) {
    %c0_i32 = arith.constant 0 : i32
    %c0_i32_0 = arith.constant 0 : i32
    return %arg0, %c0_i32 : i32, i32
  }
  func.func @transform_1(%arg0: i32) -> (i32, i32) {
    %c0_i32 = arith.constant 0 : i32
    %c0_i32_0 = arith.constant 0 : i32
    return %arg0, %c0_i32 : i32, i32
  }
  func.func @transform_2(%arg0: i32) -> (i32, i32) {
    %c0_i32 = arith.constant 0 : i32
    %c0_i32_0 = arith.constant 0 : i32
    return %arg0, %c0_i32 : i32, i32
  }
  func.func @transform_3(%arg0: i32) -> (i32, i32) {
    %c0_i32 = arith.constant 0 : i32
    %c0_i32_0 = arith.constant 0 : i32
    return %arg0, %c0_i32 : i32, i32
  }
  func.func @transform_4(%arg0: i32) -> (i32, i32) {
    %c0_i32 = arith.constant 0 : i32
    %c0_i32_0 = arith.constant 0 : i32
    return %arg0, %c0_i32 : i32, i32
  }
  func.func @transform_5(%arg0: i32) -> (i32, i32) {
    %c0_i32 = arith.constant 0 : i32
    %c0_i32_0 = arith.constant 0 : i32
    return %arg0, %c0_i32 : i32, i32
  }
}

</mosaic_0001>

<sc_bundles>
// kernel: kernel.11.cloned.1.call-start
scs
__scs_entry_jumppad:
0x0: {  	(pc) =	sbr.rel $0x88, $3  }
0x1: {  	(tag) =	ssettag $0x0;
	lr =	simm.s32 $0x1  }
0x2: {  	[smem:$0x3F98] =	sst lr;
	_ =	strace $0xD0000000  }
0x3: {  	_ = 	snop  }
0x4: {  	_ = 	snop  }
0x5: {  	_ = 	snop  }
0x6: {  	_ = 	snop  }
0x7: {  	_ = 	snop  }
__scs_overlays_trampoline_lowered:
0x8: {  	[smem:$0x3FA7] =	sst s0  }
0x9: {  	[smem:$0x3FA8] =	sst s1  }
0xa: {  	[smem:$0x3FA9] =	sst s2  }
0xb: {  	[smem:$0x3FAA] =	sst s3  }
0xc: {  	[smem:$0x3FAB] =	sst s4  }
0xd: {  	[smem:$0x3FAC] =	sst s5  }
0xe: {  	[smem:$0x3FAD] =	sst s6  }
0xf: {  	[smem:$0x3FAE] =	sst s7  }
0x10: {  	[smem:$0x3FAF] =	sst s8  }
0x11: {  	[smem:$0x3FB0] =	sst s9;
	s0 =	simm.s32 @!p0 $0x0  }
0x12: {  	s1 =	sld [smem:$0x3F96];
	s0 =	simm.s32 @p0 $0x1  }
0x13: {  	[smem:$0x3FB1] =	sst s0;
	s0 =	simm.s32 @!p1 $0x0  }
0x14: {  	s2 =	sld [smem:$0x3F95];
	s0 =	simm.s32 @p1 $0x1  }
0x15: {  	[smem:$0x3FB2] =	sst s0;
	s0 =	simm.s32 @!p2 $0x0  }
0x16: {  	s3 =	sld [smem:$0x3FDB];
	s0 =	simm.s32 @p2 $0x1  }
0x17: {  	s4 =	simm.s32 $0x1BF5;
	[smem:$0x3FB4] =	sst s0  }
0x18: {  	s0 =	sld [smem:$0x3F97];
	_ =	swait.ge [sflag:s4], $0x0  }
0x19: {  	s7 =	sld [smem:$0x3F98]  }
0x1a: {  	s8 =	sadd.s32 $0xFFFFE003, lr  }
0x1b: {  	s9 =	sadd.s32 $0xFFFFFEF7, lr;
	s5 =	simm.s32 $0xFFFFFFFF;
	p2 =	slt.u32 s8, $0xFFFFF086  }
0x1c: {  	p1 =	slt.u32 s9, $0xF7A;
	s5 =	simm.s32 @!p2 $0x0  }
0x1d: {  	s5 =	simm.s32 @p1 $0x1;
	p0 =	seq.s32 s7, s2  }
0x1e: {  	s7 =	smul.u32 @!p0 $0xF7A, s2;
	p2 =	seq.s32 @!p0 s5, $0x0  }
0x1f: {  	s9 =	smul.u32 $0xF7A, s1;
	s8 =	simm.s32 @!p0 $0x1BF5;
	p2 =	por !p2, p0  }
0x20: {  	[sflag:s8] =	ssyncset.s32 @!p0 $0xFFFFF086;
	s6 =	sadd.s32 @!p0 s3, s7;
	s7 =	simm.s32 @!p0 $0x108  }
0x21: {  	s3 =	sadd.s32 s3, s9;
	s6 =	sadd.s32 @!p0 $0x88, s6;
	s7 =	simm.s32 @p2 $0x1082  }
0x22: {  	[simem:s7], [sflag:s8] =	dma.local @!p0 [hbm:s6], $0xF7A  }
0x23: {  	s9 =	sor.u32 $0xD0000000, s2;
	s6 =	simm.s32 $0x108;
	_ =	swait.ge @!p0 [sflag:s8], $0x0  }
0x24: {  	s3 =	sadd.s32 $0x88, s3;
	s6 =	simm.s32 @!p1 $0x1082;
	[sflag:s4] =	ssyncset.s32 $0xFFFFF086  }
0x25: {  	[simem:s6], [sflag:s4] =	dma.local [hbm:s3], $0xF7A  }
0x26: {  	[smem:$0x3F98] =	sst s1;
	(tag) =	ssettag s2;
	_ =	strace s9  }
0x27: {  	s1 =	sld [smem:$0x3FA8]  }
0x28: {  	s2 =	sld [smem:$0x3FA9]  }
0x29: {  	s4 =	sld [smem:$0x3FAB]  }
0x2a: {  	p0 =	seq.s32 s5, $0x0;
	s5 =	sld [smem:$0x3FAC]  }
0x2b: {  	s6 =	sld [smem:$0x3FAD]  }
0x2c: {  	s7 =	sld [smem:$0x3FAE]  }
0x2d: {  	s3 =	simm.s32 $0x108;
	s8 =	sld [smem:$0x3FAF]  }
0x2e: {  	s3 =	simm.s32 @!p0 $0x1082;
	s9 =	sld [smem:$0x3FB0]  }
0x2f: {  	lr =	sadd.s32 s0, s3;
	s0 =	sld [smem:$0x3FA7]  }
0x30: {  	s3 =	sld [smem:$0x3FAA]  }
0x31: {  	[smem:$0x3FB3] =	sst s10  }
0x32: {  	s10 =	sld [smem:$0x3FB1];
	_ =	sdelay $0x3  }
0x33: {  	p0 =	seq.s32 s10, $0x1;
	s10 =	sld [smem:$0x3FB3];
	_ =	sdelay $0x3  }
0x34: {  	[smem:$0x3FB3] =	sst s10  }
0x35: {  	s10 =	sld [smem:$0x3FB2];
	_ =	sdelay $0x3  }
0x36: {  	p1 =	seq.s32 s10, $0x1;
	s10 =	sld [smem:$0x3FB3];
	_ =	sdelay $0x3  }
0x37: {  	[smem:$0x3FB3] =	sst s10  }
0x38: {  	s10 =	sld [smem:$0x3FB4]  }
0x39: {  	_ = 	snop;
	(pc) =	sbr.ind lr, $3  }
0x3a: {  	_ = 	snop  }
0x3b: {  	_ = 	snop  }
0x3c: {  	p2 =	seq.s32 s10, $0x1;
	s10 =	sld [smem:$0x3FB3]  }
0x3d: {  	_ =	shalt  }
0x3e: {  	_ =	shalt  }
0x3f: {  	_ =	shalt  }
0x40: {  	_ =	shalt  }
0x41: {  	_ =	shalt  }
0x42: {  	_ =	shalt  }
0x43: {  	_ =	shalt  }
0x44: {  	_ =	shalt  }
0x45: {  	_ =	shalt  }
0x46: {  	_ =	shalt  }
0x47: {  	_ =	shalt  }
0x48: {  	_ =	shalt  }
0x49: {  	_ =	shalt  }
0x4a: {  	_ =	shalt  }
0x4b: {  	_ =	shalt  }
0x4c: {  	_ =	shalt  }
0x4d: {  	_ =	shalt  }
0x4e: {  	_ =	shalt  }
0x4f: {  	_ =	shalt  }
0x50: {  	_ =	shalt  }
0x51: {  	_ =	shalt  }
0x52: {  	_ =	shalt  }
0x53: {  	_ =	shalt  }
0x54: {  	_ =	shalt  }
0x55: {  	_ =	shalt  }
0x56: {  	_ =	shalt  }
0x57: {  	_ =	shalt  }
0x58: {  	_ =	shalt  }
0x59: {  	_ =	shalt  }
0x5a: {  	_ =	shalt  }
0x5b: {  	_ =	shalt  }
0x5c: {  	_ =	shalt  }
0x5d: {  	_ =	shalt  }
0x5e: {  	_ =	shalt  }
0x5f: {  	_ =	shalt  }
0x60: {  	_ =	shalt  }
0x61: {  	_ =	shalt  }
0x62: {  	_ =	shalt  }
0x63: {  	_ =	shalt  }
0x64: {  	_ =	shalt  }
0x65: {  	_ =	shalt  }
0x66: {  	_ =	shalt  }
0x67: {  	_ =	shalt  }
0x68: {  	_ =	shalt  }
0x69: {  	_ =	shalt  }
0x6a: {  	_ =	shalt  }
0x6b: {  	_ =	shalt  }
0x6c: {  	_ =	shalt  }
0x6d: {  	_ =	shalt  }
0x6e: {  	_ =	shalt  }
0x6f: {  	_ =	shalt  }
0x70: {  	_ =	shalt  }
0x71: {  	_ =	shalt  }
0x72: {  	_ =	shalt  }
0x73: {  	_ =	shalt  }
0x74: {  	_ =	shalt  }
0x75: {  	_ =	shalt  }
0x76: {  	_ =	shalt  }
0x77: {  	_ =	shalt  }
0x78: {  	_ =	shalt  }
0x79: {  	_ =	shalt  }
0x7a: {  	_ =	shalt  }
0x7b: {  	_ =	shalt  }
0x7c: {  	_ =	shalt  }
0x7d: {  	_ =	shalt  }
0x7e: {  	_ =	shalt  }
0x7f: {  	_ =	shalt  }
0x80: {  	_ =	shalt  }
0x81: {  	_ =	shalt  }
0x82: {  	_ =	shalt  }
0x83: {  	_ =	shalt  }
0x84: {  	_ =	shalt  }
0x85: {  	_ =	shalt  }
0x86: {  	_ =	shalt  }
0x87: {  	_ =	shalt  }
.Lfunc_end0:
.L_simem_size_0:
called_computation.1_lowered:
.L_overlay_start_0:
0x88: {  	s2 =	sld [smem:$0x3FD9]  }
0x89: {  	s3 =	sld [smem:$0x3FFE];
	_ =	sdelay $0x1  }
0x8a: {  	s1 =	srdreg.scid  }
0x8b: {  	s0 =	sand.u32 $0x1, s1  }
0x8c: {  	s17 =	sshll.u32 s0, $0xA;
	s2 =	sadd.s32 s3, s2  }
0x8d: {  	s2 =	sadd.s32 s2, s17  }
0x8e: {  	[smem:$0x3FBF] =	sst s2  }
0x8f: {  	_ = 	snop  }
0x90: {  	(tm) =	ssettm $0x1  }
0x91: {  	s18 =	sld [smem:$0x3FFB];
	_ =	sdelay $0x3  }
0x92: {  	_ =	strace s18  }
0x93: {  	s2 =	sld [smem:$0x3FFC];
	_ =	sdelay $0x3  }
0x94: {  	_ =	strace s2  }
0x95: {  	s2 =	sld [smem:$0x3FFD];
	_ =	sdelay $0x3  }
0x96: {  	_ =	strace s2  }
0x97: {  	_ =	strace $0x8FFFFFFF  }
0x98: {  	s19 =	sld [smem:$0x3FDB];
	_ =	sdelay $0x1  }
0x99: {  	s20 =	simm.s32 $_scs_section_size  }
0x9a: {  	s4 =	simm.s32 $_size__tile_overlayer_lowered;
	s5 =	simm.s32 $_tile_overlayer_lowered  }
0x9b: {  	s6 =	simm.s32 $0x1BFF;
	s21 =	sshll.u32 s5, $0x1;
	s3 =	sadd.s32 s20, s19  }
0x9c: {  	s22 =	simm.s32 $0x0;
	s4 =	sshll.u32 s4, $0x1;
	s5 =	sadd.s32 s21, s3  }
0x9d: {  	[timem:s22], [sflag:s6] =	dma.local [hbm:s5], s4  }
0x9e: {  	_ =	swait.ge [sflag:s6], s4  }
0x9f: {  	s4 =	ssub.s32 $0x0, s4;
	[sflag:s6] =	ssyncset.done $0x0  }
0xa0: {  	[sflag:s6] =	ssyncadd.s32 s4;
	_ =	sdelay $0x1  }
0xa1: {  	s23 =	simm.s32 $0x1B8B  }
0xa2: {  	_ =	swait.ge [sflag:s23], $0x1  }
0xa3: {  	[sflag:s23] =	ssyncset.done $0x0  }
0xa4: {  	[sflag:s23] =	ssyncadd.s32 $0xFFFFFFFF  }
0xa5: {  	s4 =	sld [smem:$0x0]  }
0xa6: {  	s5 =	sand.u32 $0xFFFFFFFE, s1  }
0xa7: {  	p0 =	sne.s32 s1, s5  }
0xa8: {  	s5 =	sshll.u32 @p0 s5, $0xE  }
0xa9: {  	s5 =	sadd.s32 @p0 $0x11B8D, s5;
	s6 =	sshll.u32 @p0 s4, $0x11  }
0xaa: {  	s5 =	sor.u32 @p0 s6, s5  }
0xab: {  	[sflag:s5] =	ssyncadd.remote.s32 @p0 $0x1;
	_ =	sdelay $0x1  }
0xac: {  	s5 =	simm.s32 @p0 $0x1B8D  }
0xad: {  	_ =	swait.eq @p0 [sflag:s5], $0x1  }
0xae: {  	[sflag:s5] =	ssyncadd.s32 @p0 $0xFFFFFFFF  }
0xaf: {  	s6 =	sshll.u32 @!p0 s1, $0xE  }
0xb0: {  	s6 =	sor.u32 @!p0 $0x4000, s6;
	s5 =	simm.s32 @!p0 $0x1B8D  }
0xb1: {  	s4 =	sshll.u32 @!p0 s4, $0x11;
	s6 =	sadd.s32 @!p0 $0x11B8D, s6;
	_ =	swait.eq @!p0 [sflag:s5], $0x1  }
0xb2: {  	s4 =	sor.u32 @!p0 s4, s6;
	[sflag:s5] =	ssyncadd.s32 @!p0 $0xFFFFFFFF  }
0xb3: {  	s25 =	simm.s32 $0x1B8E;
	s24 =	sld [smem:$0x3FFE];
	[sflag:s4] =	ssyncadd.remote.s32 @!p0 $0x1  }
0xb4: {  	s26 =	simm.s32 $execute0_lowered;
	[smem:$0x3FD2] =	sst s25  }
0xb5: {  	s5 =	sshll.u32 s26, $0x1;
	_ =	strace $0x80000049;
	[dreg:$0x1] =	wrdreg $0xFFFFFFFF  }
0xb6: {  	s28 =	simm.s32 $_size_execute0_lowered;
	s3 =	sadd.s32 s3, s5;
	[dreg:$0x0] =	wrdreg $0x0  }
0xb7: {  	s5 =	sshll.u32 s28, $0x1;
	[dreg:$0x2] =	wrdreg s3  }
0xb8: {  	[dreg:$0x3] =	wrdreg s5  }
0xb9: {  	[dreg:$0x4] =	wrdreg $0xC0  }
0xba: {  	_ =	task [dreg:s22], $0x5FFFF  }
0xbb: {  	[dreg:$0x1] =	wrdreg $0xFFFFFFFF  }
0xbc: {  	[dreg:$0x0] =	wrdreg $0x60  }
0xbd: {  	[dreg:$0x2] =	wrdreg s24  }
0xbe: {  	[dreg:$0x3] =	wrdreg $0x68000  }
0xbf: {  	[dreg:$0x4] =	wrdreg $0x9  }
0xc0: {  	_ =	task.clear_ibuf [dreg:s22], $0x5FFFF;
	_ =	strace $0x90000049  }
0xc1: {  	s29 =	simm.s32 $0x9;
	_ =	strace $0x8000004B  }
0xc2: {  	_ =	swait.ge [sflag:s29], $0x1  }
0xc3: {  	[sflag:s29] =	ssyncadd.s32 $0xFFFFFFFF  }
0xc4: {  	_ =	strace $0x9000004B  }
0xc5: {  	_ =	sfence  }
0xc6: {  	s30 =	sld [smem:$0x0];
	_ =	sdelay $0x2  }
0xc7: {  	s31 =	sshll.u32 s1, $0xD;
	s1 =	sshrl.u32 s1, $0x2  }
0xc8: {  	s4 =	sand.u32 $0x4000, s31;
	s1 =	sadd.s32 s1, s30  }
0xc9: {  	s0 =	sor.u32 s4, s0;
	s1 =	sshll.u32 s1, $0x11  }
0xca: {  	s0 =	sor.u32 s1, s0  }
0xcb: {  	s0 =	sadd.s32 $0x8F2B, s0  }
0xcc: {  	[sflag:s0] =	ssyncadd.remote.s32 $0x1  }
0xcd: {  	_ =	sfence.sel $0xFFFF  }
0xce: {  	[dreg:$0x0] =	wrdreg $0xFFFFFFFF;
	(pc) =	sbr.abs _section_cstart, $3  }
0xcf: {  	[dreg:$0x1] =	wrdreg $0xFFFFFFFF  }
0xd0: {  	_ =	task.clear_ibuf [dreg:s22], $0x2FFFF;
	_ =	strace $0x9FFFFFFF  }
0xd1: {  	(tm) =	ssettm $0x7FFFFFFF  }
tec
execute0_lowered:
.L_overlay_start_1:
0x0: {  	(tag) =	ssettag $0x1  }
0x1: {  	s4 =	rddreg [dreg:$0x0]  }
0x2: {  	s1 =	srdreg.scid;
	s0 =	stileid.u32  }
0x3: {  	s2 =	rddreg [dreg:$0x1];
	s3 =	simm.s32 $0x0;
	s22 =	simm.s32 $0x2  }
0x4: {  	s23 =	simm.s32 $0x2800;
	s24 =	simm.s32 $0x50;
	s6 =	smul.u32 $0x280, s0  }
0x5: {  	s25 =	simm.s32 $0x1;
	s5 =	sand.u32 $0x1, s1;
	s8 =	smul.u32 $0x50000, s0  }
0x6: {  	s26 =	simm.s32 $0x0;
	[smem:$0x7FF] =	sst s3;
	s7 =	smul.u32 $0x2800, s5  }
0x7: {  	s17 =	sshll.u32 s0, $0xC;
	_ =	strace $0x8000004A;
	s31 =	sshll.u32 s5, $0xB  }
0x8: {  	s14 =	ssub.s32 $0x2, s5;
	s16 =	sadd.s32 s31, s4;
	s6 =	sadd.s32 s6, s7  }
0x9: {  	s8 =	sshrl.u32 s8, $0x2;
	s18 =	sadd.s32 s17, s16;
	s6 =	sshll.u32 s6, $0x4  }
0xa: {  	s18 =	sadd.s32 $0x3000, s18;
	s20 =	sadd.s32 s6, s4;
	s4 =	sadd.s32 s8, s2  }
0xb: {  	s5 =	sadd.s32 $0x2800, s4;
	s6 =	sadd.s32 $0x5000, s4;
	s7 =	sadd.s32 $0x7800, s4  }
0xc: {  	s8 =	sadd.s32 $0xA000, s4;
	s9 =	sadd.s32 $0xC800, s4;
	s10 =	sadd.s32 $0xF000, s4  }
0xd: {  	s15 =	sshrl.u32 s14, $0x1;
	s12 =	sadd.s32 $0x52C200, s20;
	s13 =	sadd.s32 $0x52C700, s20  }
0xe: {  	s21 =	ssub.s32 s14, s15;
	s14 =	sadd.s32 $0x52CC00, s20;
	s15 =	sadd.s32 $0x52D100, s20  }
0xf: {  	s21 =	smax.u32 s21, $0x1;
	s16 =	sadd.s32 $0x52D600, s20;
	s17 =	sadd.s32 $0x52DB00, s20  }
0x10: {  	v0 =	vimm.f32 $0.0e+00;
	v1 =	vimm.f32 $1.000000000e+00;
	s11 =	sadd.s32 $0x11800, s4;
	s19 =	sadd.s32 $0x52E000, s20;
	s20 =	sadd.s32 $0x52E500, s20  }
.LBB2_1:
0x11: {  	s28 =	simm.s32 $0x0;
	s29 =	simm.s32 $0x200  }
.LBB2_2:
0x12: {  	p0 =	sne.s32 s29, $0x9E00;
	[tilespmem:s28+$0x70] =	vst v0  }
0x13: {  	[tilespmem:s28+$0x0] =	vst v0  }
0x14: {  	[tilespmem:s28+$0x10] =	vst v0  }
.Ltmp0:
0x15: {  	[tilespmem:s28+$0x20] =	vst v0;
	(pc) =	sbr.rel @p0 .LBB2_2-.Ltmp0, $4  }
0x16: {  	[tilespmem:s28+$0x30] =	vst v0  }
0x17: {  	[tilespmem:s28+$0x40] =	vst v0  }
0x18: {  	[tilespmem:s28+$0x50] =	vst v0  }
0x19: {  	[tilespmem:s28+$0x60] =	vst v0;
	s28 =	sshra.s32 s29, $0x2;
	s29 =	sadd.s32 $0x200, s29  }
0x1a: {  	[tilespmem:s28+$0x70] =	vst v0  }
0x1b: {  	[tilespmem:s28+$0x0] =	vst v0  }
0x1c: {  	[tilespmem:s28+$0x10] =	vst v0  }
0x1d: {  	[tilespmem:s28+$0x20] =	vst v0  }
0x1e: {  	[tilespmem:s28+$0x30] =	vst v0  }
0x1f: {  	[tilespmem:s28+$0x40] =	vst v0  }
0x20: {  	[tilespmem:s28+$0x50] =	vst v0  }
0x21: {  	[tilespmem:s28+$0x60] =	vst v0;
	s28 =	simm.s32 $0x0  }
0x22: {  	[spmem:s4] =	stream.linear.scatter [tilespmem:s28], [sflag:$0x2], $0x2800, $0x38;
	[tilespmem:$0x1A800] =	vst v63  }
0x23: {  	_ =	swait.ge [sflag:s22], $0x2800  }
0x24: {  	[sflag:s22] =	ssyncset.done $0x0  }
0x25: {  	[sflag:s22] =	ssyncadd.s32 $0xFFFFD800  }
0x26: {  	[spmem:s5] =	stream.linear.scatter [tilespmem:s28], [sflag:$0x2], $0x2800, $0x38;
	[tilespmem:$0x1A800] =	vst v63  }
0x27: {  	_ =	swait.ge [sflag:s22], $0x2800  }
0x28: {  	[sflag:s22] =	ssyncset.done $0x0  }
0x29: {  	[sflag:s22] =	ssyncadd.s32 $0xFFFFD800  }
0x2a: {  	[spmem:s6] =	stream.linear.scatter [tilespmem:s28], [sflag:$0x2], $0x2800, $0x38;
	[tilespmem:$0x1A800] =	vst v63  }
0x2b: {  	_ =	swait.ge [sflag:s22], $0x2800  }
0x2c: {  	[sflag:s22] =	ssyncset.done $0x0  }
0x2d: {  	[sflag:s22] =	ssyncadd.s32 $0xFFFFD800  }
0x2e: {  	[spmem:s7] =	stream.linear.scatter [tilespmem:s28], [sflag:$0x2], $0x2800, $0x38;
	[tilespmem:$0x1A800] =	vst v63  }
0x2f: {  	_ =	swait.ge [sflag:s22], $0x2800  }
0x30: {  	[sflag:s22] =	ssyncset.done $0x0  }
0x31: {  	[sflag:s22] =	ssyncadd.s32 $0xFFFFD800  }
0x32: {  	[spmem:s8] =	stream.linear.scatter [tilespmem:s28], [sflag:$0x2], $0x2800, $0x38;
	[tilespmem:$0x1A800] =	vst v63  }
0x33: {  	_ =	swait.ge [sflag:s22], $0x2800  }
0x34: {  	[sflag:s22] =	ssyncset.done $0x0  }
0x35: {  	[sflag:s22] =	ssyncadd.s32 $0xFFFFD800  }
0x36: {  	[spmem:s9] =	stream.linear.scatter [tilespmem:s28], [sflag:$0x2], $0x2800, $0x38;
	[tilespmem:$0x1A800] =	vst v63  }
0x37: {  	_ =	swait.ge [sflag:s22], $0x2800  }
0x38: {  	[sflag:s22] =	ssyncset.done $0x0  }
0x39: {  	[sflag:s22] =	ssyncadd.s32 $0xFFFFD800  }
0x3a: {  	[spmem:s10] =	stream.linear.scatter [tilespmem:s28], [sflag:$0x2], $0x2800, $0x38;
	[tilespmem:$0x1A800] =	vst v63  }
0x3b: {  	_ =	swait.ge [sflag:s22], $0x2800  }
0x3c: {  	[sflag:s22] =	ssyncset.done $0x0  }
0x3d: {  	[sflag:s22] =	ssyncadd.s32 $0xFFFFD800  }
0x3e: {  	[spmem:s11] =	stream.linear.scatter [tilespmem:s28], [sflag:$0x2], $0x2800, $0x38;
	[tilespmem:$0x1A800] =	vst v63  }
0x3f: {  	_ =	swait.ge [sflag:s22], $0x2800  }
0x40: {  	[sflag:s22] =	ssyncset.done $0x0  }
0x41: {  	s29 =	simm.s32 $0x200;
	s28 =	simm.s32 $0x0;
	[sflag:s22] =	ssyncadd.s32 $0xFFFFD800  }
.LBB2_4:
0x42: {  	p0 =	sne.s32 s29, $0x9E00;
	[tilespmem:s28+$0x70] =	vst v1  }
0x43: {  	[tilespmem:s28+$0x0] =	vst v1  }
0x44: {  	[tilespmem:s28+$0x10] =	vst v1  }
.Ltmp1:
0x45: {  	[tilespmem:s28+$0x20] =	vst v1;
	(pc) =	sbr.rel @p0 .LBB2_4-.Ltmp1, $4  }
0x46: {  	[tilespmem:s28+$0x30] =	vst v1  }
0x47: {  	[tilespmem:s28+$0x40] =	vst v1  }
0x48: {  	[tilespmem:s28+$0x50] =	vst v1  }
0x49: {  	[tilespmem:s28+$0x60] =	vst v1;
	s28 =	sshra.s32 s29, $0x2;
	s29 =	sadd.s32 $0x200, s29  }
0x4a: {  	[tilespmem:s28+$0x70] =	vst v1  }
0x4b: {  	[tilespmem:s28+$0x0] =	vst v1  }
0x4c: {  	[tilespmem:s28+$0x10] =	vst v1  }
0x4d: {  	[tilespmem:s28+$0x20] =	vst v1  }
0x4e: {  	[tilespmem:s28+$0x30] =	vst v1  }
0x4f: {  	[tilespmem:s28+$0x40] =	vst v1  }
0x50: {  	[tilespmem:s28+$0x50] =	vst v1  }
0x51: {  	[tilespmem:s28+$0x60] =	vst v1  }
0x52: {  	s28 =	simm.s32 $0x0;
	[bflag:$0x0] =	sbarrier.arrive $0xFFFF  }
0x53: {  	[tilespmem:s23], [sflag:$0x2] =	stream.linear.gather [hbm4b:s18+s28], $0x3E80, $0x38;
	[tilespmem:$0x1A800] =	vst v63  }
0x54: {  	_ =	swait.ge [sflag:s22], $0x3E80  }
0x55: {  	[sflag:s22] =	ssyncset.done $0x0  }
0x56: {  	s28 =	simm.s32 $0x2800;
	[sflag:s22] =	ssyncadd.s32 $0xFFFFC180  }
0x57: {  	[spmem:s2] =	stream.indirect.scatter.add.f32 [tilespmem:s3], [sflag:$0x1], $0x80, s28, s24, $0xb8;
	[tilespmem:$0x1A800] =	vst v63  }
0x58: {  	s28 =	simm.s32 $0x2880  }
0x59: {  	[spmem:s2] =	stream.indirect.scatter.add.f32 [tilespmem:s3], [sflag:$0x1], $0x80, s28, s24, $0xb8;
	[tilespmem:$0x1A800] =	vst v63  }
0x5a: {  	s28 =	simm.s32 $0x2900  }
0x5b: {  	[spmem:s2] =	stream.indirect.scatter.add.f32 [tilespmem:s3], [sflag:$0x1], $0x80, s28, s24, $0xb8;
	[tilespmem:$0x1A800] =	vst v63  }
0x5c: {  	s28 =	simm.s32 $0x2980  }
0x5d: {  	[spmem:s2] =	stream.indirect.scatter.add.f32 [tilespmem:s3], [sflag:$0x1], $0x80, s28, s24, $0xb8;
	[tilespmem:$0x1A800] =	vst v63  }
0x5e: {  	s28 =	simm.s32 $0x2A00  }
0x5f: {  	[spmem:s2] =	stream.indirect.scatter.add.f32 [tilespmem:s3], [sflag:$0x1], $0x80, s28, s24, $0xb8;
	[tilespmem:$0x1A800] =	vst v63  }
0x60: {  	_ =	swait.ge [sflag:s25], $0x2800  }
0x61: {  	[sflag:s25] =	ssyncset.done $0x0  }
0x62: {  	[sflag:s25] =	ssyncadd.s32 $0xFFFFD800  }
0x63: {  	_ =	swait.ge [sflag:s25], $0x2800  }
0x64: {  	[sflag:s25] =	ssyncset.done $0x0  }
0x65: {  	[sflag:s25] =	ssyncadd.s32 $0xFFFFD800  }
0x66: {  	_ =	swait.ge [sflag:s25], $0x2800  }
0x67: {  	[sflag:s25] =	ssyncset.done $0x0  }
0x68: {  	[sflag:s25] =	ssyncadd.s32 $0xFFFFD800  }
0x69: {  	_ =	swait.ge [sflag:s25], $0x2800  }
0x6a: {  	[sflag:s25] =	ssyncset.done $0x0  }
0x6b: {  	[sflag:s25] =	ssyncadd.s32 $0xFFFFD800  }
0x6c: {  	_ =	swait.ge [sflag:s25], $0x2800  }
0x6d: {  	s29 =	simm.s32 $0x1400;
	s28 =	simm.s32 $0x280;
	[sflag:s25] =	ssyncset.done $0x0  }
.LBB2_6:
0x6e: {  	s30 =	sadd.s32 $0x2800, s28  }
0x6f: {  	[sflag:s25] =	ssyncadd.s32 $0xFFFFD800;
	s31 =	smov.u32 s29;
	s1 =	sadd.s32 $0xA00, s29  }
0x70: {  	[spmem:s2] =	stream.indirect.scatter.add.f32 [tilespmem:s3], [sflag:$0x1], $0x80, s30, s24, $0xb8;
	[tilespmem:$0x1A800] =	vst v63  }
0x71: {  	p0 =	sne.s32 s29, $0xF000;
	s29 =	sadd.s32 $0x2880, s28  }
0x72: {  	[spmem:s2] =	stream.indirect.scatter.add.f32 [tilespmem:s3], [sflag:$0x1], $0x80, s29, s24, $0xb8;
	[tilespmem:$0x1A800] =	vst v63  }
0x73: {  	s29 =	sadd.s32 $0x2900, s28  }
0x74: {  	[spmem:s2] =	stream.indirect.scatter.add.f32 [tilespmem:s3], [sflag:$0x1], $0x80, s29, s24, $0xb8;
	[tilespmem:$0x1A800] =	vst v63  }
0x75: {  	s29 =	sadd.s32 $0x2980, s28  }
0x76: {  	[spmem:s2] =	stream.indirect.scatter.add.f32 [tilespmem:s3], [sflag:$0x1], $0x80, s29, s24, $0xb8;
	[tilespmem:$0x1A800] =	vst v63  }
0x77: {  	s28 =	sadd.s32 $0x2A00, s28  }
0x78: {  	[spmem:s2] =	stream.indirect.scatter.add.f32 [tilespmem:s3], [sflag:$0x1], $0x80, s28, s24, $0xb8;
	[tilespmem:$0x1A800] =	vst v63  }
0x79: {  	_ =	swait.ge [sflag:s25], $0x2800  }
0x7a: {  	[sflag:s25] =	ssyncset.done $0x0  }
0x7b: {  	[sflag:s25] =	ssyncadd.s32 $0xFFFFD800  }
0x7c: {  	_ =	swait.ge [sflag:s25], $0x2800  }
0x7d: {  	[sflag:s25] =	ssyncset.done $0x0  }
0x7e: {  	[sflag:s25] =	ssyncadd.s32 $0xFFFFD800  }
0x7f: {  	_ =	swait.ge [sflag:s25], $0x2800  }
0x80: {  	[sflag:s25] =	ssyncset.done $0x0  }
0x81: {  	[sflag:s25] =	ssyncadd.s32 $0xFFFFD800  }
.Ltmp2:
0x82: {  	_ =	swait.ge [sflag:s25], $0x2800;
	(pc) =	sbr.rel @p0 .LBB2_6-.Ltmp2, $4  }
0x83: {  	[sflag:s25] =	ssyncset.done $0x0  }
0x84: {  	[sflag:s25] =	ssyncadd.s32 $0xFFFFD800  }
0x85: {  	_ =	swait.ge [sflag:s25], $0x2800  }
0x86: {  	s29 =	smov.u32 s1;
	s28 =	sshra.s32 s31, $0x2;
	[sflag:s25] =	ssyncset.done $0x0  }
0x87: {  	s1 =	sadd.s32 $0x2800, s28;
	[sflag:s25] =	ssyncadd.s32 $0xFFFFD800  }
0x88: {  	[spmem:s2] =	stream.indirect.scatter.add.f32 [tilespmem:s3], [sflag:$0x1], $0x80, s1, s24, $0xb8;
	[tilespmem:$0x1A800] =	vst v63  }
0x89: {  	s31 =	sadd.s32 $0x2880, s28  }
0x8a: {  	[spmem:s2] =	stream.indirect.scatter.add.f32 [tilespmem:s3], [sflag:$0x1], $0x80, s31, s24, $0xb8;
	[tilespmem:$0x1A800] =	vst v63  }
0x8b: {  	s29 =	sadd.s32 $0x2900, s28  }
0x8c: {  	[spmem:s2] =	stream.indirect.scatter.add.f32 [tilespmem:s3], [sflag:$0x1], $0x80, s29, s24, $0xb8;
	[tilespmem:$0x1A800] =	vst v63  }
0x8d: {  	s30 =	sadd.s32 $0x2980, s28  }
0x8e: {  	[spmem:s2] =	stream.indirect.scatter.add.f32 [tilespmem:s3], [sflag:$0x1], $0x80, s30, s24, $0xb8;
	[tilespmem:$0x1A800] =	vst v63  }
0x8f: {  	s31 =	sadd.s32 $0x2A00, s28  }
0x90: {  	[spmem:s2] =	stream.indirect.scatter.add.f32 [tilespmem:s3], [sflag:$0x1], $0x80, s31, s24, $0xb8;
	[tilespmem:$0x1A800] =	vst v63  }
0x91: {  	_ =	swait.ge [sflag:s25], $0x2800  }
0x92: {  	[sflag:s25] =	ssyncset.done $0x0  }
0x93: {  	[sflag:s25] =	ssyncadd.s32 $0xFFFFD800  }
0x94: {  	_ =	swait.ge [sflag:s25], $0x2800  }
0x95: {  	[sflag:s25] =	ssyncset.done $0x0  }
0x96: {  	[sflag:s25] =	ssyncadd.s32 $0xFFFFD800  }
0x97: {  	_ =	swait.ge [sflag:s25], $0x2800  }
0x98: {  	[sflag:s25] =	ssyncset.done $0x0  }
0x99: {  	[sflag:s25] =	ssyncadd.s32 $0xFFFFD800  }
0x9a: {  	_ =	swait.ge [sflag:s25], $0x2800  }
0x9b: {  	[sflag:s25] =	ssyncset.done $0x0  }
0x9c: {  	[sflag:s25] =	ssyncadd.s32 $0xFFFFD800  }
0x9d: {  	_ =	swait.ge [sflag:s25], $0x2800  }
0x9e: {  	[sflag:s25] =	ssyncset.done $0x0  }
0x9f: {  	[sflag:s25] =	ssyncadd.s32 $0xFFFFD800  }
0xa0: {  	[bflag:$0x0] =	sbarrier.arrive $0xFFFF  }
0xa1: {  	[tilespmem:s3], [sflag:$0x2] =	stream.linear.gather [spmem:s4], $0x2800, $0x38;
	[tilespmem:$0x1A800] =	vst v63  }
0xa2: {  	_ =	swait.ge [sflag:s22], $0x2800  }
0xa3: {  	[sflag:s22] =	ssyncset.done $0x0  }
0xa4: {  	[sflag:s22] =	ssyncadd.s32 $0xFFFFD800  }
0xa5: {  	[hbm4b:s12+s3] =	stream.linear.scatter [tilespmem:s3], [sflag:$0x2], $0x2800, $0x38;
	[tilespmem:$0x1A800] =	vst v63  }
0xa6: {  	_ =	swait.ge [sflag:s22], $0x2800  }
0xa7: {  	[sflag:s22] =	ssyncset.done $0x0  }
0xa8: {  	[sflag:s22] =	ssyncadd.s32 $0xFFFFD800  }
0xa9: {  	[tilespmem:s3], [sflag:$0x2] =	stream.linear.gather [spmem:s5], $0x2800, $0x38;
	[tilespmem:$0x1A800] =	vst v63  }
0xaa: {  	_ =	swait.ge [sflag:s22], $0x2800  }
0xab: {  	[sflag:s22] =	ssyncset.done $0x0  }
0xac: {  	[sflag:s22] =	ssyncadd.s32 $0xFFFFD800  }
0xad: {  	[hbm4b:s13+s3] =	stream.linear.scatter [tilespmem:s3], [sflag:$0x2], $0x2800, $0x38;
	[tilespmem:$0x1A800] =	vst v63  }
0xae: {  	_ =	swait.ge [sflag:s22], $0x2800  }
0xaf: {  	[sflag:s22] =	ssyncset.done $0x0  }
0xb0: {  	[sflag:s22] =	ssyncadd.s32 $0xFFFFD800  }
0xb1: {  	[tilespmem:s3], [sflag:$0x2] =	stream.linear.gather [spmem:s6], $0x2800, $0x38;
	[tilespmem:$0x1A800] =	vst v63  }
0xb2: {  	_ =	swait.ge [sflag:s22], $0x2800  }
0xb3: {  	[sflag:s22] =	ssyncset.done $0x0  }
0xb4: {  	[sflag:s22] =	ssyncadd.s32 $0xFFFFD800  }
0xb5: {  	[hbm4b:s14+s3] =	stream.linear.scatter [tilespmem:s3], [sflag:$0x2], $0x2800, $0x38;
	[tilespmem:$0x1A800] =	vst v63  }
0xb6: {  	_ =	swait.ge [sflag:s22], $0x2800  }
0xb7: {  	[sflag:s22] =	ssyncset.done $0x0  }
0xb8: {  	[sflag:s22] =	ssyncadd.s32 $0xFFFFD800  }
0xb9: {  	[tilespmem:s3], [sflag:$0x2] =	stream.linear.gather [spmem:s7], $0x2800, $0x38;
	[tilespmem:$0x1A800] =	vst v63  }
0xba: {  	_ =	swait.ge [sflag:s22], $0x2800  }
0xbb: {  	[sflag:s22] =	ssyncset.done $0x0  }
0xbc: {  	[sflag:s22] =	ssyncadd.s32 $0xFFFFD800  }
0xbd: {  	[hbm4b:s15+s3] =	stream.linear.scatter [tilespmem:s3], [sflag:$0x2], $0x2800, $0x38;
	[tilespmem:$0x1A800] =	vst v63  }
0xbe: {  	_ =	swait.ge [sflag:s22], $0x2800  }
0xbf: {  	[sflag:s22] =	ssyncset.done $0x0  }
0xc0: {  	[sflag:s22] =	ssyncadd.s32 $0xFFFFD800  }
0xc1: {  	[tilespmem:s3], [sflag:$0x2] =	stream.linear.gather [spmem:s8], $0x2800, $0x38;
	[tilespmem:$0x1A800] =	vst v63  }
0xc2: {  	_ =	swait.ge [sflag:s22], $0x2800  }
0xc3: {  	[sflag:s22] =	ssyncset.done $0x0  }
0xc4: {  	[sflag:s22] =	ssyncadd.s32 $0xFFFFD800  }
0xc5: {  	[hbm4b:s16+s3] =	stream.linear.scatter [tilespmem:s3], [sflag:$0x2], $0x2800, $0x38;
	[tilespmem:$0x1A800] =	vst v63  }
0xc6: {  	_ =	swait.ge [sflag:s22], $0x2800  }
0xc7: {  	[sflag:s22] =	ssyncset.done $0x0  }
0xc8: {  	[sflag:s22] =	ssyncadd.s32 $0xFFFFD800  }
0xc9: {  	[tilespmem:s3], [sflag:$0x2] =	stream.linear.gather [spmem:s9], $0x2800, $0x38;
	[tilespmem:$0x1A800] =	vst v63  }
0xca: {  	_ =	swait.ge [sflag:s22], $0x2800  }
0xcb: {  	[sflag:s22] =	ssyncset.done $0x0  }
0xcc: {  	[sflag:s22] =	ssyncadd.s32 $0xFFFFD800  }
0xcd: {  	[hbm4b:s17+s3] =	stream.linear.scatter [tilespmem:s3], [sflag:$0x2], $0x2800, $0x38;
	[tilespmem:$0x1A800] =	vst v63  }
0xce: {  	_ =	swait.ge [sflag:s22], $0x2800  }
0xcf: {  	[sflag:s22] =	ssyncset.done $0x0  }
0xd0: {  	[sflag:s22] =	ssyncadd.s32 $0xFFFFD800  }
0xd1: {  	[tilespmem:s3], [sflag:$0x2] =	stream.linear.gather [spmem:s10], $0x2800, $0x38;
	[tilespmem:$0x1A800] =	vst v63  }
0xd2: {  	_ =	swait.ge [sflag:s22], $0x2800  }
0xd3: {  	[sflag:s22] =	ssyncset.done $0x0  }
0xd4: {  	[sflag:s22] =	ssyncadd.s32 $0xFFFFD800  }
0xd5: {  	[hbm4b:s19+s3] =	stream.linear.scatter [tilespmem:s3], [sflag:$0x2], $0x2800, $0x38;
	[tilespmem:$0x1A800] =	vst v63  }
0xd6: {  	_ =	swait.ge [sflag:s22], $0x2800  }
0xd7: {  	[sflag:s22] =	ssyncset.done $0x0  }
0xd8: {  	[sflag:s22] =	ssyncadd.s32 $0xFFFFD800  }
0xd9: {  	[tilespmem:s3], [sflag:$0x2] =	stream.linear.gather [spmem:s11], $0x2800, $0x38;
	[tilespmem:$0x1A800] =	vst v63  }
0xda: {  	s26 =	sadd.s32 $0x1, s26;
	_ =	swait.ge [sflag:s22], $0x2800  }
0xdb: {  	p0 =	sne.s32 s26, s21;
	[sflag:s22] =	ssyncset.done $0x0  }
.Ltmp3:
0xdc: {  	[sflag:s22] =	ssyncadd.s32 $0xFFFFD800;
	(pc) =	sbr.rel @p0 .LBB2_1-.Ltmp3, $4  }
0xdd: {  	[hbm4b:s20+s3] =	stream.linear.scatter [tilespmem:s3], [sflag:$0x2], $0x2800, $0x38;
	[tilespmem:$0x1A800] =	vst v63  }
0xde: {  	_ =	swait.ge [sflag:s22], $0x2800  }
0xdf: {  	[sflag:s22] =	ssyncset.done $0x0  }
0xe0: {  	[sflag:s22] =	ssyncadd.s32 $0xFFFFD800  }
0xe1: {  	_ =	sfence.sel $0x180000  }
0xe2: {  	[bflag:$0x0] =	sbarrier.arrive $0xFFFF  }
0xe3: {  	_ =	strace $0x9000004A  }
0xe4: {  	[bflag:$0x2] =	sbarrier.arrive $0xFFFF  }
0xe5: {  	p0 =	sne.s32 s0, $0x0;
	s0 =	rddreg [dreg:$0x2]  }
0xe6: {  	s0 =	sadd.s32 @!p0 $0x100000, s0  }
0xe7: {  	[sflag:s0] =	ssyncadd.tile.s32 @!p0 $0x1;
	_ =	shalt  }
.Lfunc_end2:
_tile_overlayer_lowered:
.L_overlay_start_2:
0xe8: {  	(tag) =	ssettag $0x2  }
0xe9: {  	s0 =	rddreg [dreg:$0x0];
	s2 =	stileid.u32  }
0xea: {  	s1 =	rddreg [dreg:$0x1];
	p0 =	sne.s32 s2, $0x0  }
0xeb: {  	s3 =	rddreg [dreg:$0x2];
	[bflag:$0x3] =	sbarrier.arrive $0xFFFF;
	s2 =	simm.s32 @!p0 $0x1C02  }
0xec: {  	[timem:s3], [sflag:s2] =	dma.local @!p0 [hbm:s0], s1  }
0xed: {  	s0 =	simm.s32 @!p0 $0x2  }
0xee: {  	_ =	swait.ge @!p0 [sflag:s0], s1  }
0xef: {  	s1 =	ssub.s32 @!p0 $0x0, s1;
	[sflag:s0] =	ssyncset.done @!p0 $0x0  }
0xf0: {  	[sflag:s0] =	ssyncadd.s32 @!p0 s1  }
0xf1: {  	[bflag:$0x3] =	sbarrier.arrive $0xFFFF  }
0xf2: {  	_ =	shalt  }

// kernel: kernel.14.cloned.1.call-start
scs
__scs_entry_jumppad:
0x0: {  	(pc) =	sbr.rel $0x88, $3  }
0x1: {  	(tag) =	ssettag $0x0;
	lr =	simm.s32 $0x1  }
0x2: {  	[smem:$0x3F98] =	sst lr;
	_ =	strace $0xD0000000  }
0x3: {  	_ = 	snop  }
0x4: {  	_ = 	snop  }
0x5: {  	_ = 	snop  }
0x6: {  	_ = 	snop  }
0x7: {  	_ = 	snop  }
__scs_overlays_trampoline_lowered:
0x8: {  	[smem:$0x3FA7] =	sst s0  }
0x9: {  	[smem:$0x3FA8] =	sst s1  }
0xa: {  	[smem:$0x3FA9] =	sst s2  }
0xb: {  	[smem:$0x3FAA] =	sst s3  }
0xc: {  	[smem:$0x3FAB] =	sst s4  }
0xd: {  	[smem:$0x3FAC] =	sst s5  }
0xe: {  	[smem:$0x3FAD] =	sst s6  }
0xf: {  	[smem:$0x3FAE] =	sst s7  }
0x10: {  	[smem:$0x3FAF] =	sst s8  }
0x11: {  	[smem:$0x3FB0] =	sst s9;
	s0 =	simm.s32 @!p0 $0x0  }
0x12: {  	s1 =	sld [smem:$0x3F96];
	s0 =	simm.s32 @p0 $0x1  }
0x13: {  	[smem:$0x3FB1] =	sst s0;
	s0 =	simm.s32 @!p1 $0x0  }
0x14: {  	s2 =	sld [smem:$0x3F95];
	s0 =	simm.s32 @p1 $0x1  }
0x15: {  	[smem:$0x3FB2] =	sst s0;
	s0 =	simm.s32 @!p2 $0x0  }
0x16: {  	s3 =	sld [smem:$0x3FDB];
	s0 =	simm.s32 @p2 $0x1  }
0x17: {  	s4 =	simm.s32 $0x1BF5;
	[smem:$0x3FB4] =	sst s0  }
0x18: {  	s0 =	sld [smem:$0x3F97];
	_ =	swait.ge [sflag:s4], $0x0  }
0x19: {  	s7 =	sld [smem:$0x3F98]  }
0x1a: {  	s8 =	sadd.s32 $0xFFFFE003, lr  }
0x1b: {  	s9 =	sadd.s32 $0xFFFFFEF7, lr;
	s5 =	simm.s32 $0xFFFFFFFF;
	p2 =	slt.u32 s8, $0xFFFFF086  }
0x1c: {  	p1 =	slt.u32 s9, $0xF7A;
	s5 =	simm.s32 @!p2 $0x0  }
0x1d: {  	s5 =	simm.s32 @p1 $0x1;
	p0 =	seq.s32 s7, s2  }
0x1e: {  	s7 =	smul.u32 @!p0 $0xF7A, s2;
	p2 =	seq.s32 @!p0 s5, $0x0  }
0x1f: {  	s9 =	smul.u32 $0xF7A, s1;
	s8 =	simm.s32 @!p0 $0x1BF5;
	p2 =	por !p2, p0  }
0x20: {  	[sflag:s8] =	ssyncset.s32 @!p0 $0xFFFFF086;
	s6 =	sadd.s32 @!p0 s3, s7;
	s7 =	simm.s32 @!p0 $0x108  }
0x21: {  	s3 =	sadd.s32 s3, s9;
	s6 =	sadd.s32 @!p0 $0x88, s6;
	s7 =	simm.s32 @p2 $0x1082  }
0x22: {  	[simem:s7], [sflag:s8] =	dma.local @!p0 [hbm:s6], $0xF7A  }
0x23: {  	s9 =	sor.u32 $0xD0000000, s2;
	s6 =	simm.s32 $0x108;
	_ =	swait.ge @!p0 [sflag:s8], $0x0  }
0x24: {  	s3 =	sadd.s32 $0x88, s3;
	s6 =	simm.s32 @!p1 $0x1082;
	[sflag:s4] =	ssyncset.s32 $0xFFFFF086  }
0x25: {  	[simem:s6], [sflag:s4] =	dma.local [hbm:s3], $0xF7A  }
0x26: {  	[smem:$0x3F98] =	sst s1;
	(tag) =	ssettag s2;
	_ =	strace s9  }
0x27: {  	s1 =	sld [smem:$0x3FA8]  }
0x28: {  	s2 =	sld [smem:$0x3FA9]  }
0x29: {  	s4 =	sld [smem:$0x3FAB]  }
0x2a: {  	p0 =	seq.s32 s5, $0x0;
	s5 =	sld [smem:$0x3FAC]  }
0x2b: {  	s6 =	sld [smem:$0x3FAD]  }
0x2c: {  	s7 =	sld [smem:$0x3FAE]  }
0x2d: {  	s3 =	simm.s32 $0x108;
	s8 =	sld [smem:$0x3FAF]  }
0x2e: {  	s3 =	simm.s32 @!p0 $0x1082;
	s9 =	sld [smem:$0x3FB0]  }
0x2f: {  	lr =	sadd.s32 s0, s3;
	s0 =	sld [smem:$0x3FA7]  }
0x30: {  	s3 =	sld [smem:$0x3FAA]  }
0x31: {  	[smem:$0x3FB3] =	sst s10  }
0x32: {  	s10 =	sld [smem:$0x3FB1];
	_ =	sdelay $0x3  }
0x33: {  	p0 =	seq.s32 s10, $0x1;
	s10 =	sld [smem:$0x3FB3];
	_ =	sdelay $0x3  }
0x34: {  	[smem:$0x3FB3] =	sst s10  }
0x35: {  	s10 =	sld [smem:$0x3FB2];
	_ =	sdelay $0x3  }
0x36: {  	p1 =	seq.s32 s10, $0x1;
	s10 =	sld [smem:$0x3FB3];
	_ =	sdelay $0x3  }
0x37: {  	[smem:$0x3FB3] =	sst s10  }
0x38: {  	s10 =	sld [smem:$0x3FB4]  }
0x39: {  	_ = 	snop;
	(pc) =	sbr.ind lr, $3  }
0x3a: {  	_ = 	snop  }
0x3b: {  	_ = 	snop  }
0x3c: {  	p2 =	seq.s32 s10, $0x1;
	s10 =	sld [smem:$0x3FB3]  }
0x3d: {  	_ =	shalt  }
0x3e: {  	_ =	shalt  }
0x3f: {  	_ =	shalt  }
0x40: {  	_ =	shalt  }
0x41: {  	_ =	shalt  }
0x42: {  	_ =	shalt  }
0x43: {  	_ =	shalt  }
0x44: {  	_ =	shalt  }
0x45: {  	_ =	shalt  }
0x46: {  	_ =	shalt  }
0x47: {  	_ =	shalt  }
0x48: {  	_ =	shalt  }
0x49: {  	_ =	shalt  }
0x4a: {  	_ =	shalt  }
0x4b: {  	_ =	shalt  }
0x4c: {  	_ =	shalt  }
0x4d: {  	_ =	shalt  }
0x4e: {  	_ =	shalt  }
0x4f: {  	_ =	shalt  }
0x50: {  	_ =	shalt  }
0x51: {  	_ =	shalt  }
0x52: {  	_ =	shalt  }
0x53: {  	_ =	shalt  }
0x54: {  	_ =	shalt  }
0x55: {  	_ =	shalt  }
0x56: {  	_ =	shalt  }
0x57: {  	_ =	shalt  }
0x58: {  	_ =	shalt  }
0x59: {  	_ =	shalt  }
0x5a: {  	_ =	shalt  }
0x5b: {  	_ =	shalt  }
0x5c: {  	_ =	shalt  }
0x5d: {  	_ =	shalt  }
0x5e: {  	_ =	shalt  }
0x5f: {  	_ =	shalt  }
0x60: {  	_ =	shalt  }
0x61: {  	_ =	shalt  }
0x62: {  	_ =	shalt  }
0x63: {  	_ =	shalt  }
0x64: {  	_ =	shalt  }
0x65: {  	_ =	shalt  }
0x66: {  	_ =	shalt  }
0x67: {  	_ =	shalt  }
0x68: {  	_ =	shalt  }
0x69: {  	_ =	shalt  }
0x6a: {  	_ =	shalt  }
0x6b: {  	_ =	shalt  }
0x6c: {  	_ =	shalt  }
0x6d: {  	_ =	shalt  }
0x6e: {  	_ =	shalt  }
0x6f: {  	_ =	shalt  }
0x70: {  	_ =	shalt  }
0x71: {  	_ =	shalt  }
0x72: {  	_ =	shalt  }
0x73: {  	_ =	shalt  }
0x74: {  	_ =	shalt  }
0x75: {  	_ =	shalt  }
0x76: {  	_ =	shalt  }
0x77: {  	_ =	shalt  }
0x78: {  	_ =	shalt  }
0x79: {  	_ =	shalt  }
0x7a: {  	_ =	shalt  }
0x7b: {  	_ =	shalt  }
0x7c: {  	_ =	shalt  }
0x7d: {  	_ =	shalt  }
0x7e: {  	_ =	shalt  }
0x7f: {  	_ =	shalt  }
0x80: {  	_ =	shalt  }
0x81: {  	_ =	shalt  }
0x82: {  	_ =	shalt  }
0x83: {  	_ =	shalt  }
0x84: {  	_ =	shalt  }
0x85: {  	_ =	shalt  }
0x86: {  	_ =	shalt  }
0x87: {  	_ =	shalt  }
.Lfunc_end0:
.L_simem_size_0:
called_computation.2_lowered:
.L_overlay_start_0:
0x88: {  	s2 =	sld [smem:$0x3FD9]  }
0x89: {  	s3 =	sld [smem:$0x3FFE];
	_ =	sdelay $0x1  }
0x8a: {  	s1 =	srdreg.scid  }
0x8b: {  	s0 =	sand.u32 $0x1, s1  }
0x8c: {  	s17 =	sshll.u32 s0, $0xA;
	s2 =	sadd.s32 s3, s2  }
0x8d: {  	s2 =	sadd.s32 s2, s17  }
0x8e: {  	[smem:$0x3FBF] =	sst s2  }
0x8f: {  	_ = 	snop  }
0x90: {  	(tm) =	ssettm $0x1  }
0x91: {  	s18 =	sld [smem:$0x3FFB];
	_ =	sdelay $0x3  }
0x92: {  	_ =	strace s18  }
0x93: {  	s2 =	sld [smem:$0x3FFC];
	_ =	sdelay $0x3  }
0x94: {  	_ =	strace s2  }
0x95: {  	s2 =	sld [smem:$0x3FFD];
	_ =	sdelay $0x3  }
0x96: {  	_ =	strace s2  }
0x97: {  	_ =	strace $0x8FFFFFFF  }
0x98: {  	s19 =	sld [smem:$0x3FDB];
	_ =	sdelay $0x1  }
0x99: {  	s20 =	simm.s32 $_scs_section_size  }
0x9a: {  	s4 =	simm.s32 $_size__tile_overlayer_lowered;
	s5 =	simm.s32 $_tile_overlayer_lowered  }
0x9b: {  	s6 =	simm.s32 $0x1BFF;
	s21 =	sshll.u32 s5, $0x1;
	s3 =	sadd.s32 s20, s19  }
0x9c: {  	s22 =	simm.s32 $0x0;
	s4 =	sshll.u32 s4, $0x1;
	s5 =	sadd.s32 s21, s3  }
0x9d: {  	[timem:s22], [sflag:s6] =	dma.local [hbm:s5], s4  }
0x9e: {  	_ =	swait.ge [sflag:s6], s4  }
0x9f: {  	s4 =	ssub.s32 $0x0, s4;
	[sflag:s6] =	ssyncset.done $0x0  }
0xa0: {  	[sflag:s6] =	ssyncadd.s32 s4;
	_ =	sdelay $0x1  }
0xa1: {  	s23 =	simm.s32 $0x1B8B  }
0xa2: {  	_ =	swait.ge [sflag:s23], $0x1  }
0xa3: {  	[sflag:s23] =	ssyncset.done $0x0  }
0xa4: {  	[sflag:s23] =	ssyncadd.s32 $0xFFFFFFFF  }
0xa5: {  	s4 =	sld [smem:$0x0]  }
0xa6: {  	s5 =	sand.u32 $0xFFFFFFFE, s1  }
0xa7: {  	p0 =	sne.s32 s1, s5  }
0xa8: {  	s5 =	sshll.u32 @p0 s5, $0xE  }
0xa9: {  	s5 =	sadd.s32 @p0 $0x11B8D, s5;
	s6 =	sshll.u32 @p0 s4, $0x11  }
0xaa: {  	s5 =	sor.u32 @p0 s6, s5  }
0xab: {  	[sflag:s5] =	ssyncadd.remote.s32 @p0 $0x1;
	_ =	sdelay $0x1  }
0xac: {  	s5 =	simm.s32 @p0 $0x1B8D  }
0xad: {  	_ =	swait.eq @p0 [sflag:s5], $0x1  }
0xae: {  	[sflag:s5] =	ssyncadd.s32 @p0 $0xFFFFFFFF  }
0xaf: {  	s6 =	sshll.u32 @!p0 s1, $0xE  }
0xb0: {  	s6 =	sor.u32 @!p0 $0x4000, s6;
	s5 =	simm.s32 @!p0 $0x1B8D  }
0xb1: {  	s4 =	sshll.u32 @!p0 s4, $0x11;
	s6 =	sadd.s32 @!p0 $0x11B8D, s6;
	_ =	swait.eq @!p0 [sflag:s5], $0x1  }
0xb2: {  	s4 =	sor.u32 @!p0 s4, s6;
	[sflag:s5] =	ssyncadd.s32 @!p0 $0xFFFFFFFF  }
0xb3: {  	s25 =	simm.s32 $0x1B8E;
	s24 =	sld [smem:$0x3FFE];
	[sflag:s4] =	ssyncadd.remote.s32 @!p0 $0x1  }
0xb4: {  	s26 =	simm.s32 $execute0_lowered;
	[smem:$0x3FD2] =	sst s25  }
0xb5: {  	s5 =	sshll.u32 s26, $0x1;
	_ =	strace $0x8000004C;
	[dreg:$0x1] =	wrdreg $0xFFFFFFFF  }
0xb6: {  	s28 =	simm.s32 $_size_execute0_lowered;
	s3 =	sadd.s32 s3, s5;
	[dreg:$0x0] =	wrdreg $0x0  }
0xb7: {  	s5 =	sshll.u32 s28, $0x1;
	[dreg:$0x2] =	wrdreg s3  }
0xb8: {  	[dreg:$0x3] =	wrdreg s5  }
0xb9: {  	[dreg:$0x4] =	wrdreg $0xC0  }
0xba: {  	_ =	task [dreg:s22], $0x5FFFF  }
0xbb: {  	[dreg:$0x1] =	wrdreg $0xFFFFFFFF  }
0xbc: {  	[dreg:$0x0] =	wrdreg $0x60  }
0xbd: {  	[dreg:$0x2] =	wrdreg s24  }
0xbe: {  	[dreg:$0x3] =	wrdreg $0x90000  }
0xbf: {  	[dreg:$0x4] =	wrdreg $0xA  }
0xc0: {  	_ =	task.clear_ibuf [dreg:s22], $0x5FFFF;
	_ =	strace $0x9000004C  }
0xc1: {  	s29 =	simm.s32 $0xA;
	_ =	strace $0x8000004E  }
0xc2: {  	_ =	swait.ge [sflag:s29], $0x1  }
0xc3: {  	[sflag:s29] =	ssyncadd.s32 $0xFFFFFFFF  }
0xc4: {  	_ =	strace $0x9000004E  }
0xc5: {  	_ =	sfence  }
0xc6: {  	s30 =	sld [smem:$0x0];
	_ =	sdelay $0x2  }
0xc7: {  	s31 =	sshll.u32 s1, $0xD;
	s1 =	sshrl.u32 s1, $0x2  }
0xc8: {  	s4 =	sand.u32 $0x4000, s31;
	s1 =	sadd.s32 s1, s30  }
0xc9: {  	s0 =	sor.u32 s4, s0;
	s1 =	sshll.u32 s1, $0x11  }
0xca: {  	s0 =	sor.u32 s1, s0  }
0xcb: {  	s0 =	sadd.s32 $0x8F2B, s0  }
0xcc: {  	[sflag:s0] =	ssyncadd.remote.s32 $0x1  }
0xcd: {  	_ =	sfence.sel $0xFFFF  }
0xce: {  	[dreg:$0x0] =	wrdreg $0xFFFFFFFF;
	(pc) =	sbr.abs _section_cstart, $3  }
0xcf: {  	[dreg:$0x1] =	wrdreg $0xFFFFFFFF  }
0xd0: {  	_ =	task.clear_ibuf [dreg:s22], $0x2FFFF;
	_ =	strace $0x9FFFFFFF  }
0xd1: {  	(tm) =	ssettm $0x7FFFFFFF  }
tec
execute0_lowered:
.L_overlay_start_1:
0x0: {  	(tag) =	ssettag $0x1  }
0x1: {  	s0 =	rddreg [dreg:$0x0]  }
0x2: {  	s1 =	rddreg [dreg:$0x1];
	s3 =	simm.s32 $0x0  }
0x3: {  	s2 =	srdreg.scid;
	s16 =	stileid.u32;
	s29 =	simm.s32 $0x2800  }
0x4: {  	s30 =	simm.s32 $0x1;
	s31 =	simm.s32 $0x50;
	s28 =	simm.s32 $0x0  }
0x5: {  	[smem:$0x7FF] =	sst s3;
	s2 =	sand.u32 $0x1, s2;
	s5 =	smul.u32 $0x280, s16  }
0x6: {  	s4 =	sshll.u32 s16, $0x1;
	s14 =	sadd.s32 $0xA5E200, s0;
	s7 =	smul.u32 $0x50000, s16  }
0x7: {  	_ =	strace $0x8000004D;
	s12 =	sor.u32 s2, s4;
	s18 =	smul.u32 $0x2800, s2  }
0x8: {  	s19 =	ssub.s32 $0x2, s2;
	s2 =	smul.u32 $0x27100, s2;
	s6 =	sshll.u32 s12, $0xB  }
0x9: {  	s20 =	sshrl.u32 s19, $0x1;
	s7 =	sshrl.u32 s7, $0x2;
	s15 =	smul.u32 $0x27100, s12  }
0xa: {  	s12 =	smul.u32 $0x138800, s12;
	s13 =	sadd.s32 s6, s0;
	s4 =	sadd.s32 s5, s18  }
0xb: {  	s23 =	ssub.s32 s19, s20;
	s4 =	sshll.u32 s4, $0x4;
	s13 =	sadd.s32 $0x3000, s13  }
0xc: {  	s12 =	sshrl.u32 s12, $0x3;
	s0 =	sadd.s32 s4, s0;
	s4 =	sadd.s32 s7, s1  }
0xd: {  	s23 =	smax.u32 s23, $0x1;
	[dreg:$0x3] =	wrdreg s13;
	s5 =	sadd.s32 $0x2800, s4  }
0xe: {  	s6 =	sadd.s32 $0x5000, s4;
	s7 =	sadd.s32 $0x7800, s4;
	s8 =	sadd.s32 $0xA000, s4  }
0xf: {  	s9 =	sadd.s32 $0xC800, s4;
	s10 =	sadd.s32 $0xF000, s4;
	s11 =	sadd.s32 $0x11800, s4  }
0x10: {  	s13 =	sadd.s32 s14, s15;
	s21 =	sadd.s32 $0x57C200, s0;
	s22 =	sadd.s32 $0x57C700, s0  }
0x11: {  	s12 =	sadd.s32 s14, s12;
	s24 =	sadd.s32 $0x57CC00, s0;
	s17 =	sadd.s32 $0x57D100, s0  }
0x12: {  	s18 =	sadd.s32 $0x500, s12;
	[dreg:$0x4] =	wrdreg s21;
	s21 =	smul.u32 $0x4E200, s16  }
0x13: {  	s19 =	sadd.s32 $0x57D600, s0;
	s20 =	sadd.s32 $0x57DB00, s0;
	[dreg:$0x5] =	wrdreg s22  }
0x14: {  	[dreg:$0x6] =	wrdreg s24;
	s22 =	sadd.s32 $0x57E500, s0;
	s25 =	sadd.s32 s21, s14  }
0x15: {  	s24 =	sadd.s32 $0x26C00, s13;
	s21 =	sadd.s32 $0x57E000, s0;
	s26 =	sadd.s32 s2, s25  }
0x16: {  	v0 =	vimm.f32 $0.0e+00;
	s0 =	simm.s32 $0x2;
	s14 =	sadd.s32 $0xF00, s26;
	s26 =	simm.s32 $0x3  }
.LBB2_1:
0x17: {  	s2 =	simm.s32 $0x0;
	s12 =	simm.s32 $0x200  }
.LBB2_2:
0x18: {  	p0 =	sne.s32 s12, $0x9E00;
	[tilespmem:s2+$0x70] =	vst v0  }
0x19: {  	[tilespmem:s2+$0x0] =	vst v0  }
0x1a: {  	[tilespmem:s2+$0x10] =	vst v0  }
.Ltmp0:
0x1b: {  	[tilespmem:s2+$0x20] =	vst v0;
	(pc) =	sbr.rel @p0 .LBB2_2-.Ltmp0, $4  }
0x1c: {  	[tilespmem:s2+$0x30] =	vst v0  }
0x1d: {  	[tilespmem:s2+$0x40] =	vst v0  }
0x1e: {  	[tilespmem:s2+$0x50] =	vst v0  }
0x1f: {  	[tilespmem:s2+$0x60] =	vst v0;
	s2 =	sshra.s32 s12, $0x2;
	s12 =	sadd.s32 $0x200, s12  }
0x20: {  	[tilespmem:s2+$0x70] =	vst v0  }
0x21: {  	[tilespmem:s2+$0x0] =	vst v0  }
0x22: {  	[tilespmem:s2+$0x10] =	vst v0  }
0x23: {  	[tilespmem:s2+$0x20] =	vst v0  }
0x24: {  	[tilespmem:s2+$0x30] =	vst v0  }
0x25: {  	[tilespmem:s2+$0x40] =	vst v0  }
0x26: {  	[tilespmem:s2+$0x50] =	vst v0  }
0x27: {  	[tilespmem:s2+$0x60] =	vst v0;
	s25 =	simm.s32 $0x0  }
0x28: {  	[spmem:s4] =	stream.linear.scatter [tilespmem:s25], [sflag:$0x3], $0x2800, $0x38;
	[tilespmem:$0x1D000] =	vst v63  }
0x29: {  	_ =	swait.ge [sflag:s26], $0x2800  }
0x2a: {  	[sflag:s26] =	ssyncset.done $0x0  }
0x2b: {  	[sflag:s26] =	ssyncadd.s32 $0xFFFFD800  }
0x2c: {  	[spmem:s5] =	stream.linear.scatter [tilespmem:s25], [sflag:$0x3], $0x2800, $0x38;
	[tilespmem:$0x1D000] =	vst v63  }
0x2d: {  	_ =	swait.ge [sflag:s26], $0x2800  }
0x2e: {  	[sflag:s26] =	ssyncset.done $0x0  }
0x2f: {  	[sflag:s26] =	ssyncadd.s32 $0xFFFFD800  }
0x30: {  	[spmem:s6] =	stream.linear.scatter [tilespmem:s25], [sflag:$0x3], $0x2800, $0x38;
	[tilespmem:$0x1D000] =	vst v63  }
0x31: {  	_ =	swait.ge [sflag:s26], $0x2800  }
0x32: {  	[sflag:s26] =	ssyncset.done $0x0  }
0x33: {  	[sflag:s26] =	ssyncadd.s32 $0xFFFFD800  }
0x34: {  	[spmem:s7] =	stream.linear.scatter [tilespmem:s25], [sflag:$0x3], $0x2800, $0x38;
	[tilespmem:$0x1D000] =	vst v63  }
0x35: {  	_ =	swait.ge [sflag:s26], $0x2800  }
0x36: {  	[sflag:s26] =	ssyncset.done $0x0  }
0x37: {  	[sflag:s26] =	ssyncadd.s32 $0xFFFFD800  }
0x38: {  	[spmem:s8] =	stream.linear.scatter [tilespmem:s25], [sflag:$0x3], $0x2800, $0x38;
	[tilespmem:$0x1D000] =	vst v63  }
0x39: {  	_ =	swait.ge [sflag:s26], $0x2800  }
0x3a: {  	[sflag:s26] =	ssyncset.done $0x0  }
0x3b: {  	[sflag:s26] =	ssyncadd.s32 $0xFFFFD800  }
0x3c: {  	[spmem:s9] =	stream.linear.scatter [tilespmem:s25], [sflag:$0x3], $0x2800, $0x38;
	[tilespmem:$0x1D000] =	vst v63  }
0x3d: {  	_ =	swait.ge [sflag:s26], $0x2800  }
0x3e: {  	[sflag:s26] =	ssyncset.done $0x0  }
0x3f: {  	[sflag:s26] =	ssyncadd.s32 $0xFFFFD800  }
0x40: {  	[spmem:s10] =	stream.linear.scatter [tilespmem:s25], [sflag:$0x3], $0x2800, $0x38;
	[tilespmem:$0x1D000] =	vst v63  }
0x41: {  	_ =	swait.ge [sflag:s26], $0x2800  }
0x42: {  	[sflag:s26] =	ssyncset.done $0x0  }
0x43: {  	[sflag:s26] =	ssyncadd.s32 $0xFFFFD800  }
0x44: {  	[spmem:s11] =	stream.linear.scatter [tilespmem:s25], [sflag:$0x3], $0x2800, $0x38;
	[tilespmem:$0x1D000] =	vst v63  }
0x45: {  	_ =	swait.ge [sflag:s26], $0x2800  }
0x46: {  	[sflag:s26] =	ssyncset.done $0x0  }
0x47: {  	[sflag:s26] =	ssyncadd.s32 $0xFFFFD800  }
0x48: {  	[bflag:$0x0] =	sbarrier.arrive $0xFFFF  }
0x49: {  	s15 =	simm.s32 $0x5000;
	s12 =	rddreg [dreg:$0x3]  }
0x4a: {  	[tilespmem:s15], [sflag:$0x3] =	stream.linear.gather [hbm4b:s12+s25], $0x3E80, $0x38;
	[tilespmem:$0x1D000] =	vst v63  }
0x4b: {  	_ =	swait.ge [sflag:s26], $0x3E80  }
0x4c: {  	[sflag:s26] =	ssyncset.done $0x0  }
0x4d: {  	[sflag:s26] =	ssyncadd.s32 $0xFFFFC180  }
0x4e: {  	[tilespmem:s25], [sflag:$0x1] =	stream.linear.gather [hbm4b:s13+s25], $0x2800, $0x38;
	[tilespmem:$0x1D000] =	vst v63  }
0x4f: {  	_ = 	snop  }
0x50: {  	[tilespmem:s29], [sflag:$0x2] =	stream.linear.gather [hbm4b:s18+s25], $0x2800, $0x38;
	[tilespmem:$0x1D000] =	vst v63  }
0x51: {  	_ =	swait.ge [sflag:s30], $0x2800  }
0x52: {  	[sflag:s30] =	ssyncset.done $0x0  }
0x53: {  	s15 =	simm.s32 $0x5000;
	[sflag:s30] =	ssyncadd.s32 $0xFFFFD800  }
0x54: {  	[spmem:s1] =	stream.indirect.scatter.add.f32 [tilespmem:s3], [sflag:$0x3], $0x80, s15, s31, $0xb8;
	[tilespmem:$0x1D000] =	vst v63  }
0x55: {  	_ =	swait.ge [sflag:s26], $0x2800  }
0x56: {  	[sflag:s26] =	ssyncset.done $0x0  }
0x57: {  	s16 =	sadd.s32 $0xFFFFFB00, s14;
	[sflag:s26] =	ssyncadd.s32 $0xFFFFD800  }
0x58: {  	[tilespmem:s3], [sflag:$0x1] =	stream.linear.gather [hbm4b:s16+s3], $0x2800, $0x38;
	[tilespmem:$0x1D000] =	vst v63  }
0x59: {  	_ =	swait.ge [sflag:s0], $0x2800  }
0x5a: {  	[sflag:s0] =	ssyncset.done $0x0  }
0x5b: {  	s25 =	simm.s32 $0x5080;
	[sflag:s0] =	ssyncadd.s32 $0xFFFFD800  }
0x5c: {  	[spmem:s1] =	stream.indirect.scatter.add.f32 [tilespmem:s29], [sflag:$0x3], $0x80, s25, s31, $0xb8;
	[tilespmem:$0x1D000] =	vst v63  }
0x5d: {  	_ =	swait.ge [sflag:s26], $0x2800  }
0x5e: {  	s2 =	simm.s32 $0x400;
	[sflag:s26] =	ssyncset.done $0x0  }
0x5f: {  	s12 =	sadd.s32 $0xA00, s14;
	s25 =	smov.u32 s14;
	[sflag:s26] =	ssyncadd.s32 $0xFFFFD800  }
.LBB2_4:
0x60: {  	[tilespmem:s29], [sflag:$0x2] =	stream.linear.gather [hbm4b:s25+s3], $0x2800, $0x38;
	[tilespmem:$0x1D000] =	vst v63  }
0x61: {  	s15 =	smov.u32 s2;
	s25 =	smov.u32 s12  }
0x62: {  	p0 =	sne.s32 s2, $0xF000;
	s2 =	sadd.s32 $0x400, s2;
	_ =	swait.ge [sflag:s30], $0x2800  }
0x63: {  	s15 =	sshra.s32 s15, $0x2;
	[sflag:s30] =	ssyncset.done $0x0  }
0x64: {  	s16 =	sadd.s32 $0x5000, s15;
	[sflag:s30] =	ssyncadd.s32 $0xFFFFD800  }
0x65: {  	[spmem:s1] =	stream.indirect.scatter.add.f32 [tilespmem:s3], [sflag:$0x3], $0x80, s16, s31, $0xb8;
	[tilespmem:$0x1D000] =	vst v63  }
0x66: {  	_ =	swait.ge [sflag:s26], $0x2800  }
0x67: {  	[sflag:s26] =	ssyncset.done $0x0  }
0x68: {  	s16 =	sadd.s32 $0xFFFFFB00, s12;
	[sflag:s26] =	ssyncadd.s32 $0xFFFFD800  }
0x69: {  	[tilespmem:s3], [sflag:$0x1] =	stream.linear.gather [hbm4b:s16+s3], $0x2800, $0x38;
	[tilespmem:$0x1D000] =	vst v63  }
0x6a: {  	_ =	swait.ge [sflag:s0], $0x2800  }
0x6b: {  	[sflag:s0] =	ssyncset.done $0x0  }
.Ltmp1:
0x6c: {  	s15 =	sadd.s32 $0x5080, s15;
	[sflag:s0] =	ssyncadd.s32 $0xFFFFD800;
	(pc) =	sbr.rel @p0 .LBB2_4-.Ltmp1, $4  }
0x6d: {  	[spmem:s1] =	stream.indirect.scatter.add.f32 [tilespmem:s29], [sflag:$0x3], $0x80, s15, s31, $0xb8;
	[tilespmem:$0x1D000] =	vst v63  }
0x6e: {  	_ =	swait.ge [sflag:s26], $0x2800  }
0x6f: {  	[sflag:s26] =	ssyncset.done $0x0  }
0x70: {  	s12 =	sadd.s32 $0xA00, s12;
	[sflag:s26] =	ssyncadd.s32 $0xFFFFD800  }
0x71: {  	[tilespmem:s29], [sflag:$0x2] =	stream.linear.gather [hbm4b:s25+s3], $0x2800, $0x38;
	[tilespmem:$0x1D000] =	vst v63  }
0x72: {  	_ =	swait.ge [sflag:s30], $0x2800  }
0x73: {  	[sflag:s30] =	ssyncset.done $0x0  }
0x74: {  	s2 =	simm.s32 $0x8D00;
	[sflag:s30] =	ssyncadd.s32 $0xFFFFD800  }
0x75: {  	[spmem:s1] =	stream.indirect.scatter.add.f32 [tilespmem:s3], [sflag:$0x3], $0x80, s2, s31, $0xb8;
	[tilespmem:$0x1D000] =	vst v63  }
0x76: {  	_ =	swait.ge [sflag:s26], $0x2800  }
0x77: {  	[sflag:s26] =	ssyncset.done $0x0  }
0x78: {  	[sflag:s26] =	ssyncadd.s32 $0xFFFFD800  }
0x79: {  	[tilespmem:s3], [sflag:$0x1] =	stream.linear.gather [hbm4b:s24+s3], $0x2800, $0x38;
	[tilespmem:$0x1D000] =	vst v63  }
0x7a: {  	_ =	swait.ge [sflag:s0], $0x2800  }
0x7b: {  	[sflag:s0] =	ssyncset.done $0x0  }
0x7c: {  	s25 =	simm.s32 $0x8D80;
	[sflag:s0] =	ssyncadd.s32 $0xFFFFD800  }
0x7d: {  	[spmem:s1] =	stream.indirect.scatter.add.f32 [tilespmem:s29], [sflag:$0x3], $0x80, s25, s31, $0xb8;
	[tilespmem:$0x1D000] =	vst v63  }
0x7e: {  	_ =	swait.ge [sflag:s26], $0x2800  }
0x7f: {  	[sflag:s26] =	ssyncset.done $0x0  }
0x80: {  	[sflag:s26] =	ssyncadd.s32 $0xFFFFD800  }
0x81: {  	_ =	swait.ge [sflag:s30], $0x2800  }
0x82: {  	[sflag:s30] =	ssyncset.done $0x0  }
0x83: {  	s12 =	simm.s32 $0x8E00;
	[sflag:s30] =	ssyncadd.s32 $0xFFFFD800  }
0x84: {  	[spmem:s1] =	stream.indirect.scatter.add.f32 [tilespmem:s3], [sflag:$0x3], $0x80, s12, s31, $0xb8;
	[tilespmem:$0x1D000] =	vst v63  }
0x85: {  	_ =	swait.ge [sflag:s26], $0x2800  }
0x86: {  	[sflag:s26] =	ssyncset.done $0x0  }
0x87: {  	[sflag:s26] =	ssyncadd.s32 $0xFFFFD800  }
0x88: {  	[bflag:$0x0] =	sbarrier.arrive $0xFFFF  }
0x89: {  	[tilespmem:s3], [sflag:$0x3] =	stream.linear.gather [spmem:s4], $0x2800, $0x38;
	[tilespmem:$0x1D000] =	vst v63  }
0x8a: {  	_ =	swait.ge [sflag:s26], $0x2800  }
0x8b: {  	[sflag:s26] =	ssyncset.done $0x0  }
0x8c: {  	s15 =	rddreg [dreg:$0x4];
	[sflag:s26] =	ssyncadd.s32 $0xFFFFD800  }
0x8d: {  	[hbm4b:s15+s3] =	stream.linear.scatter [tilespmem:s3], [sflag:$0x3], $0x2800, $0x38;
	[tilespmem:$0x1D000] =	vst v63  }
0x8e: {  	_ =	swait.ge [sflag:s26], $0x2800  }
0x8f: {  	[sflag:s26] =	ssyncset.done $0x0  }
0x90: {  	[sflag:s26] =	ssyncadd.s32 $0xFFFFD800  }
0x91: {  	[tilespmem:s3], [sflag:$0x3] =	stream.linear.gather [spmem:s5], $0x2800, $0x38;
	[tilespmem:$0x1D000] =	vst v63  }
0x92: {  	_ =	swait.ge [sflag:s26], $0x2800  }
0x93: {  	[sflag:s26] =	ssyncset.done $0x0  }
0x94: {  	s16 =	rddreg [dreg:$0x5];
	[sflag:s26] =	ssyncadd.s32 $0xFFFFD800  }
0x95: {  	[hbm4b:s16+s3] =	stream.linear.scatter [tilespmem:s3], [sflag:$0x3], $0x2800, $0x38;
	[tilespmem:$0x1D000] =	vst v63  }
0x96: {  	_ =	swait.ge [sflag:s26], $0x2800  }
0x97: {  	[sflag:s26] =	ssyncset.done $0x0  }
0x98: {  	[sflag:s26] =	ssyncadd.s32 $0xFFFFD800  }
0x99: {  	[tilespmem:s3], [sflag:$0x3] =	stream.linear.gather [spmem:s6], $0x2800, $0x38;
	[tilespmem:$0x1D000] =	vst v63  }
0x9a: {  	_ =	swait.ge [sflag:s26], $0x2800  }
0x9b: {  	[sflag:s26] =	ssyncset.done $0x0  }
0x9c: {  	s25 =	rddreg [dreg:$0x6];
	[sflag:s26] =	ssyncadd.s32 $0xFFFFD800  }
0x9d: {  	[hbm4b:s25+s3] =	stream.linear.scatter [tilespmem:s3], [sflag:$0x3], $0x2800, $0x38;
	[tilespmem:$0x1D000] =	vst v63  }
0x9e: {  	_ =	swait.ge [sflag:s26], $0x2800  }
0x9f: {  	[sflag:s26] =	ssyncset.done $0x0  }
0xa0: {  	[sflag:s26] =	ssyncadd.s32 $0xFFFFD800  }
0xa1: {  	[tilespmem:s3], [sflag:$0x3] =	stream.linear.gather [spmem:s7], $0x2800, $0x38;
	[tilespmem:$0x1D000] =	vst v63  }
0xa2: {  	_ =	swait.ge [sflag:s26], $0x2800  }
0xa3: {  	[sflag:s26] =	ssyncset.done $0x0  }
0xa4: {  	[sflag:s26] =	ssyncadd.s32 $0xFFFFD800  }
0xa5: {  	[hbm4b:s17+s3] =	stream.linear.scatter [tilespmem:s3], [sflag:$0x3], $0x2800, $0x38;
	[tilespmem:$0x1D000] =	vst v63  }
0xa6: {  	_ =	swait.ge [sflag:s26], $0x2800  }
0xa7: {  	[sflag:s26] =	ssyncset.done $0x0  }
0xa8: {  	[sflag:s26] =	ssyncadd.s32 $0xFFFFD800  }
0xa9: {  	[tilespmem:s3], [sflag:$0x3] =	stream.linear.gather [spmem:s8], $0x2800, $0x38;
	[tilespmem:$0x1D000] =	vst v63  }
0xaa: {  	_ =	swait.ge [sflag:s26], $0x2800  }
0xab: {  	[sflag:s26] =	ssyncset.done $0x0  }
0xac: {  	[sflag:s26] =	ssyncadd.s32 $0xFFFFD800  }
0xad: {  	[hbm4b:s19+s3] =	stream.linear.scatter [tilespmem:s3], [sflag:$0x3], $0x2800, $0x38;
	[tilespmem:$0x1D000] =	vst v63  }
0xae: {  	_ =	swait.ge [sflag:s26], $0x2800  }
0xaf: {  	[sflag:s26] =	ssyncset.done $0x0  }
0xb0: {  	[sflag:s26] =	ssyncadd.s32 $0xFFFFD800  }
0xb1: {  	[tilespmem:s3], [sflag:$0x3] =	stream.linear.gather [spmem:s9], $0x2800, $0x38;
	[tilespmem:$0x1D000] =	vst v63  }
0xb2: {  	_ =	swait.ge [sflag:s26], $0x2800  }
0xb3: {  	[sflag:s26] =	ssyncset.done $0x0  }
0xb4: {  	[sflag:s26] =	ssyncadd.s32 $0xFFFFD800  }
0xb5: {  	[hbm4b:s20+s3] =	stream.linear.scatter [tilespmem:s3], [sflag:$0x3], $0x2800, $0x38;
	[tilespmem:$0x1D000] =	vst v63  }
0xb6: {  	_ =	swait.ge [sflag:s26], $0x2800  }
0xb7: {  	[sflag:s26] =	ssyncset.done $0x0  }
0xb8: {  	[sflag:s26] =	ssyncadd.s32 $0xFFFFD800  }
0xb9: {  	[tilespmem:s3], [sflag:$0x3] =	stream.linear.gather [spmem:s10], $0x2800, $0x38;
	[tilespmem:$0x1D000] =	vst v63  }
0xba: {  	_ =	swait.ge [sflag:s26], $0x2800  }
0xbb: {  	[sflag:s26] =	ssyncset.done $0x0  }
0xbc: {  	[sflag:s26] =	ssyncadd.s32 $0xFFFFD800  }
0xbd: {  	[hbm4b:s21+s3] =	stream.linear.scatter [tilespmem:s3], [sflag:$0x3], $0x2800, $0x38;
	[tilespmem:$0x1D000] =	vst v63  }
0xbe: {  	_ =	swait.ge [sflag:s26], $0x2800  }
0xbf: {  	[sflag:s26] =	ssyncset.done $0x0  }
0xc0: {  	[sflag:s26] =	ssyncadd.s32 $0xFFFFD800  }
0xc1: {  	[tilespmem:s3], [sflag:$0x3] =	stream.linear.gather [spmem:s11], $0x2800, $0x38;
	[tilespmem:$0x1D000] =	vst v63  }
0xc2: {  	s28 =	sadd.s32 $0x1, s28;
	_ =	swait.ge [sflag:s26], $0x2800  }
0xc3: {  	p0 =	sne.s32 s28, s23;
	[sflag:s26] =	ssyncset.done $0x0  }
.Ltmp2:
0xc4: {  	[sflag:s26] =	ssyncadd.s32 $0xFFFFD800;
	(pc) =	sbr.rel @p0 .LBB2_1-.Ltmp2, $4  }
0xc5: {  	[hbm4b:s22+s3] =	stream.linear.scatter [tilespmem:s3], [sflag:$0x3], $0x2800, $0x38;
	[tilespmem:$0x1D000] =	vst v63  }
0xc6: {  	_ =	swait.ge [sflag:s26], $0x2800  }
0xc7: {  	[sflag:s26] =	ssyncset.done $0x0  }
0xc8: {  	[sflag:s26] =	ssyncadd.s32 $0xFFFFD800  }
0xc9: {  	_ =	sfence.sel $0x180000  }
0xca: {  	[bflag:$0x0] =	sbarrier.arrive $0xFFFF  }
0xcb: {  	_ =	strace $0x9000004D  }
0xcc: {  	s0 =	stileid.u32;
	[bflag:$0x2] =	sbarrier.arrive $0xFFFF  }
0xcd: {  	p0 =	sne.s32 s0, $0x0;
	s0 =	rddreg [dreg:$0x2]  }
0xce: {  	s0 =	sadd.s32 @!p0 $0x100000, s0  }
0xcf: {  	[sflag:s0] =	ssyncadd.tile.s32 @!p0 $0x1;
	_ =	shalt  }
.Lfunc_end2:
_tile_overlayer_lowered:
.L_overlay_start_2:
0xd0: {  	(tag) =	ssettag $0x2  }
0xd1: {  	s0 =	rddreg [dreg:$0x0];
	s2 =	stileid.u32  }
0xd2: {  	s1 =	rddreg [dreg:$0x1];
	p0 =	sne.s32 s2, $0x0  }
0xd3: {  	s3 =	rddreg [dreg:$0x2];
	[bflag:$0x3] =	sbarrier.arrive $0xFFFF;
	s2 =	simm.s32 @!p0 $0x1C03  }
0xd4: {  	[timem:s3], [sflag:s2] =	dma.local @!p0 [hbm:s0], s1  }
0xd5: {  	s0 =	simm.s32 @!p0 $0x3  }
0xd6: {  	_ =	swait.ge @!p0 [sflag:s0], s1  }
0xd7: {  	s1 =	ssub.s32 @!p0 $0x0, s1;
	[sflag:s0] =	ssyncset.done @!p0 $0x0  }
0xd8: {  	[sflag:s0] =	ssyncadd.s32 @!p0 s1  }
0xd9: {  	[bflag:$0x3] =	sbarrier.arrive $0xFFFF  }
0xda: {  	_ =	shalt  }

// kernel: kernel.8.cloned.1.call-start
scs
__scs_entry_jumppad:
0x0: {  	(pc) =	sbr.rel $0x88, $3  }
0x1: {  	(tag) =	ssettag $0x0;
	lr =	simm.s32 $0x1  }
0x2: {  	[smem:$0x3F98] =	sst lr;
	_ =	strace $0xD0000000  }
0x3: {  	_ = 	snop  }
0x4: {  	_ = 	snop  }
0x5: {  	_ = 	snop  }
0x6: {  	_ = 	snop  }
0x7: {  	_ = 	snop  }
__scs_overlays_trampoline_lowered:
0x8: {  	[smem:$0x3FA7] =	sst s0  }
0x9: {  	[smem:$0x3FA8] =	sst s1  }
0xa: {  	[smem:$0x3FA9] =	sst s2  }
0xb: {  	[smem:$0x3FAA] =	sst s3  }
0xc: {  	[smem:$0x3FAB] =	sst s4  }
0xd: {  	[smem:$0x3FAC] =	sst s5  }
0xe: {  	[smem:$0x3FAD] =	sst s6  }
0xf: {  	[smem:$0x3FAE] =	sst s7  }
0x10: {  	[smem:$0x3FAF] =	sst s8  }
0x11: {  	[smem:$0x3FB0] =	sst s9;
	s0 =	simm.s32 @!p0 $0x0  }
0x12: {  	s1 =	sld [smem:$0x3F96];
	s0 =	simm.s32 @p0 $0x1  }
0x13: {  	[smem:$0x3FB1] =	sst s0;
	s0 =	simm.s32 @!p1 $0x0  }
0x14: {  	s2 =	sld [smem:$0x3F95];
	s0 =	simm.s32 @p1 $0x1  }
0x15: {  	[smem:$0x3FB2] =	sst s0;
	s0 =	simm.s32 @!p2 $0x0  }
0x16: {  	s3 =	sld [smem:$0x3FDB];
	s0 =	simm.s32 @p2 $0x1  }
0x17: {  	s4 =	simm.s32 $0x1BF5;
	[smem:$0x3FB4] =	sst s0  }
0x18: {  	s0 =	sld [smem:$0x3F97];
	_ =	swait.ge [sflag:s4], $0x0  }
0x19: {  	s7 =	sld [smem:$0x3F98]  }
0x1a: {  	s8 =	sadd.s32 $0xFFFFE003, lr  }
0x1b: {  	s9 =	sadd.s32 $0xFFFFFEF7, lr;
	s5 =	simm.s32 $0xFFFFFFFF;
	p2 =	slt.u32 s8, $0xFFFFF086  }
0x1c: {  	p1 =	slt.u32 s9, $0xF7A;
	s5 =	simm.s32 @!p2 $0x0  }
0x1d: {  	s5 =	simm.s32 @p1 $0x1;
	p0 =	seq.s32 s7, s2  }
0x1e: {  	s7 =	smul.u32 @!p0 $0xF7A, s2;
	p2 =	seq.s32 @!p0 s5, $0x0  }
0x1f: {  	s9 =	smul.u32 $0xF7A, s1;
	s8 =	simm.s32 @!p0 $0x1BF5;
	p2 =	por !p2, p0  }
0x20: {  	[sflag:s8] =	ssyncset.s32 @!p0 $0xFFFFF086;
	s6 =	sadd.s32 @!p0 s3, s7;
	s7 =	simm.s32 @!p0 $0x108  }
0x21: {  	s3 =	sadd.s32 s3, s9;
	s6 =	sadd.s32 @!p0 $0x88, s6;
	s7 =	simm.s32 @p2 $0x1082  }
0x22: {  	[simem:s7], [sflag:s8] =	dma.local @!p0 [hbm:s6], $0xF7A  }
0x23: {  	s9 =	sor.u32 $0xD0000000, s2;
	s6 =	simm.s32 $0x108;
	_ =	swait.ge @!p0 [sflag:s8], $0x0  }
0x24: {  	s3 =	sadd.s32 $0x88, s3;
	s6 =	simm.s32 @!p1 $0x1082;
	[sflag:s4] =	ssyncset.s32 $0xFFFFF086  }
0x25: {  	[simem:s6], [sflag:s4] =	dma.local [hbm:s3], $0xF7A  }
0x26: {  	[smem:$0x3F98] =	sst s1;
	(tag) =	ssettag s2;
	_ =	strace s9  }
0x27: {  	s1 =	sld [smem:$0x3FA8]  }
0x28: {  	s2 =	sld [smem:$0x3FA9]  }
0x29: {  	s4 =	sld [smem:$0x3FAB]  }
0x2a: {  	p0 =	seq.s32 s5, $0x0;
	s5 =	sld [smem:$0x3FAC]  }
0x2b: {  	s6 =	sld [smem:$0x3FAD]  }
0x2c: {  	s7 =	sld [smem:$0x3FAE]  }
0x2d: {  	s3 =	simm.s32 $0x108;
	s8 =	sld [smem:$0x3FAF]  }
0x2e: {  	s3 =	simm.s32 @!p0 $0x1082;
	s9 =	sld [smem:$0x3FB0]  }
0x2f: {  	lr =	sadd.s32 s0, s3;
	s0 =	sld [smem:$0x3FA7]  }
0x30: {  	s3 =	sld [smem:$0x3FAA]  }
0x31: {  	[smem:$0x3FB3] =	sst s10  }
0x32: {  	s10 =	sld [smem:$0x3FB1];
	_ =	sdelay $0x3  }
0x33: {  	p0 =	seq.s32 s10, $0x1;
	s10 =	sld [smem:$0x3FB3];
	_ =	sdelay $0x3  }
0x34: {  	[smem:$0x3FB3] =	sst s10  }
0x35: {  	s10 =	sld [smem:$0x3FB2];
	_ =	sdelay $0x3  }
0x36: {  	p1 =	seq.s32 s10, $0x1;
	s10 =	sld [smem:$0x3FB3];
	_ =	sdelay $0x3  }
0x37: {  	[smem:$0x3FB3] =	sst s10  }
0x38: {  	s10 =	sld [smem:$0x3FB4]  }
0x39: {  	_ = 	snop;
	(pc) =	sbr.ind lr, $3  }
0x3a: {  	_ = 	snop  }
0x3b: {  	_ = 	snop  }
0x3c: {  	p2 =	seq.s32 s10, $0x1;
	s10 =	sld [smem:$0x3FB3]  }
0x3d: {  	_ =	shalt  }
0x3e: {  	_ =	shalt  }
0x3f: {  	_ =	shalt  }
0x40: {  	_ =	shalt  }
0x41: {  	_ =	shalt  }
0x42: {  	_ =	shalt  }
0x43: {  	_ =	shalt  }
0x44: {  	_ =	shalt  }
0x45: {  	_ =	shalt  }
0x46: {  	_ =	shalt  }
0x47: {  	_ =	shalt  }
0x48: {  	_ =	shalt  }
0x49: {  	_ =	shalt  }
0x4a: {  	_ =	shalt  }
0x4b: {  	_ =	shalt  }
0x4c: {  	_ =	shalt  }
0x4d: {  	_ =	shalt  }
0x4e: {  	_ =	shalt  }
0x4f: {  	_ =	shalt  }
0x50: {  	_ =	shalt  }
0x51: {  	_ =	shalt  }
0x52: {  	_ =	shalt  }
0x53: {  	_ =	shalt  }
0x54: {  	_ =	shalt  }
0x55: {  	_ =	shalt  }
0x56: {  	_ =	shalt  }
0x57: {  	_ =	shalt  }
0x58: {  	_ =	shalt  }
0x59: {  	_ =	shalt  }
0x5a: {  	_ =	shalt  }
0x5b: {  	_ =	shalt  }
0x5c: {  	_ =	shalt  }
0x5d: {  	_ =	shalt  }
0x5e: {  	_ =	shalt  }
0x5f: {  	_ =	shalt  }
0x60: {  	_ =	shalt  }
0x61: {  	_ =	shalt  }
0x62: {  	_ =	shalt  }
0x63: {  	_ =	shalt  }
0x64: {  	_ =	shalt  }
0x65: {  	_ =	shalt  }
0x66: {  	_ =	shalt  }
0x67: {  	_ =	shalt  }
0x68: {  	_ =	shalt  }
0x69: {  	_ =	shalt  }
0x6a: {  	_ =	shalt  }
0x6b: {  	_ =	shalt  }
0x6c: {  	_ =	shalt  }
0x6d: {  	_ =	shalt  }
0x6e: {  	_ =	shalt  }
0x6f: {  	_ =	shalt  }
0x70: {  	_ =	shalt  }
0x71: {  	_ =	shalt  }
0x72: {  	_ =	shalt  }
0x73: {  	_ =	shalt  }
0x74: {  	_ =	shalt  }
0x75: {  	_ =	shalt  }
0x76: {  	_ =	shalt  }
0x77: {  	_ =	shalt  }
0x78: {  	_ =	shalt  }
0x79: {  	_ =	shalt  }
0x7a: {  	_ =	shalt  }
0x7b: {  	_ =	shalt  }
0x7c: {  	_ =	shalt  }
0x7d: {  	_ =	shalt  }
0x7e: {  	_ =	shalt  }
0x7f: {  	_ =	shalt  }
0x80: {  	_ =	shalt  }
0x81: {  	_ =	shalt  }
0x82: {  	_ =	shalt  }
0x83: {  	_ =	shalt  }
0x84: {  	_ =	shalt  }
0x85: {  	_ =	shalt  }
0x86: {  	_ =	shalt  }
0x87: {  	_ =	shalt  }
.Lfunc_end0:
.L_simem_size_0:
called_computation_lowered:
.L_overlay_start_0:
0x88: {  	s2 =	sld [smem:$0x3FD9]  }
0x89: {  	s3 =	sld [smem:$0x3FFE];
	_ =	sdelay $0x1  }
0x8a: {  	s1 =	srdreg.scid  }
0x8b: {  	s0 =	sand.u32 $0x1, s1  }
0x8c: {  	s17 =	sshll.u32 s0, $0xA;
	s2 =	sadd.s32 s3, s2  }
0x8d: {  	s2 =	sadd.s32 s2, s17  }
0x8e: {  	[smem:$0x3FBF] =	sst s2  }
0x8f: {  	_ = 	snop  }
0x90: {  	s2 =	sld [smem:$0x3FD0];
	(tm) =	ssettm $0x1  }
0x91: {  	s18 =	sld [smem:$0x3FFB];
	_ =	sdelay $0x3  }
0x92: {  	_ =	strace s18  }
0x93: {  	s3 =	sld [smem:$0x3FFC];
	_ =	sdelay $0x3  }
0x94: {  	_ =	strace s3  }
0x95: {  	s3 =	sld [smem:$0x3FFD];
	_ =	sdelay $0x3  }
0x96: {  	_ =	strace s3  }
0x97: {  	_ =	strace $0x8FFFFFFF  }
0x98: {  	s19 =	sld [smem:$0x3FDB];
	_ =	sdelay $0x1  }
0x99: {  	s4 =	simm.s32 $_scs_section_size  }
0x9a: {  	s5 =	simm.s32 $_size__tile_overlayer_lowered;
	s6 =	simm.s32 $_tile_overlayer_lowered  }
0x9b: {  	s22 =	simm.s32 $0x1BFF;
	s21 =	sshll.u32 s6, $0x1;
	s3 =	sadd.s32 s4, s19  }
0x9c: {  	s7 =	simm.s32 $0x0;
	s20 =	sshll.u32 s5, $0x1;
	s5 =	sadd.s32 s21, s3  }
0x9d: {  	[timem:s7], [sflag:s22] =	dma.local [hbm:s5], s20  }
0x9e: {  	_ =	swait.ge [sflag:s22], s20  }
0x9f: {  	s4 =	ssub.s32 $0x0, s20;
	[sflag:s22] =	ssyncset.done $0x0  }
0xa0: {  	[sflag:s22] =	ssyncadd.s32 s4;
	_ =	sdelay $0x1  }
0xa1: {  	s23 =	simm.s32 $0x1B8B  }
0xa2: {  	_ =	swait.ge [sflag:s23], $0x1  }
0xa3: {  	[sflag:s23] =	ssyncset.done $0x0  }
0xa4: {  	s25 =	simm.s32 $0x1B8E;
	s24 =	sld [smem:$0x3FFE];
	[sflag:s23] =	ssyncadd.s32 $0xFFFFFFFF  }
0xa5: {  	s26 =	simm.s32 $execute0_lowered;
	[smem:$0x3FD2] =	sst s25  }
0xa6: {  	s5 =	sshll.u32 s26, $0x1;
	_ =	strace $0x80000046;
	[dreg:$0x1] =	wrdreg $0xFFFFFFFF  }
0xa7: {  	s28 =	simm.s32 $_size_execute0_lowered;
	s3 =	sadd.s32 s3, s5;
	[dreg:$0x0] =	wrdreg $0x0  }
0xa8: {  	s5 =	sshll.u32 s28, $0x1;
	[dreg:$0x2] =	wrdreg s3  }
0xa9: {  	[dreg:$0x3] =	wrdreg s5  }
0xaa: {  	[dreg:$0x4] =	wrdreg $0xC0  }
0xab: {  	_ =	task [dreg:s7], $0x5FFFF  }
0xac: {  	[dreg:$0x1] =	wrdreg $0xFFFFFFFF  }
0xad: {  	[dreg:$0x0] =	wrdreg $0x60  }
0xae: {  	[dreg:$0x2] =	wrdreg s2  }
0xaf: {  	[dreg:$0x3] =	wrdreg s24  }
0xb0: {  	[dreg:$0x4] =	wrdreg $0xA  }
0xb1: {  	_ =	task.clear_ibuf [dreg:s7], $0x5FFFF;
	_ =	strace $0x90000046  }
0xb2: {  	s29 =	simm.s32 $0xA;
	_ =	strace $0x80000048  }
0xb3: {  	_ =	swait.ge [sflag:s29], $0x1  }
0xb4: {  	[sflag:s29] =	ssyncadd.s32 $0xFFFFFFFF  }
0xb5: {  	_ =	strace $0x90000048  }
0xb6: {  	_ =	sfence  }
0xb7: {  	s30 =	sld [smem:$0x0];
	_ =	sdelay $0x2  }
0xb8: {  	s31 =	sshll.u32 s1, $0xD;
	s1 =	sshrl.u32 s1, $0x2  }
0xb9: {  	s3 =	sand.u32 $0x4000, s31;
	s1 =	sadd.s32 s1, s30  }
0xba: {  	s0 =	sor.u32 s3, s0;
	s1 =	sshll.u32 s1, $0x11  }
0xbb: {  	s0 =	sor.u32 s1, s0  }
0xbc: {  	s0 =	sadd.s32 $0x8F2B, s0  }
0xbd: {  	[sflag:s0] =	ssyncadd.remote.s32 $0x1  }
0xbe: {  	_ =	sfence.sel $0xFFFF  }
0xbf: {  	[dreg:$0x0] =	wrdreg $0xFFFFFFFF;
	(pc) =	sbr.abs _section_cstart, $3  }
0xc0: {  	[dreg:$0x1] =	wrdreg $0xFFFFFFFF  }
0xc1: {  	_ =	task.clear_ibuf [dreg:s7], $0x2FFFF;
	_ =	strace $0x9FFFFFFF  }
0xc2: {  	(tm) =	ssettm $0x7FFFFFFF  }
0xc3: {  	_ =	shalt  }
tec
execute0_lowered:
.L_overlay_start_1:
0x0: {  	(tag) =	ssettag $0x1  }
0x1: {  	s2 =	rddreg [dreg:$0x0]  }
0x2: {  	s0 =	rddreg [dreg:$0x1]  }
0x3: {  	s1 =	srdreg.scid;
	s4 =	stileid.u32  }
0x4: {  	s3 =	simm.s32 $0x0;
	s12 =	simm.s32 $0x5;
	s13 =	simm.s32 $0x4000  }
0x5: {  	s14 =	simm.s32 $0x50;
	s15 =	simm.s32 $0x8000;
	s16 =	simm.s32 $0xA800  }
0x6: {  	s18 =	simm.s32 $0xF800;
	s20 =	simm.s32 $0x12000;
	s21 =	simm.s32 $0x1  }
0x7: {  	s22 =	simm.s32 $0xD000;
	s23 =	simm.s32 $0x2;
	s24 =	simm.s32 $0x14800  }
0x8: {  	s25 =	simm.s32 $0x3;
	s26 =	simm.s32 $0x4;
	s28 =	simm.s32 $0x0  }
0x9: {  	s1 =	sand.u32 $0x1, s1;
	s4 =	sshll.u32 s4, $0x1;
	[smem:$0x7FF] =	sst s3  }
0xa: {  	s6 =	sor.u32 s1, s4;
	_ =	strace $0x80000047;
	s4 =	sadd.s32 $0x23000, s0  }
0xb: {  	s1 =	ssub.s32 $0x2, s1;
	s5 =	sshll.u32 s6, $0xB;
	s9 =	smul.u32 $0x138800, s6  }
0xc: {  	s30 =	sshrl.u32 s1, $0x1;
	s6 =	smul.u32 $0x2710, s6;
	s8 =	sadd.s32 s5, s0  }
0xd: {  	s5 =	sadd.s32 $0x4A200, s0;
	s0 =	ssub.s32 s1, s30;
	s31 =	sshrl.u32 s9, $0x3  }
0xe: {  	s7 =	sadd.s32 $0x13000, s8;
	s8 =	sadd.s32 $0x3000, s8;
	s1 =	sadd.s32 s5, s31  }
0xf: {  	s9 =	sadd.s32 $0x50, s6;
	s11 =	smax.u32 s0, $0x1;
	s10 =	sadd.s32 $0x26C00, s1  }
.LBB2_1:
0x10: {  	[tilespmem:s3], [sflag:$0x5] =	stream.linear.gather [hbm4b:s7+s3], $0x3E80, $0x38;
	[tilespmem:$0x17000] =	vst v63  }
0x11: {  	_ =	swait.ge [sflag:s12], $0x3E80  }
0x12: {  	[sflag:s12] =	ssyncset.done $0x0  }
0x13: {  	[sflag:s12] =	ssyncadd.s32 $0xFFFFC180  }
0x14: {  	[tilespmem:s13], [sflag:$0x5] =	stream.linear.gather [hbm4b:s8+s3], $0x3E80, $0x38;
	[tilespmem:$0x17000] =	vst v63  }
0x15: {  	_ =	swait.ge [sflag:s12], $0x3E80  }
0x16: {  	[sflag:s12] =	ssyncset.done $0x0  }
0x17: {  	[sflag:s12] =	ssyncadd.s32 $0xFFFFC180  }
0x18: {  	[tilespmem:s15], [sflag:$0x1] =	stream.indirect.gather [hbm4b:s2+s14], $0x80, s3, s14, $0xb8;
	[tilespmem:$0x17000] =	vst v63  }
0x19: {  	_ = 	snop  }
0x1a: {  	[tilespmem:s16], [sflag:$0x1] =	stream.indirect.gather [hbm4b:s4+s14], $0x80, s13, s14, $0xb8;
	[tilespmem:$0x17000] =	vst v63  }
0x1b: {  	s0 =	simm.s32 $0x80  }
0x1c: {  	[tilespmem:s18], [sflag:$0x2] =	stream.indirect.gather [hbm4b:s2+s14], $0x80, s0, s14, $0xb8;
	[tilespmem:$0x17000] =	vst v63  }
0x1d: {  	s31 =	simm.s32 $0x4080;
	s29 =	simm.s32 $0x0  }
0x1e: {  	[tilespmem:s20], [sflag:$0x2] =	stream.indirect.gather [hbm4b:s4+s14], $0x80, s31, s14, $0xb8;
	[tilespmem:$0x17000] =	vst v63  }
.LBB2_2:
0x1f: {  	_ =	swait.ge [sflag:s21], $0x2800  }
0x20: {  	[sflag:s21] =	ssyncset.done $0x0  }
0x21: {  	[sflag:s21] =	ssyncadd.s32 $0xFFFFD800  }
0x22: {  	_ =	swait.ge [sflag:s21], $0x2800  }
0x23: {  	p0 =	seq.s32 s29, $0x0;
	[sflag:s21] =	ssyncset.done $0x0  }
0x24: {  	s0 =	simm.s32 @!p0 $0x3;
	[sflag:s21] =	ssyncadd.s32 $0xFFFFD800  }
0x25: {  	_ =	swait.ge @!p0 [sflag:s0], $0x2800  }
0x26: {  	[sflag:s0] =	ssyncset.done @!p0 $0x0  }
0x27: {  	[sflag:s0] =	ssyncadd.s32 @!p0 $0xFFFFD800;
	s0 =	simm.s32 $0x0  }
0x28: {  	v0 =	vld [tilespmem:s0+$0x8070]  }
0x29: {  	v1 =	vld [tilespmem:s0+$0xA870]  }
0x2a: {  	v2 =	vld [tilespmem:s0+$0x8000]  }
0x2b: {  	v3 =	vld [tilespmem:s0+$0xA800]  }
0x2c: {  	v4 =	vld [tilespmem:s0+$0x8010]  }
0x2d: {  	v5 =	vld [tilespmem:s0+$0xA810]  }
0x2e: {  	v6 =	vld [tilespmem:s0+$0x8020]  }
0x2f: {  	v7 =	vld [tilespmem:s0+$0x8030]  }
0x30: {  	v0 =	vadd.f32 v1, v0;
	v1 =	vld [tilespmem:s0+$0xA820]  }
0x31: {  	v8 =	vld [tilespmem:s0+$0xA830]  }
0x32: {  	v9 =	vld [tilespmem:s0+$0xA840]  }
0x33: {  	[tilespmem:s0+$0xD070] =	vst v0;
	v0 =	vadd.f32 v5, v4;
	v5 =	vld [tilespmem:s0+$0x8040]  }
0x34: {  	v2 =	vadd.f32 v3, v2;
	v3 =	vld [tilespmem:s0+$0xA850]  }
0x35: {  	[tilespmem:s0+$0xD010] =	vst v0;
	v0 =	vadd.f32 v1, v6;
	v1 =	vld [tilespmem:s0+$0x8050]  }
0x36: {  	s31 =	smul.u32 $0xA0, s29;
	[tilespmem:s0+$0xD000] =	vst v2;
	v4 =	vld [tilespmem:s0+$0xA860];
	v6 =	vadd.f32 v8, v7  }
0x37: {  	s17 =	simm.s32 $0x80;
	[tilespmem:s0+$0xD020] =	vst v0;
	v0 =	vld [tilespmem:s0+$0x8060]  }
0x38: {  	s30 =	sshll.u32 s29, $0x8;
	s19 =	simm.s32 $0x400;
	s1 =	sadd.s32 s6, s31;
	v5 =	vadd.f32 v9, v5;
	v2 =	vld [tilespmem:s17+$0x8070];
	[tilespmem:s0+$0xD030] =	vst v6  }
.LBB2_3:
0x39: {  	p1 =	sne.s32 s19, $0x9E00;
	v6 =	vld [tilespmem:s17+$0xA870]  }
0x3a: {  	v7 =	vld [tilespmem:s17+$0x8000];
	[tilespmem:s0+$0xD040] =	vst v5;
	v1 =	vadd.f32 v3, v1  }
0x3b: {  	v3 =	vld [tilespmem:s17+$0xA800]  }
0x3c: {  	v5 =	vld [tilespmem:s17+$0x8010];
	[tilespmem:s0+$0xD050] =	vst v1;
	v0 =	vadd.f32 v4, v0  }
0x3d: {  	v1 =	vld [tilespmem:s17+$0xA810]  }
0x3e: {  	v4 =	vld [tilespmem:s17+$0x8020];
	v2 =	vadd.f32 v6, v2;
	[tilespmem:s0+$0xD060] =	vst v0;
	s0 =	smov.u32 s17  }
0x3f: {  	v0 =	vld [tilespmem:s0+$0xA820]  }
0x40: {  	v3 =	vadd.f32 v3, v7;
	v6 =	vld [tilespmem:s0+$0x8030];
	[tilespmem:s0+$0xD070] =	vst v2  }
0x41: {  	v2 =	vld [tilespmem:s0+$0xA830]  }
0x42: {  	[tilespmem:s0+$0xD000] =	vst v3;
	v1 =	vadd.f32 v1, v5;
	v5 =	vld [tilespmem:s0+$0x8040]  }
0x43: {  	v7 =	vld [tilespmem:s0+$0xA840]  }
.Ltmp0:
0x44: {  	[tilespmem:s0+$0xD010] =	vst v1;
	v0 =	vadd.f32 v0, v4;
	v1 =	vld [tilespmem:s0+$0x8050];
	(pc) =	sbr.rel @p1 .LBB2_3-.Ltmp0, $4  }
0x45: {  	v3 =	vld [tilespmem:s0+$0xA850]  }
0x46: {  	[tilespmem:s0+$0xD020] =	vst v0;
	v6 =	vadd.f32 v2, v6;
	v0 =	vld [tilespmem:s0+$0x8060]  }
0x47: {  	s17 =	sshra.s32 s19, $0x2;
	v4 =	vld [tilespmem:s0+$0xA860]  }
0x48: {  	s19 =	sadd.s32 $0x200, s19;
	v2 =	vld [tilespmem:s17+$0x8070];
	[tilespmem:s0+$0xD030] =	vst v6;
	v5 =	vadd.f32 v7, v5  }
0x49: {  	v6 =	vld [tilespmem:s17+$0xA870]  }
0x4a: {  	v7 =	vld [tilespmem:s17+$0x8000];
	[tilespmem:s0+$0xD040] =	vst v5;
	v1 =	vadd.f32 v3, v1  }
0x4b: {  	v3 =	vld [tilespmem:s17+$0xA800]  }
0x4c: {  	v5 =	vld [tilespmem:s17+$0x8010];
	[tilespmem:s0+$0xD050] =	vst v1;
	v0 =	vadd.f32 v4, v0  }
0x4d: {  	v1 =	vld [tilespmem:s17+$0xA810]  }
0x4e: {  	v4 =	vld [tilespmem:s17+$0x8020];
	[tilespmem:s0+$0xD060] =	vst v0  }
0x4f: {  	v0 =	vadd.f32 v6, v2;
	v2 =	vld [tilespmem:s17+$0xA820]  }
0x50: {  	v6 =	vld [tilespmem:s17+$0x8030]  }
0x51: {  	v3 =	vadd.f32 v3, v7;
	[tilespmem:s17+$0xD070] =	vst v0;
	v0 =	vld [tilespmem:s17+$0xA830]  }
0x52: {  	v7 =	vld [tilespmem:s17+$0xA860]  }
0x53: {  	[tilespmem:s17+$0xD000] =	vst v3;
	v1 =	vadd.f32 v1, v5;
	v3 =	vld [tilespmem:s17+$0x8040]  }
0x54: {  	v5 =	vld [tilespmem:s17+$0xA840]  }
0x55: {  	[tilespmem:s17+$0xD010] =	vst v1;
	v1 =	vadd.f32 v2, v4;
	v2 =	vld [tilespmem:s17+$0x8050]  }
0x56: {  	v4 =	vld [tilespmem:s17+$0xA850]  }
0x57: {  	[tilespmem:s17+$0xD020] =	vst v1;
	v1 =	vld [tilespmem:s17+$0x8060];
	_ =	sdelay $0x1  }
0x58: {  	v0 =	vadd.f32 v0, v6  }
0x59: {  	v3 =	vadd.f32 v5, v3  }
0x5a: {  	[tilespmem:s17+$0xD030] =	vst v0;
	v0 =	vadd.f32 v4, v2  }
0x5b: {  	[tilespmem:s17+$0xD040] =	vst v3;
	v1 =	vadd.f32 v7, v1  }
0x5c: {  	s1 =	sshll.u32 s1, $0x4;
	[tilespmem:s17+$0xD050] =	vst v0  }
0x5d: {  	s0 =	sadd.s32 s5, s1;
	[tilespmem:s17+$0xD060] =	vst v1  }
0x5e: {  	[hbm4b:s0+s3] =	stream.linear.scatter [tilespmem:s22], [sflag:$0x3], $0x2800, $0x38;
	[tilespmem:$0x17000] =	vst v63  }
0x5f: {  	s17 =	sadd.s32 $0x100, s30  }
0x60: {  	[tilespmem:s15], [sflag:$0x1] =	stream.indirect.gather [hbm4b:s2+s14], $0x80, s17, s14, $0xb8;
	[tilespmem:$0x17000] =	vst v63  }
0x61: {  	s19 =	sadd.s32 $0x4100, s30  }
0x62: {  	[tilespmem:s16], [sflag:$0x1] =	stream.indirect.gather [hbm4b:s4+s14], $0x80, s19, s14, $0xb8;
	[tilespmem:$0x17000] =	vst v63  }
0x63: {  	_ =	swait.ge [sflag:s23], $0x2800  }
0x64: {  	[sflag:s23] =	ssyncset.done $0x0  }
0x65: {  	[sflag:s23] =	ssyncadd.s32 $0xFFFFD800  }
0x66: {  	_ =	swait.ge [sflag:s23], $0x2800  }
0x67: {  	[sflag:s23] =	ssyncset.done $0x0  }
0x68: {  	s0 =	simm.s32 @!p0 $0x4;
	[sflag:s23] =	ssyncadd.s32 $0xFFFFD800  }
0x69: {  	_ =	swait.ge @!p0 [sflag:s0], $0x2800  }
0x6a: {  	[sflag:s0] =	ssyncset.done @!p0 $0x0  }
0x6b: {  	[sflag:s0] =	ssyncadd.s32 @!p0 $0xFFFFD800;
	s0 =	simm.s32 $0x0  }
0x6c: {  	v0 =	vld [tilespmem:s0+$0xF870]  }
0x6d: {  	v1 =	vld [tilespmem:s0+$0x12070]  }
0x6e: {  	v2 =	vld [tilespmem:s0+$0xF800]  }
0x6f: {  	v3 =	vld [tilespmem:s0+$0x12000]  }
0x70: {  	v4 =	vld [tilespmem:s0+$0xF810]  }
0x71: {  	v5 =	vld [tilespmem:s0+$0x12010]  }
0x72: {  	v6 =	vld [tilespmem:s0+$0xF820]  }
0x73: {  	v7 =	vld [tilespmem:s0+$0xF830]  }
0x74: {  	v0 =	vadd.f32 v1, v0;
	v1 =	vld [tilespmem:s0+$0x12020]  }
0x75: {  	v8 =	vld [tilespmem:s0+$0x12030]  }
0x76: {  	v9 =	vld [tilespmem:s0+$0x12040];
	v2 =	vadd.f32 v3, v2  }
0x77: {  	[tilespmem:s0+$0x14870] =	vst v0;
	v0 =	vadd.f32 v5, v4;
	v5 =	vld [tilespmem:s0+$0xF840]  }
0x78: {  	v3 =	vld [tilespmem:s0+$0x12050];
	[tilespmem:s0+$0x14800] =	vst v2  }
0x79: {  	v2 =	vld [tilespmem:s0+$0xF850];
	[tilespmem:s0+$0x14810] =	vst v0;
	v0 =	vadd.f32 v1, v6  }
0x7a: {  	v4 =	vld [tilespmem:s0+$0x12060];
	v6 =	vadd.f32 v8, v7  }
0x7b: {  	s17 =	simm.s32 $0x80;
	[tilespmem:s0+$0x14820] =	vst v0;
	v0 =	vld [tilespmem:s0+$0xF860]  }
0x7c: {  	s1 =	sadd.s32 s9, s31;
	s19 =	simm.s32 $0x400;
	v5 =	vadd.f32 v9, v5;
	v1 =	vld [tilespmem:s17+$0xF870];
	[tilespmem:s0+$0x14830] =	vst v6  }
.LBB2_5:
0x7d: {  	p0 =	sne.s32 s19, $0x9E00;
	v6 =	vld [tilespmem:s17+$0x12070]  }
0x7e: {  	v7 =	vld [tilespmem:s17+$0xF800];
	[tilespmem:s0+$0x14840] =	vst v5;
	v2 =	vadd.f32 v3, v2  }
0x7f: {  	v3 =	vld [tilespmem:s17+$0x12000]  }
0x80: {  	v5 =	vld [tilespmem:s17+$0xF810];
	[tilespmem:s0+$0x14850] =	vst v2;
	v0 =	vadd.f32 v4, v0  }
0x81: {  	v2 =	vld [tilespmem:s17+$0x12010]  }
0x82: {  	v4 =	vld [tilespmem:s17+$0xF820];
	v1 =	vadd.f32 v6, v1;
	[tilespmem:s0+$0x14860] =	vst v0;
	s0 =	smov.u32 s17  }
0x83: {  	v0 =	vld [tilespmem:s0+$0x12020]  }
0x84: {  	v3 =	vadd.f32 v3, v7;
	v6 =	vld [tilespmem:s0+$0xF830];
	[tilespmem:s0+$0x14870] =	vst v1  }
0x85: {  	v1 =	vld [tilespmem:s0+$0x12030]  }
0x86: {  	[tilespmem:s0+$0x14800] =	vst v3;
	v2 =	vadd.f32 v2, v5;
	v5 =	vld [tilespmem:s0+$0xF840]  }
0x87: {  	v7 =	vld [tilespmem:s0+$0x12040]  }
.Ltmp1:
0x88: {  	[tilespmem:s0+$0x14810] =	vst v2;
	v0 =	vadd.f32 v0, v4;
	v2 =	vld [tilespmem:s0+$0xF850];
	(pc) =	sbr.rel @p0 .LBB2_5-.Ltmp1, $4  }
0x89: {  	v3 =	vld [tilespmem:s0+$0x12050]  }
0x8a: {  	[tilespmem:s0+$0x14820] =	vst v0;
	v6 =	vadd.f32 v1, v6;
	v0 =	vld [tilespmem:s0+$0xF860]  }
0x8b: {  	s17 =	sshra.s32 s19, $0x2;
	v4 =	vld [tilespmem:s0+$0x12060]  }
0x8c: {  	s19 =	sadd.s32 $0x200, s19;
	v1 =	vld [tilespmem:s17+$0xF870];
	[tilespmem:s0+$0x14830] =	vst v6;
	v5 =	vadd.f32 v7, v5  }
0x8d: {  	v6 =	vld [tilespmem:s17+$0x12070]  }
0x8e: {  	v7 =	vld [tilespmem:s17+$0xF800];
	[tilespmem:s0+$0x14840] =	vst v5;
	v2 =	vadd.f32 v3, v2  }
0x8f: {  	v51 =	vld [tilespmem:s17+$0x12000]  }
0x90: {  	v5 =	vld [tilespmem:s17+$0xF810];
	[tilespmem:s0+$0x14850] =	vst v2;
	v0 =	vadd.f32 v4, v0  }
0x91: {  	v2 =	vld [tilespmem:s17+$0x12010]  }
0x92: {  	v52 =	vld [tilespmem:s17+$0xF820];
	[tilespmem:s0+$0x14860] =	vst v0  }
0x93: {  	v54 =	vld [tilespmem:s17+$0x12020]  }
0x94: {  	v55 =	vld [tilespmem:s17+$0xF830]  }
0x95: {  	v56 =	vld [tilespmem:s17+$0x12030]  }
0x96: {  	v57 =	vld [tilespmem:s17+$0xF840]  }
0x97: {  	v58 =	vld [tilespmem:s17+$0x12040]  }
0x98: {  	v59 =	vld [tilespmem:s17+$0xF850]  }
0x99: {  	v53 =	vadd.f32 v6, v1;
	v60 =	vld [tilespmem:s17+$0x12050]  }
0x9a: {  	v61 =	vld [tilespmem:s17+$0xF860];
	v3 =	vadd.f32 v51, v7  }
0x9b: {  	v62 =	vld [tilespmem:s17+$0x12060];
	[tilespmem:s17+$0x14870] =	vst v53;
	v2 =	vadd.f32 v2, v5  }
0x9c: {  	[tilespmem:s17+$0x14800] =	vst v3;
	v1 =	vadd.f32 v54, v52  }
0x9d: {  	[tilespmem:s17+$0x14810] =	vst v2;
	v0 =	vadd.f32 v56, v55  }
0x9e: {  	p0 =	seq.s32 s29, $0x3D;
	v3 =	vadd.f32 v58, v57;
	[tilespmem:s17+$0x14820] =	vst v1  }
.Ltmp2:
0x9f: {  	v63 =	vadd.f32 v60, v59;
	[tilespmem:s17+$0x14830] =	vst v0;
	(pc) =	sbr.rel @p0 .LBB2_8-.Ltmp2, $4  }
0xa0: {  	[tilespmem:s17+$0x14840] =	vst v3;
	v1 =	vadd.f32 v62, v61  }
0xa1: {  	s31 =	sshll.u32 s1, $0x4;
	[tilespmem:s17+$0x14850] =	vst v63  }
0xa2: {  	s0 =	sadd.s32 s5, s31;
	[tilespmem:s17+$0x14860] =	vst v1  }
0xa3: {  	[hbm4b:s0+s3] =	stream.linear.scatter [tilespmem:s24], [sflag:$0x4], $0x2800, $0x38;
	[tilespmem:$0x17000] =	vst v63  }
.Ltmp3:
0xa4: {  	(pc) =	sbr.rel .LBB2_2-.Ltmp3, $4  }
0xa5: {  	s0 =	sadd.s32 $0x180, s30  }
0xa6: {  	[tilespmem:s18], [sflag:$0x2] =	stream.indirect.gather [hbm4b:s2+s14], $0x80, s0, s14, $0xb8;
	[tilespmem:$0x17000] =	vst v63  }
0xa7: {  	s31 =	sadd.s32 $0x4180, s30;
	s29 =	sadd.s32 $0x1, s29  }
0xa8: {  	[tilespmem:s20], [sflag:$0x2] =	stream.indirect.gather [hbm4b:s4+s14], $0x80, s31, s14, $0xb8;
	[tilespmem:$0x17000] =	vst v63  }
.LBB2_8:
0xa9: {  	_ =	swait.ge [sflag:s21], $0x2800  }
0xaa: {  	[sflag:s21] =	ssyncset.done $0x0  }
0xab: {  	[sflag:s21] =	ssyncadd.s32 $0xFFFFD800  }
0xac: {  	_ =	swait.ge [sflag:s21], $0x2800  }
0xad: {  	[sflag:s21] =	ssyncset.done $0x0  }
0xae: {  	[sflag:s21] =	ssyncadd.s32 $0xFFFFD800  }
0xaf: {  	_ =	swait.ge [sflag:s25], $0x2800  }
0xb0: {  	[sflag:s25] =	ssyncset.done $0x0  }
0xb1: {  	s0 =	simm.s32 $0x0;
	[sflag:s25] =	ssyncadd.s32 $0xFFFFD800  }
0xb2: {  	v0 =	vld [tilespmem:s0+$0x8070]  }
0xb3: {  	v1 =	vld [tilespmem:s0+$0xA870]  }
0xb4: {  	v2 =	vld [tilespmem:s0+$0x8000]  }
0xb5: {  	v3 =	vld [tilespmem:s0+$0xA800]  }
0xb6: {  	v4 =	vld [tilespmem:s0+$0x8010]  }
0xb7: {  	v5 =	vld [tilespmem:s0+$0xA810]  }
0xb8: {  	v6 =	vld [tilespmem:s0+$0x8020]  }
0xb9: {  	v7 =	vld [tilespmem:s0+$0x8030]  }
0xba: {  	v0 =	vadd.f32 v1, v0;
	v1 =	vld [tilespmem:s0+$0xA820]  }
0xbb: {  	v8 =	vld [tilespmem:s0+$0xA830]  }
0xbc: {  	v9 =	vld [tilespmem:s0+$0xA840];
	v2 =	vadd.f32 v3, v2  }
0xbd: {  	[tilespmem:s0+$0xD070] =	vst v0;
	v0 =	vadd.f32 v5, v4;
	v5 =	vld [tilespmem:s0+$0x8040]  }
0xbe: {  	v3 =	vld [tilespmem:s0+$0xA850];
	[tilespmem:s0+$0xD000] =	vst v2  }
0xbf: {  	v2 =	vld [tilespmem:s0+$0x8050];
	[tilespmem:s0+$0xD010] =	vst v0;
	v0 =	vadd.f32 v1, v6  }
0xc0: {  	v4 =	vld [tilespmem:s0+$0xA860];
	v6 =	vadd.f32 v8, v7  }
0xc1: {  	s1 =	simm.s32 $0x80;
	[tilespmem:s0+$0xD020] =	vst v0;
	v0 =	vld [tilespmem:s0+$0x8060]  }
0xc2: {  	s17 =	simm.s32 $0x400;
	v5 =	vadd.f32 v9, v5;
	v1 =	vld [tilespmem:s1+$0x8070];
	[tilespmem:s0+$0xD030] =	vst v6  }
.LBB2_9:
0xc3: {  	p0 =	sne.s32 s17, $0x9E00;
	v6 =	vld [tilespmem:s1+$0xA870]  }
0xc4: {  	v7 =	vld [tilespmem:s1+$0x8000];
	[tilespmem:s0+$0xD040] =	vst v5;
	v2 =	vadd.f32 v3, v2  }
0xc5: {  	v3 =	vld [tilespmem:s1+$0xA800]  }
0xc6: {  	v5 =	vld [tilespmem:s1+$0x8010];
	[tilespmem:s0+$0xD050] =	vst v2;
	v0 =	vadd.f32 v4, v0  }
0xc7: {  	v2 =	vld [tilespmem:s1+$0xA810]  }
0xc8: {  	v4 =	vld [tilespmem:s1+$0x8020];
	v1 =	vadd.f32 v6, v1;
	[tilespmem:s0+$0xD060] =	vst v0;
	s0 =	smov.u32 s1  }
0xc9: {  	v0 =	vld [tilespmem:s0+$0xA820]  }
0xca: {  	v3 =	vadd.f32 v3, v7;
	v6 =	vld [tilespmem:s0+$0x8030];
	[tilespmem:s0+$0xD070] =	vst v1  }
0xcb: {  	v1 =	vld [tilespmem:s0+$0xA830]  }
0xcc: {  	[tilespmem:s0+$0xD000] =	vst v3;
	v2 =	vadd.f32 v2, v5;
	v5 =	vld [tilespmem:s0+$0x8040]  }
0xcd: {  	v7 =	vld [tilespmem:s0+$0xA840]  }
.Ltmp4:
0xce: {  	[tilespmem:s0+$0xD010] =	vst v2;
	v0 =	vadd.f32 v0, v4;
	v2 =	vld [tilespmem:s0+$0x8050];
	(pc) =	sbr.rel @p0 .LBB2_9-.Ltmp4, $4  }
0xcf: {  	v3 =	vld [tilespmem:s0+$0xA850]  }
0xd0: {  	[tilespmem:s0+$0xD020] =	vst v0;
	v6 =	vadd.f32 v1, v6;
	v0 =	vld [tilespmem:s0+$0x8060]  }
0xd1: {  	s1 =	sshra.s32 s17, $0x2;
	v4 =	vld [tilespmem:s0+$0xA860]  }
0xd2: {  	s17 =	sadd.s32 $0x200, s17;
	v1 =	vld [tilespmem:s1+$0x8070];
	[tilespmem:s0+$0xD030] =	vst v6;
	v5 =	vadd.f32 v7, v5  }
0xd3: {  	v6 =	vld [tilespmem:s1+$0xA870]  }
0xd4: {  	v7 =	vld [tilespmem:s1+$0x8000];
	[tilespmem:s0+$0xD040] =	vst v5;
	v2 =	vadd.f32 v3, v2  }
0xd5: {  	v51 =	vld [tilespmem:s1+$0xA800]  }
0xd6: {  	v5 =	vld [tilespmem:s1+$0x8010];
	[tilespmem:s0+$0xD050] =	vst v2;
	v0 =	vadd.f32 v4, v0  }
0xd7: {  	v2 =	vld [tilespmem:s1+$0xA810]  }
0xd8: {  	v52 =	vld [tilespmem:s1+$0x8020];
	[tilespmem:s0+$0xD060] =	vst v0  }
0xd9: {  	v54 =	vld [tilespmem:s1+$0xA820]  }
0xda: {  	v55 =	vld [tilespmem:s1+$0x8030]  }
0xdb: {  	v56 =	vld [tilespmem:s1+$0xA830]  }
0xdc: {  	v57 =	vld [tilespmem:s1+$0x8040]  }
0xdd: {  	v58 =	vld [tilespmem:s1+$0xA840]  }
0xde: {  	v59 =	vld [tilespmem:s1+$0x8050]  }
0xdf: {  	v53 =	vadd.f32 v6, v1;
	v60 =	vld [tilespmem:s1+$0xA850]  }
0xe0: {  	v61 =	vld [tilespmem:s1+$0x8060];
	v3 =	vadd.f32 v51, v7  }
0xe1: {  	v62 =	vld [tilespmem:s1+$0xA860];
	[tilespmem:s1+$0xD070] =	vst v53;
	v2 =	vadd.f32 v2, v5  }
0xe2: {  	[tilespmem:s1+$0xD000] =	vst v3;
	v1 =	vadd.f32 v54, v52  }
0xe3: {  	[tilespmem:s1+$0xD010] =	vst v2;
	v0 =	vadd.f32 v56, v55  }
0xe4: {  	v3 =	vadd.f32 v58, v57;
	[tilespmem:s1+$0xD020] =	vst v1  }
0xe5: {  	v63 =	vadd.f32 v60, v59;
	[tilespmem:s1+$0xD030] =	vst v0  }
0xe6: {  	[tilespmem:s1+$0xD040] =	vst v3;
	v1 =	vadd.f32 v62, v61  }
0xe7: {  	[tilespmem:s1+$0xD050] =	vst v63  }
0xe8: {  	s28 =	sadd.s32 $0x1, s28;
	[tilespmem:s1+$0xD060] =	vst v1  }
0xe9: {  	[hbm4b:s10+s3] =	stream.linear.scatter [tilespmem:s22], [sflag:$0x3], $0x2800, $0x38;
	[tilespmem:$0x17000] =	vst v63  }
0xea: {  	p0 =	sne.s32 s28, s11;
	_ =	swait.ge [sflag:s25], $0x2800  }
.Ltmp5:
0xeb: {  	[sflag:s25] =	ssyncset.done $0x0;
	(pc) =	sbr.rel @p0 .LBB2_1-.Ltmp5, $4  }
0xec: {  	[sflag:s25] =	ssyncadd.s32 $0xFFFFD800  }
0xed: {  	_ =	swait.ge [sflag:s26], $0x2800  }
0xee: {  	[sflag:s26] =	ssyncset.done $0x0  }
0xef: {  	[sflag:s26] =	ssyncadd.s32 $0xFFFFD800  }
0xf0: {  	_ =	sfence.sel $0x180000  }
0xf1: {  	[bflag:$0x0] =	sbarrier.arrive $0xFFFF  }
0xf2: {  	_ =	strace $0x90000047  }
0xf3: {  	s0 =	stileid.u32;
	[bflag:$0x2] =	sbarrier.arrive $0xFFFF  }
0xf4: {  	p0 =	sne.s32 s0, $0x0;
	s0 =	rddreg [dreg:$0x2]  }
0xf5: {  	s0 =	sadd.s32 @!p0 $0x100000, s0  }
0xf6: {  	[sflag:s0] =	ssyncadd.tile.s32 @!p0 $0x1;
	_ =	shalt  }
.Lfunc_end2:
_tile_overlayer_lowered:
.L_overlay_start_2:
0xf7: {  	(tag) =	ssettag $0x2  }
0xf8: {  	s0 =	rddreg [dreg:$0x0];
	s2 =	stileid.u32  }
0xf9: {  	s1 =	rddreg [dreg:$0x1];
	p0 =	sne.s32 s2, $0x0  }
0xfa: {  	s3 =	rddreg [dreg:$0x2];
	[bflag:$0x3] =	sbarrier.arrive $0xFFFF;
	s2 =	simm.s32 @!p0 $0x1C05  }
0xfb: {  	[timem:s3], [sflag:s2] =	dma.local @!p0 [hbm:s0], s1  }
0xfc: {  	s0 =	simm.s32 @!p0 $0x5  }
0xfd: {  	_ =	swait.ge @!p0 [sflag:s0], s1  }
0xfe: {  	s1 =	ssub.s32 @!p0 $0x0, s1;
	[sflag:s0] =	ssyncset.done @!p0 $0x0  }
0xff: {  	[sflag:s0] =	ssyncadd.s32 @!p0 s1  }
0x100: {  	[bflag:$0x3] =	sbarrier.arrive $0xFFFF  }
0x101: {  	_ =	shalt  }

</sc_bundles>
